<compile_context>
chip_gen: v7x
topology: tpu7x:2x2x1
jax: 0.10.2.dev20260603
libtpu: 0.0.44.dev20260713+nightly
codegen_flags: <defaults>
</compile_context>

<pallas_src>
import jax
import jax.numpy as jnp
from jax import lax
from jax.experimental import pallas as pl
from jax.experimental.pallas import tpu as pltpu
from jax.experimental.pallas import tpu_sc as plsc

_EPS = 1e-12
_K = 128
_NW = 32


def _l2n(t):
    return t / (jnp.sqrt(jnp.sum(t * t)) + _EPS)


def _sigma(w):
    n_in = w.shape[0]
    u0 = jnp.full((1, n_in), 1.0, jnp.float32) / (
        jnp.sqrt(jnp.float32(n_in)) + _EPS)
    v = _l2n(jnp.dot(u0, w, preferred_element_type=jnp.float32))
    u1 = _l2n(lax.dot_general(v, w, (((1,), (1,)), ((), ())),
                              preferred_element_type=jnp.float32))
    return jnp.sum(jnp.dot(u1, w, preferred_element_type=jnp.float32) * v)



def _tc1_body(n):
    def body(x_ref, w_ref, degp_ref, y_ref, dinv_ref):
        deg = degp_ref[0, 0:n, 0:1] + degp_ref[1, 0:n, 0:1] + 1.0
        dinv = jnp.where(deg > 0, 1.0 / jnp.sqrt(deg), 0.0)
        w = w_ref[...]
        sig = _sigma(w)
        xw = jnp.dot(x_ref[...], w, preferred_element_type=jnp.float32)
        y_ref[...] = (dinv / sig) * xw
        dinv_ref[...] = dinv
    return body


def _tc2_body(n):
    def body(sp_ref, y_ref, dinv_ref, b_ref, w_ref, h_ref, y2_ref):
        dinv = dinv_ref[...]
        ssum = sp_ref[0, 0:n, :] + sp_ref[1, 0:n, :]
        h = jnp.maximum(dinv * (ssum + y_ref[...]) + b_ref[...], 0.0)
        w = w_ref[...]
        sig = _sigma(w)
        y2_ref[...] = (dinv / sig) * jnp.dot(
            h, w, preferred_element_type=jnp.float32)
        h_ref[...] = h
    return body


def _tc3_body(n):
    def body(sp_ref, y2_ref, h1_ref, dinv_ref, b_ref, out_ref):
        dinv = dinv_ref[...]
        ssum = sp_ref[0, 0:n, :] + sp_ref[1, 0:n, :]
        h2 = jnp.maximum(dinv * (ssum + y2_ref[...]) + b_ref[...], 0.0)
        out_ref[...] = jnp.maximum(h1_ref[...], h2)
    return body



def _make_deg(e_pad, n_pad):
    ept = e_pad // _NW
    nck = ept // _K
    rpt = n_pad // 16
    ncopy = rpt // _K

    def body(col_hbm, out_hbm, acc, col_buf, ones_v, zbuf):
        c = lax.axis_index("c")
        s = lax.axis_index("s")
        wid = s * 2 + c
        zero16 = jnp.zeros((16,), jnp.float32)
        one16 = jnp.ones((16,), jnp.float32)

        def zfill(i, _):
            for j in range(8):
                zbuf[i, pl.ds(j * 16, 16)] = zero16
                ones_v[i, pl.ds(j * 16, 16)] = one16
            return 0
        lax.fori_loop(0, _K, zfill, 0)
        for t in range(ncopy):
            pltpu.sync_copy(zbuf, acc.at[pl.ds(s * rpt + t * _K, _K)])
        pltpu.sync_copy(col_hbm.at[pl.ds(wid * nck, nck)], col_buf)
        plsc.subcore_barrier()

        def step(g, _):
            pltpu.sync_copy(ones_v, acc.at[col_buf.at[g]], add=True)
            return 0
        lax.fori_loop(0, nck, step, 0)

        plsc.subcore_barrier()
        for t in range(ncopy):
            off = s * rpt + t * _K
            pltpu.sync_copy(acc.at[pl.ds(off, _K)],
                            out_hbm.at[c, pl.ds(off, _K)])

    return pl.kernel(
        body,
        mesh=plsc.VectorSubcoreMesh(core_axis_name="c", subcore_axis_name="s"),
        out_type=jax.ShapeDtypeStruct((2, n_pad, 128), jnp.float32),
        scratch_types=[
            pltpu.VMEM_SHARED((n_pad, 128), jnp.float32),
            pltpu.VMEM((nck, _K), jnp.int32),
            pltpu.VMEM((_K, 128), jnp.float32),
            pltpu.VMEM((_K, 128), jnp.float32),
        ],
    )


def _make_edge(e_pad, n_pad):
    nck_tot = e_pad // _K
    nph0, nph1 = 4, 1
    phc = nck_tot // (16 * (nph0 + nph1))
    ppair = phc // 2
    rpt = n_pad // 16
    ncopy = rpt // _K

    def body(y_hbm, row_hbm, col_hbm, out_hbm,
             acc, row_buf, col_buf, rows_a, rows_b, sem_a, sem_b):
        c = lax.axis_index("c")
        s = lax.axis_index("s")
        zero16 = jnp.zeros((16,), jnp.float32)

        def zfill(i, _):
            for j in range(8):
                rows_a[i, pl.ds(j * 16, 16)] = zero16
            return 0
        lax.fori_loop(0, _K, zfill, 0)
        for t in range(ncopy):
            pltpu.sync_copy(rows_a, acc.at[pl.ds(s * rpt + t * _K, _K)])
        plsc.subcore_barrier()

        base_ph = jnp.where(c == 0, s * nph0, 16 * nph0 + s * nph1)

        def load_idx(p):
            pbase = (base_ph + p) * phc
            pltpu.sync_copy(row_hbm.at[pl.ds(pbase, phc)], row_buf)
            pltpu.sync_copy(col_hbm.at[pl.ds(pbase, phc)], col_buf)

        def run_phase(p, _):
            load_idx(p)
            pltpu.async_copy(y_hbm.at[row_buf.at[0]], rows_a, sem_a)

            def pair(i, _):
                ga = 2 * i
                gb = ga + 1
                pltpu.make_async_copy(
                    y_hbm.at[row_buf.at[ga]], rows_a, sem_a).wait()
                pltpu.async_copy(y_hbm.at[row_buf.at[gb]], rows_b, sem_b)
                pltpu.sync_copy(rows_a, acc.at[col_buf.at[ga]], add=True)
                pltpu.make_async_copy(
                    y_hbm.at[row_buf.at[gb]], rows_b, sem_b).wait()

                @pl.when(i < ppair - 1)
                def _():
                    pltpu.async_copy(
                        y_hbm.at[row_buf.at[ga + 2]], rows_a, sem_a)

                pltpu.sync_copy(rows_b, acc.at[col_buf.at[gb]], add=True)
                return 0
            lax.fori_loop(0, ppair, pair, 0)
            return 0

        def run_phase_serial(p, _):
            load_idx(p)

            def step(g, _):
                pltpu.async_copy(
                    y_hbm.at[row_buf.at[g]], rows_a, sem_a).wait()
                pltpu.sync_copy(rows_a, acc.at[col_buf.at[g]], add=True)
                return 0
            lax.fori_loop(0, phc, step, 0)
            return 0

        @pl.when(c == 0)
        def _():
            lax.fori_loop(0, nph0, run_phase, 0)

        @pl.when(c == 1)
        def _():
            lax.fori_loop(0, nph1, run_phase_serial, 0)

        plsc.subcore_barrier()
        for t in range(ncopy):
            off = s * rpt + t * _K
            pltpu.sync_copy(acc.at[pl.ds(off, _K)],
                            out_hbm.at[c, pl.ds(off, _K)])

    return pl.kernel(
        body,
        mesh=plsc.VectorSubcoreMesh(core_axis_name="c", subcore_axis_name="s"),
        out_type=jax.ShapeDtypeStruct((2, n_pad, 128), jnp.float32),
        scratch_types=[
            pltpu.VMEM_SHARED((n_pad, 128), jnp.float32),
            pltpu.VMEM((phc, _K), jnp.int32),
            pltpu.VMEM((phc, _K), jnp.int32),
            pltpu.VMEM((_K, 128), jnp.float32),
            pltpu.VMEM((_K, 128), jnp.float32),
            pltpu.SemaphoreType.DMA,
            pltpu.SemaphoreType.DMA,
        ],
    )


def kernel(x, edge_index, W1, b1, W2, b2):
    n, d = x.shape
    e = edge_index.shape[1]
    h = W1.shape[1]

    chunk_all = _NW * _K * 2
    e_pad = ((e + chunk_all - 1) // chunk_all) * chunk_all
    n_pad = ((n + 1 + 2047) // 2048) * 2048

    row = edge_index[0]
    col = edge_index[1]
    pad = e_pad - e
    row_p = jnp.concatenate([row, jnp.zeros((pad,), row.dtype)])
    col_p = jnp.concatenate([col, jnp.full((pad,), n, col.dtype)])
    row_p = row_p.reshape(e_pad // _K, _K)
    col_p = col_p.reshape(e_pad // _K, _K)

    degp = _make_deg(e_pad, n_pad)(col_p)

    y1, dinv = pl.pallas_call(
        _tc1_body(n),
        out_shape=[jax.ShapeDtypeStruct((n, h), jnp.float32),
                   jax.ShapeDtypeStruct((n, 1), jnp.float32)],
    )(x, W1, degp)

    edge_pass = _make_edge(e_pad, n_pad)
    s1p = edge_pass(y1, row_p, col_p)

    h1, y2 = pl.pallas_call(
        _tc2_body(n),
        out_shape=[jax.ShapeDtypeStruct((n, h), jnp.float32),
                   jax.ShapeDtypeStruct((n, h), jnp.float32)],
    )(s1p, y1, dinv, b1.reshape(1, -1), W2)

    s2p = edge_pass(y2, row_p, col_p)

    out = pl.pallas_call(
        _tc3_body(n),
        out_shape=jax.ShapeDtypeStruct((n, h), jnp.float32),
    )(s2p, y2, h1, dinv, b2.reshape(1, -1))
    return out

# --- scband reference (transcript-rebuilt; emitter-appended) ---
"""Pipeline reference for scband-jk-5385888989903 (READ-ONLY COPY).

The authoritative reference and input builder live on the scoring server;
editing this copy changes nothing except your own understanding.
"""

import jax, jax.numpy as jnp
import numpy as np

N = 10000
E = 320000
D = 128
H = 128


def setup_inputs(seed: int = 0) -> dict:
    key = jax.random.key(seed)
    ks = jax.random.split(key, 6)
    x = jax.random.normal(ks[0], (N, D), dtype=jnp.float32)
    edge_index = jax.random.randint(ks[1], (2, E), 0, N, dtype=jnp.int32)
    # GCNConv weights: weight [in, out], bias [out] (older PyG GCNConv layout, x @ W)
    W1 = jax.random.normal(ks[2], (D, H), dtype=jnp.float32) * (1.0 / np.sqrt(D))
    b1 = jnp.zeros((H,), dtype=jnp.float32)
    W2 = jax.random.normal(ks[3], (H, H), dtype=jnp.float32) * (1.0 / np.sqrt(H))
    b2 = jnp.zeros((H,), dtype=jnp.float32)
    return {"x": x, "edge_index": edge_index, "W1": W1, "b1": b1, "W2": W2, "b2": b2}


def _l2norm(v, eps=1e-12):
    return v / (jnp.linalg.norm(v) + eps)


def _spectral_norm(W, n_iter=1):
    # torch.nn.utils.spectral_norm with dim=0: power iteration on W (in, out)
    # u, v are buffers (no grad); sigma = u^T W v is differentiable w.r.t. W.
    Wd = jax.lax.stop_gradient(W)
    u = _l2norm(jnp.ones((W.shape[0],), W.dtype))
    v = _l2norm(Wd.T @ u)
    for _ in range(n_iter):
        v = _l2norm(Wd.T @ u)
        u = _l2norm(Wd @ v)
    u = jax.lax.stop_gradient(u)
    v = jax.lax.stop_gradient(v)
    sigma = u @ W @ v
    return W / sigma


def _gcn_conv(x, edge_index, W, b):
    Wn = _spectral_norm(W)
    row, col = edge_index[0], edge_index[1]
    n = x.shape[0]
    loop = jnp.arange(n, dtype=row.dtype)
    row = jnp.concatenate([row, loop])
    col = jnp.concatenate([col, loop])
    ew = jnp.ones(row.shape, x.dtype)
    deg = jnp.zeros((n,), x.dtype).at[col].add(ew)
    dinv = jnp.where(deg > 0, 1.0 / jnp.sqrt(deg), 0.0)
    norm = dinv[row] * dinv[col]
    xw = x @ Wn
    msg = norm[:, None] * jnp.take(xw, row, axis=0)
    out = jnp.zeros((n, Wn.shape[1]), x.dtype).at[col].add(msg)
    return out + b


def reference(x, edge_index, W1, b1, W2, b2):
    xs = []
    h = jax.nn.relu(_gcn_conv(x, edge_index, W1, b1))
    xs.append(h)
    h = jax.nn.relu(_gcn_conv(h, edge_index, W2, b2))
    xs.append(h)
    # JumpingKnowledge(mode='max'): elementwise max over layer outputs
    return jnp.max(jnp.stack(xs, axis=0), axis=0)

if __name__ == "__main__":
    import jax
    _d = setup_inputs()
    print(jax.jit(kernel)(*tuple(_d.values())))

</pallas_src>

<mosaic_0001>
#map = affine_map<(d0, d1) -> (0, 0)>
#map1 = affine_map<(d0, d1) -> (0, 0, 0)>
module attributes {stable_mosaic.version = 14 : i64} {
  func.func @body(%arg0: i32, %arg1: i32, %arg2: memref<10000x128xf32, #tpu.memory_space<hbm>>, %arg3: memref<2560x128xi32, #tpu.memory_space<hbm>>, %arg4: memref<2560x128xi32, #tpu.memory_space<hbm>>, %arg5: memref<2x10240x128xf32, #tpu.memory_space<hbm>>, %arg6: memref<10240x128xf32, #tpu.memory_space<vmem_shared>>, %arg7: memref<32x128xi32, #tpu.memory_space<vmem>>, %arg8: memref<32x128xi32, #tpu.memory_space<vmem>>, %arg9: memref<128x128xf32, #tpu.memory_space<vmem>>, %arg10: memref<128x128xf32, #tpu.memory_space<vmem>>, %arg11: memref<!tpu.dma_semaphore, #tpu.memory_space<semaphore_mem>>, %arg12: memref<!tpu.dma_semaphore, #tpu.memory_space<semaphore_mem>>) attributes {dimension_semantics = [#tpu.dimension_semantics<core_parallel>, #tpu.dimension_semantics<subcore_parallel>], iteration_bounds = array<i64: 2, 16>, scalar_prefetch = 0 : i64, scratch_operands = 7 : i64, tpu.core_type = #tpu.core_type<sc_vector_subcore>, window_params = [{transform_indices = #map}, {transform_indices = #map}, {transform_indices = #map}, {transform_indices = #map1}]} {
    %broadcast_in_dim3A = arith.constant 0.000000e+00 : f32
    %broadcast_in_dim3A_0 = vector.broadcast %broadcast_in_dim3A : f32 to vector<16xf32>
    %scan3A = arith.constant 0 : i32
    %scan3A_1 = arith.constant 0 : i32
    %scan3A_2 = arith.constant 128 : i32
    %scan3A_3 = arith.addi %scan3A_1, %scan3A_2 : i32
    %scan3A_4 = arith.constant 1 : i32
    %scan3A_5 = scf.for %scan3A_61 = %scan3A_1 to %scan3A_3 step %scan3A_4 iter_args(%scan3A_62 = %scan3A) -> (i32)  : i32 {
      %swap3A = arith.index_cast %scan3A_61 : i32 to index
      %swap3A_63 = arith.constant 0 : index
      %swap3A_64 = tpu.vector_load %arg9[%swap3A, %swap3A_63] {strides = array<i32>} : memref<128x128xf32, #tpu.memory_space<vmem>>, vector<1x16xf32>,
      %swap3A_65 = vector.shape_cast %swap3A_64 : vector<1x16xf32> to vector<16xf32>
      %swap3A_66 = vector.shape_cast %broadcast_in_dim3A_0 : vector<16xf32> to vector<1x16xf32>
      tpu.vector_store %arg9[%swap3A, %swap3A_63], %swap3A_66 {strides = array<i32>} : memref<128x128xf32, #tpu.memory_space<vmem>>, vector<1x16xf32>,
      %swap3A_67 = arith.index_cast %scan3A_61 : i32 to index
      %swap3A_68 = arith.constant 16 : index
      %swap3A_69 = tpu.vector_load %arg9[%swap3A_67, %swap3A_68] {strides = array<i32>} : memref<128x128xf32, #tpu.memory_space<vmem>>, vector<1x16xf32>,
      %swap3A_70 = vector.shape_cast %swap3A_69 : vector<1x16xf32> to vector<16xf32>
      %swap3A_71 = vector.shape_cast %broadcast_in_dim3A_0 : vector<16xf32> to vector<1x16xf32>
      tpu.vector_store %arg9[%swap3A_67, %swap3A_68], %swap3A_71 {strides = array<i32>} : memref<128x128xf32, #tpu.memory_space<vmem>>, vector<1x16xf32>,
      %swap3A_72 = arith.index_cast %scan3A_61 : i32 to index
      %swap3A_73 = arith.constant 32 : index
      %swap3A_74 = tpu.vector_load %arg9[%swap3A_72, %swap3A_73] {strides = array<i32>} : memref<128x128xf32, #tpu.memory_space<vmem>>, vector<1x16xf32>,
      %swap3A_75 = vector.shape_cast %swap3A_74 : vector<1x16xf32> to vector<16xf32>
      %swap3A_76 = vector.shape_cast %broadcast_in_dim3A_0 : vector<16xf32> to vector<1x16xf32>
      tpu.vector_store %arg9[%swap3A_72, %swap3A_73], %swap3A_76 {strides = array<i32>} : memref<128x128xf32, #tpu.memory_space<vmem>>, vector<1x16xf32>,
      %swap3A_77 = arith.index_cast %scan3A_61 : i32 to index
      %swap3A_78 = arith.constant 48 : index
      %swap3A_79 = tpu.vector_load %arg9[%swap3A_77, %swap3A_78] {strides = array<i32>} : memref<128x128xf32, #tpu.memory_space<vmem>>, vector<1x16xf32>,
      %swap3A_80 = vector.shape_cast %swap3A_79 : vector<1x16xf32> to vector<16xf32>
      %swap3A_81 = vector.shape_cast %broadcast_in_dim3A_0 : vector<16xf32> to vector<1x16xf32>
      tpu.vector_store %arg9[%swap3A_77, %swap3A_78], %swap3A_81 {strides = array<i32>} : memref<128x128xf32, #tpu.memory_space<vmem>>, vector<1x16xf32>,
      %swap3A_82 = arith.index_cast %scan3A_61 : i32 to index
      %swap3A_83 = arith.constant 64 : index
      %swap3A_84 = tpu.vector_load %arg9[%swap3A_82, %swap3A_83] {strides = array<i32>} : memref<128x128xf32, #tpu.memory_space<vmem>>, vector<1x16xf32>,
      %swap3A_85 = vector.shape_cast %swap3A_84 : vector<1x16xf32> to vector<16xf32>
      %swap3A_86 = vector.shape_cast %broadcast_in_dim3A_0 : vector<16xf32> to vector<1x16xf32>
      tpu.vector_store %arg9[%swap3A_82, %swap3A_83], %swap3A_86 {strides = array<i32>} : memref<128x128xf32, #tpu.memory_space<vmem>>, vector<1x16xf32>,
      %swap3A_87 = arith.index_cast %scan3A_61 : i32 to index
      %swap3A_88 = arith.constant 80 : index
      %swap3A_89 = tpu.vector_load %arg9[%swap3A_87, %swap3A_88] {strides = array<i32>} : memref<128x128xf32, #tpu.memory_space<vmem>>, vector<1x16xf32>,
      %swap3A_90 = vector.shape_cast %swap3A_89 : vector<1x16xf32> to vector<16xf32>
      %swap3A_91 = vector.shape_cast %broadcast_in_dim3A_0 : vector<16xf32> to vector<1x16xf32>
      tpu.vector_store %arg9[%swap3A_87, %swap3A_88], %swap3A_91 {strides = array<i32>} : memref<128x128xf32, #tpu.memory_space<vmem>>, vector<1x16xf32>,
      %swap3A_92 = arith.index_cast %scan3A_61 : i32 to index
      %swap3A_93 = arith.constant 96 : index
      %swap3A_94 = tpu.vector_load %arg9[%swap3A_92, %swap3A_93] {strides = array<i32>} : memref<128x128xf32, #tpu.memory_space<vmem>>, vector<1x16xf32>,
      %swap3A_95 = vector.shape_cast %swap3A_94 : vector<1x16xf32> to vector<16xf32>
      %swap3A_96 = vector.shape_cast %broadcast_in_dim3A_0 : vector<16xf32> to vector<1x16xf32>
      tpu.vector_store %arg9[%swap3A_92, %swap3A_93], %swap3A_96 {strides = array<i32>} : memref<128x128xf32, #tpu.memory_space<vmem>>, vector<1x16xf32>,
      %swap3A_97 = arith.index_cast %scan3A_61 : i32 to index
      %swap3A_98 = arith.constant 112 : index
      %swap3A_99 = tpu.vector_load %arg9[%swap3A_97, %swap3A_98] {strides = array<i32>} : memref<128x128xf32, #tpu.memory_space<vmem>>, vector<1x16xf32>,
      %swap3A_100 = vector.shape_cast %swap3A_99 : vector<1x16xf32> to vector<16xf32>
      %swap3A_101 = vector.shape_cast %broadcast_in_dim3A_0 : vector<16xf32> to vector<1x16xf32>
      tpu.vector_store %arg9[%swap3A_97, %swap3A_98], %swap3A_101 {strides = array<i32>} : memref<128x128xf32, #tpu.memory_space<vmem>>, vector<1x16xf32>,
      %scan3A_102 = arith.constant 0 : i32
      scf.yield %scan3A_102 : i32
    }
    %scan3A_6 = arith.constant 128 : i32
    %mul3A = arith.constant 640 : i32
    %mul3A_7 = arith.muli %arg1, %mul3A : i32
    %add3A = arith.constant 0 : i32
    %add3A_8 = arith.addi %mul3A_7, %add3A : i32
    "tpu.region"() ({
      %run_scoped3A = tpu.sem_alloc : memref<!tpu.dma_semaphore, #tpu.memory_space<semaphore_mem>>
      %dma_start3A = arith.constant 0 : i32
      %dma_start3A_61 = tpu.memref_slice %arg6[%add3A_8, %dma_start3A] : memref<10240x128xf32, #tpu.memory_space<vmem_shared>> -> memref<128x128xf32, #tpu.memory_space<vmem_shared>>
      %dma_start3A_62 = arith.constant 0 : i32
      %dma_start3A_63 = tpu.memref_slice %arg6[%add3A_8, %dma_start3A_62] : memref<10240x128xf32, #tpu.memory_space<vmem_shared>> -> memref<128x128xf32, #tpu.memory_space<vmem_shared>>
      tpu.enqueue_dma source(%arg9 : memref<128x128xf32, #tpu.memory_space<vmem>>) target(%dma_start3A_63 : memref<128x128xf32, #tpu.memory_space<vmem_shared>>) target_semaphore(%run_scoped3A : memref<!tpu.dma_semaphore, #tpu.memory_space<semaphore_mem>>)
      %dma_wait3A = arith.constant 0 : i32
      %dma_wait3A_64 = tpu.memref_slice %arg6[%add3A_8, %dma_wait3A] : memref<10240x128xf32, #tpu.memory_space<vmem_shared>> -> memref<128x128xf32, #tpu.memory_space<vmem_shared>>
      %dma_wait3A_65 = arith.constant 0 : i32
      %dma_wait3A_66 = tpu.memref_slice %arg6[%add3A_8, %dma_wait3A_65] : memref<10240x128xf32, #tpu.memory_space<vmem_shared>> -> memref<128x128xf32, #tpu.memory_space<vmem_shared>>
      tpu.wait_dma2 semaphore(%run_scoped3A : memref<!tpu.dma_semaphore, #tpu.memory_space<semaphore_mem>>) src(%arg9 : memref<128x128xf32, #tpu.memory_space<vmem>>) dst(%dma_wait3A_66 : memref<128x128xf32, #tpu.memory_space<vmem_shared>>)
      tpu.yield
    }) : () -> ()
    %mul3A_9 = arith.constant 640 : i32
    %mul3A_10 = arith.muli %arg1, %mul3A_9 : i32
    %add3A_11 = arith.constant 128 : i32
    %add3A_12 = arith.addi %mul3A_10, %add3A_11 : i32
    "tpu.region"() ({
      %run_scoped3A = tpu.sem_alloc : memref<!tpu.dma_semaphore, #tpu.memory_space<semaphore_mem>>
      %dma_start3A = arith.constant 0 : i32
      %dma_start3A_61 = tpu.memref_slice %arg6[%add3A_12, %dma_start3A] : memref<10240x128xf32, #tpu.memory_space<vmem_shared>> -> memref<128x128xf32, #tpu.memory_space<vmem_shared>>
      %dma_start3A_62 = arith.constant 0 : i32
      %dma_start3A_63 = tpu.memref_slice %arg6[%add3A_12, %dma_start3A_62] : memref<10240x128xf32, #tpu.memory_space<vmem_shared>> -> memref<128x128xf32, #tpu.memory_space<vmem_shared>>
      tpu.enqueue_dma source(%arg9 : memref<128x128xf32, #tpu.memory_space<vmem>>) target(%dma_start3A_63 : memref<128x128xf32, #tpu.memory_space<vmem_shared>>) target_semaphore(%run_scoped3A : memref<!tpu.dma_semaphore, #tpu.memory_space<semaphore_mem>>)
      %dma_wait3A = arith.constant 0 : i32
      %dma_wait3A_64 = tpu.memref_slice %arg6[%add3A_12, %dma_wait3A] : memref<10240x128xf32, #tpu.memory_space<vmem_shared>> -> memref<128x128xf32, #tpu.memory_space<vmem_shared>>
      %dma_wait3A_65 = arith.constant 0 : i32
      %dma_wait3A_66 = tpu.memref_slice %arg6[%add3A_12, %dma_wait3A_65] : memref<10240x128xf32, #tpu.memory_space<vmem_shared>> -> memref<128x128xf32, #tpu.memory_space<vmem_shared>>
      tpu.wait_dma2 semaphore(%run_scoped3A : memref<!tpu.dma_semaphore, #tpu.memory_space<semaphore_mem>>) src(%arg9 : memref<128x128xf32, #tpu.memory_space<vmem>>) dst(%dma_wait3A_66 : memref<128x128xf32, #tpu.memory_space<vmem_shared>>)
      tpu.yield
    }) : () -> ()
    %mul3A_13 = arith.constant 640 : i32
    %mul3A_14 = arith.muli %arg1, %mul3A_13 : i32
    %add3A_15 = arith.constant 256 : i32
    %add3A_16 = arith.addi %mul3A_14, %add3A_15 : i32
    "tpu.region"() ({
      %run_scoped3A = tpu.sem_alloc : memref<!tpu.dma_semaphore, #tpu.memory_space<semaphore_mem>>
      %dma_start3A = arith.constant 0 : i32
      %dma_start3A_61 = tpu.memref_slice %arg6[%add3A_16, %dma_start3A] : memref<10240x128xf32, #tpu.memory_space<vmem_shared>> -> memref<128x128xf32, #tpu.memory_space<vmem_shared>>
      %dma_start3A_62 = arith.constant 0 : i32
      %dma_start3A_63 = tpu.memref_slice %arg6[%add3A_16, %dma_start3A_62] : memref<10240x128xf32, #tpu.memory_space<vmem_shared>> -> memref<128x128xf32, #tpu.memory_space<vmem_shared>>
      tpu.enqueue_dma source(%arg9 : memref<128x128xf32, #tpu.memory_space<vmem>>) target(%dma_start3A_63 : memref<128x128xf32, #tpu.memory_space<vmem_shared>>) target_semaphore(%run_scoped3A : memref<!tpu.dma_semaphore, #tpu.memory_space<semaphore_mem>>)
      %dma_wait3A = arith.constant 0 : i32
      %dma_wait3A_64 = tpu.memref_slice %arg6[%add3A_16, %dma_wait3A] : memref<10240x128xf32, #tpu.memory_space<vmem_shared>> -> memref<128x128xf32, #tpu.memory_space<vmem_shared>>
      %dma_wait3A_65 = arith.constant 0 : i32
      %dma_wait3A_66 = tpu.memref_slice %arg6[%add3A_16, %dma_wait3A_65] : memref<10240x128xf32, #tpu.memory_space<vmem_shared>> -> memref<128x128xf32, #tpu.memory_space<vmem_shared>>
      tpu.wait_dma2 semaphore(%run_scoped3A : memref<!tpu.dma_semaphore, #tpu.memory_space<semaphore_mem>>) src(%arg9 : memref<128x128xf32, #tpu.memory_space<vmem>>) dst(%dma_wait3A_66 : memref<128x128xf32, #tpu.memory_space<vmem_shared>>)
      tpu.yield
    }) : () -> ()
    %mul3A_17 = arith.constant 640 : i32
    %mul3A_18 = arith.muli %arg1, %mul3A_17 : i32
    %add3A_19 = arith.constant 384 : i32
    %add3A_20 = arith.addi %mul3A_18, %add3A_19 : i32
    "tpu.region"() ({
      %run_scoped3A = tpu.sem_alloc : memref<!tpu.dma_semaphore, #tpu.memory_space<semaphore_mem>>
      %dma_start3A = arith.constant 0 : i32
      %dma_start3A_61 = tpu.memref_slice %arg6[%add3A_20, %dma_start3A] : memref<10240x128xf32, #tpu.memory_space<vmem_shared>> -> memref<128x128xf32, #tpu.memory_space<vmem_shared>>
      %dma_start3A_62 = arith.constant 0 : i32
      %dma_start3A_63 = tpu.memref_slice %arg6[%add3A_20, %dma_start3A_62] : memref<10240x128xf32, #tpu.memory_space<vmem_shared>> -> memref<128x128xf32, #tpu.memory_space<vmem_shared>>
      tpu.enqueue_dma source(%arg9 : memref<128x128xf32, #tpu.memory_space<vmem>>) target(%dma_start3A_63 : memref<128x128xf32, #tpu.memory_space<vmem_shared>>) target_semaphore(%run_scoped3A : memref<!tpu.dma_semaphore, #tpu.memory_space<semaphore_mem>>)
      %dma_wait3A = arith.constant 0 : i32
      %dma_wait3A_64 = tpu.memref_slice %arg6[%add3A_20, %dma_wait3A] : memref<10240x128xf32, #tpu.memory_space<vmem_shared>> -> memref<128x128xf32, #tpu.memory_space<vmem_shared>>
      %dma_wait3A_65 = arith.constant 0 : i32
      %dma_wait3A_66 = tpu.memref_slice %arg6[%add3A_20, %dma_wait3A_65] : memref<10240x128xf32, #tpu.memory_space<vmem_shared>> -> memref<128x128xf32, #tpu.memory_space<vmem_shared>>
      tpu.wait_dma2 semaphore(%run_scoped3A : memref<!tpu.dma_semaphore, #tpu.memory_space<semaphore_mem>>) src(%arg9 : memref<128x128xf32, #tpu.memory_space<vmem>>) dst(%dma_wait3A_66 : memref<128x128xf32, #tpu.memory_space<vmem_shared>>)
      tpu.yield
    }) : () -> ()
    %mul3A_21 = arith.constant 640 : i32
    %mul3A_22 = arith.muli %arg1, %mul3A_21 : i32
    %add3A_23 = arith.constant 512 : i32
    %add3A_24 = arith.addi %mul3A_22, %add3A_23 : i32
    "tpu.region"() ({
      %run_scoped3A = tpu.sem_alloc : memref<!tpu.dma_semaphore, #tpu.memory_space<semaphore_mem>>
      %dma_start3A = arith.constant 0 : i32
      %dma_start3A_61 = tpu.memref_slice %arg6[%add3A_24, %dma_start3A] : memref<10240x128xf32, #tpu.memory_space<vmem_shared>> -> memref<128x128xf32, #tpu.memory_space<vmem_shared>>
      %dma_start3A_62 = arith.constant 0 : i32
      %dma_start3A_63 = tpu.memref_slice %arg6[%add3A_24, %dma_start3A_62] : memref<10240x128xf32, #tpu.memory_space<vmem_shared>> -> memref<128x128xf32, #tpu.memory_space<vmem_shared>>
      tpu.enqueue_dma source(%arg9 : memref<128x128xf32, #tpu.memory_space<vmem>>) target(%dma_start3A_63 : memref<128x128xf32, #tpu.memory_space<vmem_shared>>) target_semaphore(%run_scoped3A : memref<!tpu.dma_semaphore, #tpu.memory_space<semaphore_mem>>)
      %dma_wait3A = arith.constant 0 : i32
      %dma_wait3A_64 = tpu.memref_slice %arg6[%add3A_24, %dma_wait3A] : memref<10240x128xf32, #tpu.memory_space<vmem_shared>> -> memref<128x128xf32, #tpu.memory_space<vmem_shared>>
      %dma_wait3A_65 = arith.constant 0 : i32
      %dma_wait3A_66 = tpu.memref_slice %arg6[%add3A_24, %dma_wait3A_65] : memref<10240x128xf32, #tpu.memory_space<vmem_shared>> -> memref<128x128xf32, #tpu.memory_space<vmem_shared>>
      tpu.wait_dma2 semaphore(%run_scoped3A : memref<!tpu.dma_semaphore, #tpu.memory_space<semaphore_mem>>) src(%arg9 : memref<128x128xf32, #tpu.memory_space<vmem>>) dst(%dma_wait3A_66 : memref<128x128xf32, #tpu.memory_space<vmem_shared>>)
      tpu.yield
    }) : () -> ()
    %barrier3A = arith.constant 0 : index
    tpu.barrier barrier_id(%barrier3A)
    %eq3A = arith.constant 0 : i32
    %eq3A_25 = arith.cmpi eq, %arg0, %eq3A : i32
    %mul3A_26 = arith.constant 4 : i32
    %mul3A_27 = arith.muli %arg1, %mul3A_26 : i32
    %mul3A_28 = arith.constant 1 : i32
    %mul3A_29 = arith.muli %arg1, %mul3A_28 : i32
    %add3A_30 = arith.constant 64 : i32
    %add3A_31 = arith.addi %add3A_30, %mul3A_29 : i32
    %select_n3A = arith.select %eq3A_25, %mul3A_27, %add3A_31 : i32
    %eq3A_32 = arith.constant 0 : i32
    %eq3A_33 = arith.cmpi eq, %arg0, %eq3A_32 : i32
    %convert_element_type3A = arith.extui %eq3A_33 : i1 to i32
    %cond3A = arith.constant 0 : i32
    %cond3A_34 = arith.cmpi ne, %convert_element_type3A, %cond3A : i32
    scf.if %cond3A_34 {
      %scan3A_61 = arith.constant 0 : i32
      %scan3A_62 = arith.constant 0 : i32
      %scan3A_63 = arith.constant 4 : i32
      %scan3A_64 = arith.addi %scan3A_62, %scan3A_63 : i32
      %scan3A_65 = arith.constant 1 : i32
      %scan3A_66 = scf.for %scan3A_68 = %scan3A_62 to %scan3A_64 step %scan3A_65 iter_args(%scan3A_69 = %scan3A_61) -> (i32)  : i32 {
        %add3A_70 = arith.addi %select_n3A, %scan3A_68 : i32
        %mul3A_71 = arith.constant 32 : i32
        %mul3A_72 = arith.muli %add3A_70, %mul3A_71 : i32
        "tpu.region"() ({
          %run_scoped3A = tpu.sem_alloc : memref<!tpu.dma_semaphore, #tpu.memory_space<semaphore_mem>>
          %dma_start3A_87 = arith.constant 0 : i32
          %dma_start3A_88 = tpu.memref_slice %arg3[%mul3A_72, %dma_start3A_87] : memref<2560x128xi32, #tpu.memory_space<hbm>> -> memref<32x128xi32, #tpu.memory_space<hbm>>
          %dma_start3A_89 = arith.constant 0 : i32
          %dma_start3A_90 = tpu.memref_slice %arg3[%mul3A_72, %dma_start3A_89] : memref<2560x128xi32, #tpu.memory_space<hbm>> -> memref<32x128xi32, #tpu.memory_space<hbm>>
          tpu.enqueue_dma source(%dma_start3A_90 : memref<32x128xi32, #tpu.memory_space<hbm>>) target(%arg7 : memref<32x128xi32, #tpu.memory_space<vmem>>) target_semaphore(%run_scoped3A : memref<!tpu.dma_semaphore, #tpu.memory_space<semaphore_mem>>)
          %dma_wait3A = arith.constant 0 : i32
          %dma_wait3A_91 = tpu.memref_slice %arg3[%mul3A_72, %dma_wait3A] : memref<2560x128xi32, #tpu.memory_space<hbm>> -> memref<32x128xi32, #tpu.memory_space<hbm>>
          %dma_wait3A_92 = arith.constant 0 : i32
          %dma_wait3A_93 = tpu.memref_slice %arg3[%mul3A_72, %dma_wait3A_92] : memref<2560x128xi32, #tpu.memory_space<hbm>> -> memref<32x128xi32, #tpu.memory_space<hbm>>
          tpu.wait_dma2 semaphore(%run_scoped3A : memref<!tpu.dma_semaphore, #tpu.memory_space<semaphore_mem>>) src(%dma_wait3A_93 : memref<32x128xi32, #tpu.memory_space<hbm>>) dst(%arg7 : memref<32x128xi32, #tpu.memory_space<vmem>>)
          tpu.yield
        }) : () -> ()
        "tpu.region"() ({
          %run_scoped3A = tpu.sem_alloc : memref<!tpu.dma_semaphore, #tpu.memory_space<semaphore_mem>>
          %dma_start3A_87 = arith.constant 0 : i32
          %dma_start3A_88 = tpu.memref_slice %arg4[%mul3A_72, %dma_start3A_87] : memref<2560x128xi32, #tpu.memory_space<hbm>> -> memref<32x128xi32, #tpu.memory_space<hbm>>
          %dma_start3A_89 = arith.constant 0 : i32
          %dma_start3A_90 = tpu.memref_slice %arg4[%mul3A_72, %dma_start3A_89] : memref<2560x128xi32, #tpu.memory_space<hbm>> -> memref<32x128xi32, #tpu.memory_space<hbm>>
          tpu.enqueue_dma source(%dma_start3A_90 : memref<32x128xi32, #tpu.memory_space<hbm>>) target(%arg8 : memref<32x128xi32, #tpu.memory_space<vmem>>) target_semaphore(%run_scoped3A : memref<!tpu.dma_semaphore, #tpu.memory_space<semaphore_mem>>)
          %dma_wait3A = arith.constant 0 : i32
          %dma_wait3A_91 = tpu.memref_slice %arg4[%mul3A_72, %dma_wait3A] : memref<2560x128xi32, #tpu.memory_space<hbm>> -> memref<32x128xi32, #tpu.memory_space<hbm>>
          %dma_wait3A_92 = arith.constant 0 : i32
          %dma_wait3A_93 = tpu.memref_slice %arg4[%mul3A_72, %dma_wait3A_92] : memref<2560x128xi32, #tpu.memory_space<hbm>> -> memref<32x128xi32, #tpu.memory_space<hbm>>
          tpu.wait_dma2 semaphore(%run_scoped3A : memref<!tpu.dma_semaphore, #tpu.memory_space<semaphore_mem>>) src(%dma_wait3A_93 : memref<32x128xi32, #tpu.memory_space<hbm>>) dst(%arg8 : memref<32x128xi32, #tpu.memory_space<vmem>>)
          tpu.yield
        }) : () -> ()
        %dma_start3A = arith.constant 0 : i32
        %dma_start3A_73 = arith.constant 0 : i32
        %dma_start3A_74 = tpu.memref_slice %arg7[%dma_start3A, %dma_start3A_73] : memref<32x128xi32, #tpu.memory_space<vmem>> -> memref<1x128xi32, #tpu.memory_space<vmem>>
        %dma_start3A_75 = tpu.memref_squeeze %dma_start3A_74 : memref<1x128xi32, #tpu.memory_space<vmem>> -> memref<128xi32, #tpu.memory_space<vmem>>
        %dma_start3A_76 = arith.constant 0 : i32
        %dma_start3A_77 = arith.constant 0 : i32
        %dma_start3A_78 = tpu.memref_slice %arg2[%dma_start3A_76, %dma_start3A_77] : memref<10000x128xf32, #tpu.memory_space<hbm>> -> memref<10000x128xf32, #tpu.memory_space<hbm>>
        tpu.enqueue_indirect_dma source(%dma_start3A_78 : memref<10000x128xf32, #tpu.memory_space<hbm>>) target(%arg9 : memref<128x128xf32, #tpu.memory_space<vmem>>) offsets(%dma_start3A_75 : memref<128xi32, #tpu.memory_space<vmem>>) semaphore(%arg11 : memref<!tpu.dma_semaphore, #tpu.memory_space<semaphore_mem>>)
        %scan3A_79 = arith.constant 0 : i32
        %scan3A_80 = arith.constant 0 : i32
        %scan3A_81 = arith.constant 16 : i32
        %scan3A_82 = arith.addi %scan3A_80, %scan3A_81 : i32
        %scan3A_83 = arith.constant 1 : i32
        %scan3A_84 = scf.for %scan3A_87 = %scan3A_80 to %scan3A_82 step %scan3A_83 iter_args(%scan3A_88 = %scan3A_79) -> (i32)  : i32 {
          %mul3A_89 = arith.constant 2 : i32
          %mul3A_90 = arith.muli %mul3A_89, %scan3A_87 : i32
          %add3A_91 = arith.constant 1 : i32
          %add3A_92 = arith.addi %mul3A_90, %add3A_91 : i32
          %dma_wait3A = arith.constant 0 : i32
          %dma_wait3A_93 = tpu.memref_slice %arg7[%mul3A_90, %dma_wait3A] : memref<32x128xi32, #tpu.memory_space<vmem>> -> memref<1x128xi32, #tpu.memory_space<vmem>>
          %dma_wait3A_94 = tpu.memref_squeeze %dma_wait3A_93 : memref<1x128xi32, #tpu.memory_space<vmem>> -> memref<128xi32, #tpu.memory_space<vmem>>
          %dma_wait3A_95 = arith.constant 0 : i32
          %dma_wait3A_96 = arith.constant 0 : i32
          %dma_wait3A_97 = tpu.memref_slice %arg2[%dma_wait3A_95, %dma_wait3A_96] : memref<10000x128xf32, #tpu.memory_space<hbm>> -> memref<10000x128xf32, #tpu.memory_space<hbm>>
          tpu.wait_indirect_dma semaphore(%arg11 : memref<!tpu.dma_semaphore, #tpu.memory_space<semaphore_mem>>) src(%dma_wait3A_97 : memref<10000x128xf32, #tpu.memory_space<hbm>>) dst(%arg9 : memref<128x128xf32, #tpu.memory_space<vmem>>)
          %dma_start3A_98 = arith.constant 0 : i32
          %dma_start3A_99 = tpu.memref_slice %arg7[%add3A_92, %dma_start3A_98] : memref<32x128xi32, #tpu.memory_space<vmem>> -> memref<1x128xi32, #tpu.memory_space<vmem>>
          %dma_start3A_100 = tpu.memref_squeeze %dma_start3A_99 : memref<1x128xi32, #tpu.memory_space<vmem>> -> memref<128xi32, #tpu.memory_space<vmem>>
          %dma_start3A_101 = arith.constant 0 : i32
          %dma_start3A_102 = arith.constant 0 : i32
          %dma_start3A_103 = tpu.memref_slice %arg2[%dma_start3A_101, %dma_start3A_102] : memref<10000x128xf32, #tpu.memory_space<hbm>> -> memref<10000x128xf32, #tpu.memory_space<hbm>>
          tpu.enqueue_indirect_dma source(%dma_start3A_103 : memref<10000x128xf32, #tpu.memory_space<hbm>>) target(%arg10 : memref<128x128xf32, #tpu.memory_space<vmem>>) offsets(%dma_start3A_100 : memref<128xi32, #tpu.memory_space<vmem>>) semaphore(%arg12 : memref<!tpu.dma_semaphore, #tpu.memory_space<semaphore_mem>>)
          "tpu.region"() ({
            %run_scoped3A = tpu.sem_alloc : memref<!tpu.dma_semaphore, #tpu.memory_space<semaphore_mem>>
            %dma_start3A_115 = arith.constant 0 : i32
            %dma_start3A_116 = tpu.memref_slice %arg8[%mul3A_90, %dma_start3A_115] : memref<32x128xi32, #tpu.memory_space<vmem>> -> memref<1x128xi32, #tpu.memory_space<vmem>>
            %dma_start3A_117 = tpu.memref_squeeze %dma_start3A_116 : memref<1x128xi32, #tpu.memory_space<vmem>> -> memref<128xi32, #tpu.memory_space<vmem>>
            %dma_start3A_118 = arith.constant 0 : i32
            %dma_start3A_119 = arith.constant 0 : i32
            %dma_start3A_120 = tpu.memref_slice %arg6[%dma_start3A_118, %dma_start3A_119] : memref<10240x128xf32, #tpu.memory_space<vmem_shared>> -> memref<10240x128xf32, #tpu.memory_space<vmem_shared>>
            tpu.enqueue_indirect_dma source(%arg9 : memref<128x128xf32, #tpu.memory_space<vmem>>) target(%dma_start3A_120 : memref<10240x128xf32, #tpu.memory_space<vmem_shared>>) offsets(%dma_start3A_117 : memref<128xi32, #tpu.memory_space<vmem>>) semaphore(%run_scoped3A : memref<!tpu.dma_semaphore, #tpu.memory_space<semaphore_mem>>) {add = true}
            %dma_wait3A_121 = arith.constant 0 : i32
            %dma_wait3A_122 = tpu.memref_slice %arg8[%mul3A_90, %dma_wait3A_121] : memref<32x128xi32, #tpu.memory_space<vmem>> -> memref<1x128xi32, #tpu.memory_space<vmem>>
            %dma_wait3A_123 = tpu.memref_squeeze %dma_wait3A_122 : memref<1x128xi32, #tpu.memory_space<vmem>> -> memref<128xi32, #tpu.memory_space<vmem>>
            %dma_wait3A_124 = arith.constant 0 : i32
            %dma_wait3A_125 = arith.constant 0 : i32
            %dma_wait3A_126 = tpu.memref_slice %arg6[%dma_wait3A_124, %dma_wait3A_125] : memref<10240x128xf32, #tpu.memory_space<vmem_shared>> -> memref<10240x128xf32, #tpu.memory_space<vmem_shared>>
            tpu.wait_indirect_dma semaphore(%run_scoped3A : memref<!tpu.dma_semaphore, #tpu.memory_space<semaphore_mem>>) src(%arg9 : memref<128x128xf32, #tpu.memory_space<vmem>>) dst(%dma_wait3A_126 : memref<10240x128xf32, #tpu.memory_space<vmem_shared>>)
            tpu.yield
          }) : () -> ()
          %dma_wait3A_104 = arith.constant 0 : i32
          %dma_wait3A_105 = tpu.memref_slice %arg7[%add3A_92, %dma_wait3A_104] : memref<32x128xi32, #tpu.memory_space<vmem>> -> memref<1x128xi32, #tpu.memory_space<vmem>>
          %dma_wait3A_106 = tpu.memref_squeeze %dma_wait3A_105 : memref<1x128xi32, #tpu.memory_space<vmem>> -> memref<128xi32, #tpu.memory_space<vmem>>
          %dma_wait3A_107 = arith.constant 0 : i32
          %dma_wait3A_108 = arith.constant 0 : i32
          %dma_wait3A_109 = tpu.memref_slice %arg2[%dma_wait3A_107, %dma_wait3A_108] : memref<10000x128xf32, #tpu.memory_space<hbm>> -> memref<10000x128xf32, #tpu.memory_space<hbm>>
          tpu.wait_indirect_dma semaphore(%arg12 : memref<!tpu.dma_semaphore, #tpu.memory_space<semaphore_mem>>) src(%dma_wait3A_109 : memref<10000x128xf32, #tpu.memory_space<hbm>>) dst(%arg10 : memref<128x128xf32, #tpu.memory_space<vmem>>)
          %lt3A = arith.constant 15 : i32
          %lt3A_110 = arith.cmpi slt, %scan3A_87, %lt3A : i32
          %convert_element_type3A_111 = arith.extui %lt3A_110 : i1 to i32
          %cond3A_112 = arith.constant 0 : i32
          %cond3A_113 = arith.cmpi ne, %convert_element_type3A_111, %cond3A_112 : i32
          scf.if %cond3A_113 {
            %add3A_115 = arith.constant 2 : i32
            %add3A_116 = arith.addi %mul3A_90, %add3A_115 : i32
            %dma_start3A_117 = arith.constant 0 : i32
            %dma_start3A_118 = tpu.memref_slice %arg7[%add3A_116, %dma_start3A_117] : memref<32x128xi32, #tpu.memory_space<vmem>> -> memref<1x128xi32, #tpu.memory_space<vmem>>
            %dma_start3A_119 = tpu.memref_squeeze %dma_start3A_118 : memref<1x128xi32, #tpu.memory_space<vmem>> -> memref<128xi32, #tpu.memory_space<vmem>>
            %dma_start3A_120 = arith.constant 0 : i32
            %dma_start3A_121 = arith.constant 0 : i32
            %dma_start3A_122 = tpu.memref_slice %arg2[%dma_start3A_120, %dma_start3A_121] : memref<10000x128xf32, #tpu.memory_space<hbm>> -> memref<10000x128xf32, #tpu.memory_space<hbm>>
            tpu.enqueue_indirect_dma source(%dma_start3A_122 : memref<10000x128xf32, #tpu.memory_space<hbm>>) target(%arg9 : memref<128x128xf32, #tpu.memory_space<vmem>>) offsets(%dma_start3A_119 : memref<128xi32, #tpu.memory_space<vmem>>) semaphore(%arg11 : memref<!tpu.dma_semaphore, #tpu.memory_space<semaphore_mem>>)
          } else {
          }
          "tpu.region"() ({
            %run_scoped3A = tpu.sem_alloc : memref<!tpu.dma_semaphore, #tpu.memory_space<semaphore_mem>>
            %dma_start3A_115 = arith.constant 0 : i32
            %dma_start3A_116 = tpu.memref_slice %arg8[%add3A_92, %dma_start3A_115] : memref<32x128xi32, #tpu.memory_space<vmem>> -> memref<1x128xi32, #tpu.memory_space<vmem>>
            %dma_start3A_117 = tpu.memref_squeeze %dma_start3A_116 : memref<1x128xi32, #tpu.memory_space<vmem>> -> memref<128xi32, #tpu.memory_space<vmem>>
            %dma_start3A_118 = arith.constant 0 : i32
            %dma_start3A_119 = arith.constant 0 : i32
            %dma_start3A_120 = tpu.memref_slice %arg6[%dma_start3A_118, %dma_start3A_119] : memref<10240x128xf32, #tpu.memory_space<vmem_shared>> -> memref<10240x128xf32, #tpu.memory_space<vmem_shared>>
            tpu.enqueue_indirect_dma source(%arg10 : memref<128x128xf32, #tpu.memory_space<vmem>>) target(%dma_start3A_120 : memref<10240x128xf32, #tpu.memory_space<vmem_shared>>) offsets(%dma_start3A_117 : memref<128xi32, #tpu.memory_space<vmem>>) semaphore(%run_scoped3A : memref<!tpu.dma_semaphore, #tpu.memory_space<semaphore_mem>>) {add = true}
            %dma_wait3A_121 = arith.constant 0 : i32
            %dma_wait3A_122 = tpu.memref_slice %arg8[%add3A_92, %dma_wait3A_121] : memref<32x128xi32, #tpu.memory_space<vmem>> -> memref<1x128xi32, #tpu.memory_space<vmem>>
            %dma_wait3A_123 = tpu.memref_squeeze %dma_wait3A_122 : memref<1x128xi32, #tpu.memory_space<vmem>> -> memref<128xi32, #tpu.memory_space<vmem>>
            %dma_wait3A_124 = arith.constant 0 : i32
            %dma_wait3A_125 = arith.constant 0 : i32
            %dma_wait3A_126 = tpu.memref_slice %arg6[%dma_wait3A_124, %dma_wait3A_125] : memref<10240x128xf32, #tpu.memory_space<vmem_shared>> -> memref<10240x128xf32, #tpu.memory_space<vmem_shared>>
            tpu.wait_indirect_dma semaphore(%run_scoped3A : memref<!tpu.dma_semaphore, #tpu.memory_space<semaphore_mem>>) src(%arg10 : memref<128x128xf32, #tpu.memory_space<vmem>>) dst(%dma_wait3A_126 : memref<10240x128xf32, #tpu.memory_space<vmem_shared>>)
            tpu.yield
          }) : () -> ()
          %scan3A_114 = arith.constant 0 : i32
          scf.yield %scan3A_114 : i32
        }
        %scan3A_85 = arith.constant 16 : i32
        %scan3A_86 = arith.constant 0 : i32
        scf.yield %scan3A_86 : i32
      }
      %scan3A_67 = arith.constant 4 : i32
    } else {
    }
    %eq3A_35 = arith.constant 1 : i32
    %eq3A_36 = arith.cmpi eq, %arg0, %eq3A_35 : i32
    %convert_element_type3A_37 = arith.extui %eq3A_36 : i1 to i32
    %cond3A_38 = arith.constant 0 : i32
    %cond3A_39 = arith.cmpi ne, %convert_element_type3A_37, %cond3A_38 : i32
    scf.if %cond3A_39 {
      %scan3A_61 = arith.constant 0 : i32
      %scan3A_62 = arith.constant 0 : i32
      %add3A_63 = arith.addi %select_n3A, %scan3A_62 : i32
      %mul3A_64 = arith.constant 32 : i32
      %mul3A_65 = arith.muli %add3A_63, %mul3A_64 : i32
      "tpu.region"() ({
        %run_scoped3A = tpu.sem_alloc : memref<!tpu.dma_semaphore, #tpu.memory_space<semaphore_mem>>
        %dma_start3A = arith.constant 0 : i32
        %dma_start3A_75 = tpu.memref_slice %arg3[%mul3A_65, %dma_start3A] : memref<2560x128xi32, #tpu.memory_space<hbm>> -> memref<32x128xi32, #tpu.memory_space<hbm>>
        %dma_start3A_76 = arith.constant 0 : i32
        %dma_start3A_77 = tpu.memref_slice %arg3[%mul3A_65, %dma_start3A_76] : memref<2560x128xi32, #tpu.memory_space<hbm>> -> memref<32x128xi32, #tpu.memory_space<hbm>>
        tpu.enqueue_dma source(%dma_start3A_77 : memref<32x128xi32, #tpu.memory_space<hbm>>) target(%arg7 : memref<32x128xi32, #tpu.memory_space<vmem>>) target_semaphore(%run_scoped3A : memref<!tpu.dma_semaphore, #tpu.memory_space<semaphore_mem>>)
        %dma_wait3A = arith.constant 0 : i32
        %dma_wait3A_78 = tpu.memref_slice %arg3[%mul3A_65, %dma_wait3A] : memref<2560x128xi32, #tpu.memory_space<hbm>> -> memref<32x128xi32, #tpu.memory_space<hbm>>
        %dma_wait3A_79 = arith.constant 0 : i32
        %dma_wait3A_80 = tpu.memref_slice %arg3[%mul3A_65, %dma_wait3A_79] : memref<2560x128xi32, #tpu.memory_space<hbm>> -> memref<32x128xi32, #tpu.memory_space<hbm>>
        tpu.wait_dma2 semaphore(%run_scoped3A : memref<!tpu.dma_semaphore, #tpu.memory_space<semaphore_mem>>) src(%dma_wait3A_80 : memref<32x128xi32, #tpu.memory_space<hbm>>) dst(%arg7 : memref<32x128xi32, #tpu.memory_space<vmem>>)
        tpu.yield
      }) : () -> ()
      "tpu.region"() ({
        %run_scoped3A = tpu.sem_alloc : memref<!tpu.dma_semaphore, #tpu.memory_space<semaphore_mem>>
        %dma_start3A = arith.constant 0 : i32
        %dma_start3A_75 = tpu.memref_slice %arg4[%mul3A_65, %dma_start3A] : memref<2560x128xi32, #tpu.memory_space<hbm>> -> memref<32x128xi32, #tpu.memory_space<hbm>>
        %dma_start3A_76 = arith.constant 0 : i32
        %dma_start3A_77 = tpu.memref_slice %arg4[%mul3A_65, %dma_start3A_76] : memref<2560x128xi32, #tpu.memory_space<hbm>> -> memref<32x128xi32, #tpu.memory_space<hbm>>
        tpu.enqueue_dma source(%dma_start3A_77 : memref<32x128xi32, #tpu.memory_space<hbm>>) target(%arg8 : memref<32x128xi32, #tpu.memory_space<vmem>>) target_semaphore(%run_scoped3A : memref<!tpu.dma_semaphore, #tpu.memory_space<semaphore_mem>>)
        %dma_wait3A = arith.constant 0 : i32
        %dma_wait3A_78 = tpu.memref_slice %arg4[%mul3A_65, %dma_wait3A] : memref<2560x128xi32, #tpu.memory_space<hbm>> -> memref<32x128xi32, #tpu.memory_space<hbm>>
        %dma_wait3A_79 = arith.constant 0 : i32
        %dma_wait3A_80 = tpu.memref_slice %arg4[%mul3A_65, %dma_wait3A_79] : memref<2560x128xi32, #tpu.memory_space<hbm>> -> memref<32x128xi32, #tpu.memory_space<hbm>>
        tpu.wait_dma2 semaphore(%run_scoped3A : memref<!tpu.dma_semaphore, #tpu.memory_space<semaphore_mem>>) src(%dma_wait3A_80 : memref<32x128xi32, #tpu.memory_space<hbm>>) dst(%arg8 : memref<32x128xi32, #tpu.memory_space<vmem>>)
        tpu.yield
      }) : () -> ()
      %scan3A_66 = arith.constant 0 : i32
      %scan3A_67 = arith.constant 0 : i32
      %scan3A_68 = arith.constant 32 : i32
      %scan3A_69 = arith.addi %scan3A_67, %scan3A_68 : i32
      %scan3A_70 = arith.constant 1 : i32
      %scan3A_71 = scf.for %scan3A_75 = %scan3A_67 to %scan3A_69 step %scan3A_70 iter_args(%scan3A_76 = %scan3A_66) -> (i32)  : i32 {
        %dma_start3A = arith.constant 0 : i32
        %dma_start3A_77 = tpu.memref_slice %arg7[%scan3A_75, %dma_start3A] : memref<32x128xi32, #tpu.memory_space<vmem>> -> memref<1x128xi32, #tpu.memory_space<vmem>>
        %dma_start3A_78 = tpu.memref_squeeze %dma_start3A_77 : memref<1x128xi32, #tpu.memory_space<vmem>> -> memref<128xi32, #tpu.memory_space<vmem>>
        %dma_start3A_79 = arith.constant 0 : i32
        %dma_start3A_80 = arith.constant 0 : i32
        %dma_start3A_81 = tpu.memref_slice %arg2[%dma_start3A_79, %dma_start3A_80] : memref<10000x128xf32, #tpu.memory_space<hbm>> -> memref<10000x128xf32, #tpu.memory_space<hbm>>
        tpu.enqueue_indirect_dma source(%dma_start3A_81 : memref<10000x128xf32, #tpu.memory_space<hbm>>) target(%arg9 : memref<128x128xf32, #tpu.memory_space<vmem>>) offsets(%dma_start3A_78 : memref<128xi32, #tpu.memory_space<vmem>>) semaphore(%arg11 : memref<!tpu.dma_semaphore, #tpu.memory_space<semaphore_mem>>)
        %dma_wait3A = arith.constant 0 : i32
        %dma_wait3A_82 = tpu.memref_slice %arg7[%scan3A_75, %dma_wait3A] : memref<32x128xi32, #tpu.memory_space<vmem>> -> memref<1x128xi32, #tpu.memory_space<vmem>>
        %dma_wait3A_83 = tpu.memref_squeeze %dma_wait3A_82 : memref<1x128xi32, #tpu.memory_space<vmem>> -> memref<128xi32, #tpu.memory_space<vmem>>
        %dma_wait3A_84 = arith.constant 0 : i32
        %dma_wait3A_85 = arith.constant 0 : i32
        %dma_wait3A_86 = tpu.memref_slice %arg2[%dma_wait3A_84, %dma_wait3A_85] : memref<10000x128xf32, #tpu.memory_space<hbm>> -> memref<10000x128xf32, #tpu.memory_space<hbm>>
        tpu.wait_indirect_dma semaphore(%arg11 : memref<!tpu.dma_semaphore, #tpu.memory_space<semaphore_mem>>) src(%dma_wait3A_86 : memref<10000x128xf32, #tpu.memory_space<hbm>>) dst(%arg9 : memref<128x128xf32, #tpu.memory_space<vmem>>)
        "tpu.region"() ({
          %run_scoped3A = tpu.sem_alloc : memref<!tpu.dma_semaphore, #tpu.memory_space<semaphore_mem>>
          %dma_start3A_88 = arith.constant 0 : i32
          %dma_start3A_89 = tpu.memref_slice %arg8[%scan3A_75, %dma_start3A_88] : memref<32x128xi32, #tpu.memory_space<vmem>> -> memref<1x128xi32, #tpu.memory_space<vmem>>
          %dma_start3A_90 = tpu.memref_squeeze %dma_start3A_89 : memref<1x128xi32, #tpu.memory_space<vmem>> -> memref<128xi32, #tpu.memory_space<vmem>>
          %dma_start3A_91 = arith.constant 0 : i32
          %dma_start3A_92 = arith.constant 0 : i32
          %dma_start3A_93 = tpu.memref_slice %arg6[%dma_start3A_91, %dma_start3A_92] : memref<10240x128xf32, #tpu.memory_space<vmem_shared>> -> memref<10240x128xf32, #tpu.memory_space<vmem_shared>>
          tpu.enqueue_indirect_dma source(%arg9 : memref<128x128xf32, #tpu.memory_space<vmem>>) target(%dma_start3A_93 : memref<10240x128xf32, #tpu.memory_space<vmem_shared>>) offsets(%dma_start3A_90 : memref<128xi32, #tpu.memory_space<vmem>>) semaphore(%run_scoped3A : memref<!tpu.dma_semaphore, #tpu.memory_space<semaphore_mem>>) {add = true}
          %dma_wait3A_94 = arith.constant 0 : i32
          %dma_wait3A_95 = tpu.memref_slice %arg8[%scan3A_75, %dma_wait3A_94] : memref<32x128xi32, #tpu.memory_space<vmem>> -> memref<1x128xi32, #tpu.memory_space<vmem>>
          %dma_wait3A_96 = tpu.memref_squeeze %dma_wait3A_95 : memref<1x128xi32, #tpu.memory_space<vmem>> -> memref<128xi32, #tpu.memory_space<vmem>>
          %dma_wait3A_97 = arith.constant 0 : i32
          %dma_wait3A_98 = arith.constant 0 : i32
          %dma_wait3A_99 = tpu.memref_slice %arg6[%dma_wait3A_97, %dma_wait3A_98] : memref<10240x128xf32, #tpu.memory_space<vmem_shared>> -> memref<10240x128xf32, #tpu.memory_space<vmem_shared>>
          tpu.wait_indirect_dma semaphore(%run_scoped3A : memref<!tpu.dma_semaphore, #tpu.memory_space<semaphore_mem>>) src(%arg9 : memref<128x128xf32, #tpu.memory_space<vmem>>) dst(%dma_wait3A_99 : memref<10240x128xf32, #tpu.memory_space<vmem_shared>>)
          tpu.yield
        }) : () -> ()
        %scan3A_87 = arith.constant 0 : i32
        scf.yield %scan3A_87 : i32
      }
      %scan3A_72 = arith.constant 32 : i32
      %scan3A_73 = arith.constant 0 : i32
      %scan3A_74 = arith.constant 1 : i32
    } else {
    }
    %barrier3A_40 = arith.constant 0 : index
    tpu.barrier barrier_id(%barrier3A_40)
    %mul3A_41 = arith.constant 640 : i32
    %mul3A_42 = arith.muli %arg1, %mul3A_41 : i32
    %add3A_43 = arith.constant 0 : i32
    %add3A_44 = arith.addi %mul3A_42, %add3A_43 : i32
    "tpu.region"() ({
      %run_scoped3A = tpu.sem_alloc : memref<!tpu.dma_semaphore, #tpu.memory_space<semaphore_mem>>
      %dma_start3A = arith.constant 0 : i32
      %dma_start3A_61 = tpu.memref_slice %arg5[%arg0, %add3A_44, %dma_start3A] : memref<2x10240x128xf32, #tpu.memory_space<hbm>> -> memref<1x128x128xf32, #tpu.memory_space<hbm>>
      %dma_start3A_62 = tpu.memref_squeeze %dma_start3A_61 : memref<1x128x128xf32, #tpu.memory_space<hbm>> -> memref<128x128xf32, #tpu.memory_space<hbm>>
      %dma_start3A_63 = arith.constant 0 : i32
      %dma_start3A_64 = tpu.memref_slice %arg6[%add3A_44, %dma_start3A_63] : memref<10240x128xf32, #tpu.memory_space<vmem_shared>> -> memref<128x128xf32, #tpu.memory_space<vmem_shared>>
      tpu.enqueue_dma source(%dma_start3A_64 : memref<128x128xf32, #tpu.memory_space<vmem_shared>>) target(%dma_start3A_62 : memref<128x128xf32, #tpu.memory_space<hbm>>) target_semaphore(%run_scoped3A : memref<!tpu.dma_semaphore, #tpu.memory_space<semaphore_mem>>)
      %dma_wait3A = arith.constant 0 : i32
      %dma_wait3A_65 = tpu.memref_slice %arg5[%arg0, %add3A_44, %dma_wait3A] : memref<2x10240x128xf32, #tpu.memory_space<hbm>> -> memref<1x128x128xf32, #tpu.memory_space<hbm>>
      %dma_wait3A_66 = tpu.memref_squeeze %dma_wait3A_65 : memref<1x128x128xf32, #tpu.memory_space<hbm>> -> memref<128x128xf32, #tpu.memory_space<hbm>>
      %dma_wait3A_67 = arith.constant 0 : i32
      %dma_wait3A_68 = tpu.memref_slice %arg6[%add3A_44, %dma_wait3A_67] : memref<10240x128xf32, #tpu.memory_space<vmem_shared>> -> memref<128x128xf32, #tpu.memory_space<vmem_shared>>
      tpu.wait_dma2 semaphore(%run_scoped3A : memref<!tpu.dma_semaphore, #tpu.memory_space<semaphore_mem>>) src(%dma_wait3A_68 : memref<128x128xf32, #tpu.memory_space<vmem_shared>>) dst(%dma_wait3A_66 : memref<128x128xf32, #tpu.memory_space<hbm>>)
      tpu.yield
    }) : () -> ()
    %mul3A_45 = arith.constant 640 : i32
    %mul3A_46 = arith.muli %arg1, %mul3A_45 : i32
    %add3A_47 = arith.constant 128 : i32
    %add3A_48 = arith.addi %mul3A_46, %add3A_47 : i32
    "tpu.region"() ({
      %run_scoped3A = tpu.sem_alloc : memref<!tpu.dma_semaphore, #tpu.memory_space<semaphore_mem>>
      %dma_start3A = arith.constant 0 : i32
      %dma_start3A_61 = tpu.memref_slice %arg5[%arg0, %add3A_48, %dma_start3A] : memref<2x10240x128xf32, #tpu.memory_space<hbm>> -> memref<1x128x128xf32, #tpu.memory_space<hbm>>
      %dma_start3A_62 = tpu.memref_squeeze %dma_start3A_61 : memref<1x128x128xf32, #tpu.memory_space<hbm>> -> memref<128x128xf32, #tpu.memory_space<hbm>>
      %dma_start3A_63 = arith.constant 0 : i32
      %dma_start3A_64 = tpu.memref_slice %arg6[%add3A_48, %dma_start3A_63] : memref<10240x128xf32, #tpu.memory_space<vmem_shared>> -> memref<128x128xf32, #tpu.memory_space<vmem_shared>>
      tpu.enqueue_dma source(%dma_start3A_64 : memref<128x128xf32, #tpu.memory_space<vmem_shared>>) target(%dma_start3A_62 : memref<128x128xf32, #tpu.memory_space<hbm>>) target_semaphore(%run_scoped3A : memref<!tpu.dma_semaphore, #tpu.memory_space<semaphore_mem>>)
      %dma_wait3A = arith.constant 0 : i32
      %dma_wait3A_65 = tpu.memref_slice %arg5[%arg0, %add3A_48, %dma_wait3A] : memref<2x10240x128xf32, #tpu.memory_space<hbm>> -> memref<1x128x128xf32, #tpu.memory_space<hbm>>
      %dma_wait3A_66 = tpu.memref_squeeze %dma_wait3A_65 : memref<1x128x128xf32, #tpu.memory_space<hbm>> -> memref<128x128xf32, #tpu.memory_space<hbm>>
      %dma_wait3A_67 = arith.constant 0 : i32
      %dma_wait3A_68 = tpu.memref_slice %arg6[%add3A_48, %dma_wait3A_67] : memref<10240x128xf32, #tpu.memory_space<vmem_shared>> -> memref<128x128xf32, #tpu.memory_space<vmem_shared>>
      tpu.wait_dma2 semaphore(%run_scoped3A : memref<!tpu.dma_semaphore, #tpu.memory_space<semaphore_mem>>) src(%dma_wait3A_68 : memref<128x128xf32, #tpu.memory_space<vmem_shared>>) dst(%dma_wait3A_66 : memref<128x128xf32, #tpu.memory_space<hbm>>)
      tpu.yield
    }) : () -> ()
    %mul3A_49 = arith.constant 640 : i32
    %mul3A_50 = arith.muli %arg1, %mul3A_49 : i32
    %add3A_51 = arith.constant 256 : i32
    %add3A_52 = arith.addi %mul3A_50, %add3A_51 : i32
    "tpu.region"() ({
      %run_scoped3A = tpu.sem_alloc : memref<!tpu.dma_semaphore, #tpu.memory_space<semaphore_mem>>
      %dma_start3A = arith.constant 0 : i32
      %dma_start3A_61 = tpu.memref_slice %arg5[%arg0, %add3A_52, %dma_start3A] : memref<2x10240x128xf32, #tpu.memory_space<hbm>> -> memref<1x128x128xf32, #tpu.memory_space<hbm>>
      %dma_start3A_62 = tpu.memref_squeeze %dma_start3A_61 : memref<1x128x128xf32, #tpu.memory_space<hbm>> -> memref<128x128xf32, #tpu.memory_space<hbm>>
      %dma_start3A_63 = arith.constant 0 : i32
      %dma_start3A_64 = tpu.memref_slice %arg6[%add3A_52, %dma_start3A_63] : memref<10240x128xf32, #tpu.memory_space<vmem_shared>> -> memref<128x128xf32, #tpu.memory_space<vmem_shared>>
      tpu.enqueue_dma source(%dma_start3A_64 : memref<128x128xf32, #tpu.memory_space<vmem_shared>>) target(%dma_start3A_62 : memref<128x128xf32, #tpu.memory_space<hbm>>) target_semaphore(%run_scoped3A : memref<!tpu.dma_semaphore, #tpu.memory_space<semaphore_mem>>)
      %dma_wait3A = arith.constant 0 : i32
      %dma_wait3A_65 = tpu.memref_slice %arg5[%arg0, %add3A_52, %dma_wait3A] : memref<2x10240x128xf32, #tpu.memory_space<hbm>> -> memref<1x128x128xf32, #tpu.memory_space<hbm>>
      %dma_wait3A_66 = tpu.memref_squeeze %dma_wait3A_65 : memref<1x128x128xf32, #tpu.memory_space<hbm>> -> memref<128x128xf32, #tpu.memory_space<hbm>>
      %dma_wait3A_67 = arith.constant 0 : i32
      %dma_wait3A_68 = tpu.memref_slice %arg6[%add3A_52, %dma_wait3A_67] : memref<10240x128xf32, #tpu.memory_space<vmem_shared>> -> memref<128x128xf32, #tpu.memory_space<vmem_shared>>
      tpu.wait_dma2 semaphore(%run_scoped3A : memref<!tpu.dma_semaphore, #tpu.memory_space<semaphore_mem>>) src(%dma_wait3A_68 : memref<128x128xf32, #tpu.memory_space<vmem_shared>>) dst(%dma_wait3A_66 : memref<128x128xf32, #tpu.memory_space<hbm>>)
      tpu.yield
    }) : () -> ()
    %mul3A_53 = arith.constant 640 : i32
    %mul3A_54 = arith.muli %arg1, %mul3A_53 : i32
    %add3A_55 = arith.constant 384 : i32
    %add3A_56 = arith.addi %mul3A_54, %add3A_55 : i32
    "tpu.region"() ({
      %run_scoped3A = tpu.sem_alloc : memref<!tpu.dma_semaphore, #tpu.memory_space<semaphore_mem>>
      %dma_start3A = arith.constant 0 : i32
      %dma_start3A_61 = tpu.memref_slice %arg5[%arg0, %add3A_56, %dma_start3A] : memref<2x10240x128xf32, #tpu.memory_space<hbm>> -> memref<1x128x128xf32, #tpu.memory_space<hbm>>
      %dma_start3A_62 = tpu.memref_squeeze %dma_start3A_61 : memref<1x128x128xf32, #tpu.memory_space<hbm>> -> memref<128x128xf32, #tpu.memory_space<hbm>>
      %dma_start3A_63 = arith.constant 0 : i32
      %dma_start3A_64 = tpu.memref_slice %arg6[%add3A_56, %dma_start3A_63] : memref<10240x128xf32, #tpu.memory_space<vmem_shared>> -> memref<128x128xf32, #tpu.memory_space<vmem_shared>>
      tpu.enqueue_dma source(%dma_start3A_64 : memref<128x128xf32, #tpu.memory_space<vmem_shared>>) target(%dma_start3A_62 : memref<128x128xf32, #tpu.memory_space<hbm>>) target_semaphore(%run_scoped3A : memref<!tpu.dma_semaphore, #tpu.memory_space<semaphore_mem>>)
      %dma_wait3A = arith.constant 0 : i32
      %dma_wait3A_65 = tpu.memref_slice %arg5[%arg0, %add3A_56, %dma_wait3A] : memref<2x10240x128xf32, #tpu.memory_space<hbm>> -> memref<1x128x128xf32, #tpu.memory_space<hbm>>
      %dma_wait3A_66 = tpu.memref_squeeze %dma_wait3A_65 : memref<1x128x128xf32, #tpu.memory_space<hbm>> -> memref<128x128xf32, #tpu.memory_space<hbm>>
      %dma_wait3A_67 = arith.constant 0 : i32
      %dma_wait3A_68 = tpu.memref_slice %arg6[%add3A_56, %dma_wait3A_67] : memref<10240x128xf32, #tpu.memory_space<vmem_shared>> -> memref<128x128xf32, #tpu.memory_space<vmem_shared>>
      tpu.wait_dma2 semaphore(%run_scoped3A : memref<!tpu.dma_semaphore, #tpu.memory_space<semaphore_mem>>) src(%dma_wait3A_68 : memref<128x128xf32, #tpu.memory_space<vmem_shared>>) dst(%dma_wait3A_66 : memref<128x128xf32, #tpu.memory_space<hbm>>)
      tpu.yield
    }) : () -> ()
    %mul3A_57 = arith.constant 640 : i32
    %mul3A_58 = arith.muli %arg1, %mul3A_57 : i32
    %add3A_59 = arith.constant 512 : i32
    %add3A_60 = arith.addi %mul3A_58, %add3A_59 : i32
    "tpu.region"() ({
      %run_scoped3A = tpu.sem_alloc : memref<!tpu.dma_semaphore, #tpu.memory_space<semaphore_mem>>
      %dma_start3A = arith.constant 0 : i32
      %dma_start3A_61 = tpu.memref_slice %arg5[%arg0, %add3A_60, %dma_start3A] : memref<2x10240x128xf32, #tpu.memory_space<hbm>> -> memref<1x128x128xf32, #tpu.memory_space<hbm>>
      %dma_start3A_62 = tpu.memref_squeeze %dma_start3A_61 : memref<1x128x128xf32, #tpu.memory_space<hbm>> -> memref<128x128xf32, #tpu.memory_space<hbm>>
      %dma_start3A_63 = arith.constant 0 : i32
      %dma_start3A_64 = tpu.memref_slice %arg6[%add3A_60, %dma_start3A_63] : memref<10240x128xf32, #tpu.memory_space<vmem_shared>> -> memref<128x128xf32, #tpu.memory_space<vmem_shared>>
      tpu.enqueue_dma source(%dma_start3A_64 : memref<128x128xf32, #tpu.memory_space<vmem_shared>>) target(%dma_start3A_62 : memref<128x128xf32, #tpu.memory_space<hbm>>) target_semaphore(%run_scoped3A : memref<!tpu.dma_semaphore, #tpu.memory_space<semaphore_mem>>)
      %dma_wait3A = arith.constant 0 : i32
      %dma_wait3A_65 = tpu.memref_slice %arg5[%arg0, %add3A_60, %dma_wait3A] : memref<2x10240x128xf32, #tpu.memory_space<hbm>> -> memref<1x128x128xf32, #tpu.memory_space<hbm>>
      %dma_wait3A_66 = tpu.memref_squeeze %dma_wait3A_65 : memref<1x128x128xf32, #tpu.memory_space<hbm>> -> memref<128x128xf32, #tpu.memory_space<hbm>>
      %dma_wait3A_67 = arith.constant 0 : i32
      %dma_wait3A_68 = tpu.memref_slice %arg6[%add3A_60, %dma_wait3A_67] : memref<10240x128xf32, #tpu.memory_space<vmem_shared>> -> memref<128x128xf32, #tpu.memory_space<vmem_shared>>
      tpu.wait_dma2 semaphore(%run_scoped3A : memref<!tpu.dma_semaphore, #tpu.memory_space<semaphore_mem>>) src(%dma_wait3A_68 : memref<128x128xf32, #tpu.memory_space<vmem_shared>>) dst(%dma_wait3A_66 : memref<128x128xf32, #tpu.memory_space<hbm>>)
      tpu.yield
    }) : () -> ()
    return
  }
}

#map = affine_map<(d0, d1) -> (0, 0)>
#map1 = affine_map<(d0, d1) -> (0, 0, 0)>
module attributes {stable_mosaic.version = 14 : i64} {
  func.func @body(%arg0: i32, %arg1: i32, %arg2: memref<10000x128xf32, #tpu.memory_space<hbm>>, %arg3: memref<2560x128xi32, #tpu.memory_space<hbm>>, %arg4: memref<2560x128xi32, #tpu.memory_space<hbm>>, %arg5: memref<2x10240x128xf32, #tpu.memory_space<hbm>>, %arg6: memref<10240x128xf32, #tpu.memory_space<vmem_shared>>, %arg7: memref<32x128xi32, #tpu.memory_space<vmem>>, %arg8: memref<32x128xi32, #tpu.memory_space<vmem>>, %arg9: memref<128x128xf32, #tpu.memory_space<vmem>>, %arg10: memref<128x128xf32, #tpu.memory_space<vmem>>, %arg11: memref<!tpu.dma_semaphore, #tpu.memory_space<semaphore_mem>>, %arg12: memref<!tpu.dma_semaphore, #tpu.memory_space<semaphore_mem>>) attributes {dimension_semantics = [#tpu.dimension_semantics<core_parallel>, #tpu.dimension_semantics<subcore_parallel>], iteration_bounds = array<i64: 2, 16>, scalar_prefetch = 0 : i64, scratch_operands = 7 : i64, tpu.core_type = #tpu.core_type<sc_vector_subcore>, window_params = [{transform_indices = #map}, {transform_indices = #map}, {transform_indices = #map}, {transform_indices = #map1}]} {
    %broadcast_in_dim3A = arith.constant 0.000000e+00 : f32
    %broadcast_in_dim3A_0 = vector.broadcast %broadcast_in_dim3A : f32 to vector<16xf32>
    %scan3A = arith.constant 0 : i32
    %scan3A_1 = arith.constant 0 : i32
    %scan3A_2 = arith.constant 128 : i32
    %scan3A_3 = arith.addi %scan3A_1, %scan3A_2 : i32
    %scan3A_4 = arith.constant 1 : i32
    %scan3A_5 = scf.for %scan3A_61 = %scan3A_1 to %scan3A_3 step %scan3A_4 iter_args(%scan3A_62 = %scan3A) -> (i32)  : i32 {
      %swap3A = arith.index_cast %scan3A_61 : i32 to index
      %swap3A_63 = arith.constant 0 : index
      %swap3A_64 = tpu.vector_load %arg9[%swap3A, %swap3A_63] {strides = array<i32>} : memref<128x128xf32, #tpu.memory_space<vmem>>, vector<1x16xf32>,
      %swap3A_65 = vector.shape_cast %swap3A_64 : vector<1x16xf32> to vector<16xf32>
      %swap3A_66 = vector.shape_cast %broadcast_in_dim3A_0 : vector<16xf32> to vector<1x16xf32>
      tpu.vector_store %arg9[%swap3A, %swap3A_63], %swap3A_66 {strides = array<i32>} : memref<128x128xf32, #tpu.memory_space<vmem>>, vector<1x16xf32>,
      %swap3A_67 = arith.index_cast %scan3A_61 : i32 to index
      %swap3A_68 = arith.constant 16 : index
      %swap3A_69 = tpu.vector_load %arg9[%swap3A_67, %swap3A_68] {strides = array<i32>} : memref<128x128xf32, #tpu.memory_space<vmem>>, vector<1x16xf32>,
      %swap3A_70 = vector.shape_cast %swap3A_69 : vector<1x16xf32> to vector<16xf32>
      %swap3A_71 = vector.shape_cast %broadcast_in_dim3A_0 : vector<16xf32> to vector<1x16xf32>
      tpu.vector_store %arg9[%swap3A_67, %swap3A_68], %swap3A_71 {strides = array<i32>} : memref<128x128xf32, #tpu.memory_space<vmem>>, vector<1x16xf32>,
      %swap3A_72 = arith.index_cast %scan3A_61 : i32 to index
      %swap3A_73 = arith.constant 32 : index
      %swap3A_74 = tpu.vector_load %arg9[%swap3A_72, %swap3A_73] {strides = array<i32>} : memref<128x128xf32, #tpu.memory_space<vmem>>, vector<1x16xf32>,
      %swap3A_75 = vector.shape_cast %swap3A_74 : vector<1x16xf32> to vector<16xf32>
      %swap3A_76 = vector.shape_cast %broadcast_in_dim3A_0 : vector<16xf32> to vector<1x16xf32>
      tpu.vector_store %arg9[%swap3A_72, %swap3A_73], %swap3A_76 {strides = array<i32>} : memref<128x128xf32, #tpu.memory_space<vmem>>, vector<1x16xf32>,
      %swap3A_77 = arith.index_cast %scan3A_61 : i32 to index
      %swap3A_78 = arith.constant 48 : index
      %swap3A_79 = tpu.vector_load %arg9[%swap3A_77, %swap3A_78] {strides = array<i32>} : memref<128x128xf32, #tpu.memory_space<vmem>>, vector<1x16xf32>,
      %swap3A_80 = vector.shape_cast %swap3A_79 : vector<1x16xf32> to vector<16xf32>
      %swap3A_81 = vector.shape_cast %broadcast_in_dim3A_0 : vector<16xf32> to vector<1x16xf32>
      tpu.vector_store %arg9[%swap3A_77, %swap3A_78], %swap3A_81 {strides = array<i32>} : memref<128x128xf32, #tpu.memory_space<vmem>>, vector<1x16xf32>,
      %swap3A_82 = arith.index_cast %scan3A_61 : i32 to index
      %swap3A_83 = arith.constant 64 : index
      %swap3A_84 = tpu.vector_load %arg9[%swap3A_82, %swap3A_83] {strides = array<i32>} : memref<128x128xf32, #tpu.memory_space<vmem>>, vector<1x16xf32>,
      %swap3A_85 = vector.shape_cast %swap3A_84 : vector<1x16xf32> to vector<16xf32>
      %swap3A_86 = vector.shape_cast %broadcast_in_dim3A_0 : vector<16xf32> to vector<1x16xf32>
      tpu.vector_store %arg9[%swap3A_82, %swap3A_83], %swap3A_86 {strides = array<i32>} : memref<128x128xf32, #tpu.memory_space<vmem>>, vector<1x16xf32>,
      %swap3A_87 = arith.index_cast %scan3A_61 : i32 to index
      %swap3A_88 = arith.constant 80 : index
      %swap3A_89 = tpu.vector_load %arg9[%swap3A_87, %swap3A_88] {strides = array<i32>} : memref<128x128xf32, #tpu.memory_space<vmem>>, vector<1x16xf32>,
      %swap3A_90 = vector.shape_cast %swap3A_89 : vector<1x16xf32> to vector<16xf32>
      %swap3A_91 = vector.shape_cast %broadcast_in_dim3A_0 : vector<16xf32> to vector<1x16xf32>
      tpu.vector_store %arg9[%swap3A_87, %swap3A_88], %swap3A_91 {strides = array<i32>} : memref<128x128xf32, #tpu.memory_space<vmem>>, vector<1x16xf32>,
      %swap3A_92 = arith.index_cast %scan3A_61 : i32 to index
      %swap3A_93 = arith.constant 96 : index
      %swap3A_94 = tpu.vector_load %arg9[%swap3A_92, %swap3A_93] {strides = array<i32>} : memref<128x128xf32, #tpu.memory_space<vmem>>, vector<1x16xf32>,
      %swap3A_95 = vector.shape_cast %swap3A_94 : vector<1x16xf32> to vector<16xf32>
      %swap3A_96 = vector.shape_cast %broadcast_in_dim3A_0 : vector<16xf32> to vector<1x16xf32>
      tpu.vector_store %arg9[%swap3A_92, %swap3A_93], %swap3A_96 {strides = array<i32>} : memref<128x128xf32, #tpu.memory_space<vmem>>, vector<1x16xf32>,
      %swap3A_97 = arith.index_cast %scan3A_61 : i32 to index
      %swap3A_98 = arith.constant 112 : index
      %swap3A_99 = tpu.vector_load %arg9[%swap3A_97, %swap3A_98] {strides = array<i32>} : memref<128x128xf32, #tpu.memory_space<vmem>>, vector<1x16xf32>,
      %swap3A_100 = vector.shape_cast %swap3A_99 : vector<1x16xf32> to vector<16xf32>
      %swap3A_101 = vector.shape_cast %broadcast_in_dim3A_0 : vector<16xf32> to vector<1x16xf32>
      tpu.vector_store %arg9[%swap3A_97, %swap3A_98], %swap3A_101 {strides = array<i32>} : memref<128x128xf32, #tpu.memory_space<vmem>>, vector<1x16xf32>,
      %scan3A_102 = arith.constant 0 : i32
      scf.yield %scan3A_102 : i32
    }
    %scan3A_6 = arith.constant 128 : i32
    %mul3A = arith.constant 640 : i32
    %mul3A_7 = arith.muli %arg1, %mul3A : i32
    %add3A = arith.constant 0 : i32
    %add3A_8 = arith.addi %mul3A_7, %add3A : i32
    "tpu.region"() ({
      %run_scoped3A = tpu.sem_alloc : memref<!tpu.dma_semaphore, #tpu.memory_space<semaphore_mem>>
      %dma_start3A = arith.constant 0 : i32
      %dma_start3A_61 = tpu.memref_slice %arg6[%add3A_8, %dma_start3A] : memref<10240x128xf32, #tpu.memory_space<vmem_shared>> -> memref<128x128xf32, #tpu.memory_space<vmem_shared>>
      %dma_start3A_62 = arith.constant 0 : i32
      %dma_start3A_63 = tpu.memref_slice %arg6[%add3A_8, %dma_start3A_62] : memref<10240x128xf32, #tpu.memory_space<vmem_shared>> -> memref<128x128xf32, #tpu.memory_space<vmem_shared>>
      tpu.enqueue_dma source(%arg9 : memref<128x128xf32, #tpu.memory_space<vmem>>) target(%dma_start3A_63 : memref<128x128xf32, #tpu.memory_space<vmem_shared>>) target_semaphore(%run_scoped3A : memref<!tpu.dma_semaphore, #tpu.memory_space<semaphore_mem>>)
      %dma_wait3A = arith.constant 0 : i32
      %dma_wait3A_64 = tpu.memref_slice %arg6[%add3A_8, %dma_wait3A] : memref<10240x128xf32, #tpu.memory_space<vmem_shared>> -> memref<128x128xf32, #tpu.memory_space<vmem_shared>>
      %dma_wait3A_65 = arith.constant 0 : i32
      %dma_wait3A_66 = tpu.memref_slice %arg6[%add3A_8, %dma_wait3A_65] : memref<10240x128xf32, #tpu.memory_space<vmem_shared>> -> memref<128x128xf32, #tpu.memory_space<vmem_shared>>
      tpu.wait_dma2 semaphore(%run_scoped3A : memref<!tpu.dma_semaphore, #tpu.memory_space<semaphore_mem>>) src(%arg9 : memref<128x128xf32, #tpu.memory_space<vmem>>) dst(%dma_wait3A_66 : memref<128x128xf32, #tpu.memory_space<vmem_shared>>)
      tpu.yield
    }) : () -> ()
    %mul3A_9 = arith.constant 640 : i32
    %mul3A_10 = arith.muli %arg1, %mul3A_9 : i32
    %add3A_11 = arith.constant 128 : i32
    %add3A_12 = arith.addi %mul3A_10, %add3A_11 : i32
    "tpu.region"() ({
      %run_scoped3A = tpu.sem_alloc : memref<!tpu.dma_semaphore, #tpu.memory_space<semaphore_mem>>
      %dma_start3A = arith.constant 0 : i32
      %dma_start3A_61 = tpu.memref_slice %arg6[%add3A_12, %dma_start3A] : memref<10240x128xf32, #tpu.memory_space<vmem_shared>> -> memref<128x128xf32, #tpu.memory_space<vmem_shared>>
      %dma_start3A_62 = arith.constant 0 : i32
      %dma_start3A_63 = tpu.memref_slice %arg6[%add3A_12, %dma_start3A_62] : memref<10240x128xf32, #tpu.memory_space<vmem_shared>> -> memref<128x128xf32, #tpu.memory_space<vmem_shared>>
      tpu.enqueue_dma source(%arg9 : memref<128x128xf32, #tpu.memory_space<vmem>>) target(%dma_start3A_63 : memref<128x128xf32, #tpu.memory_space<vmem_shared>>) target_semaphore(%run_scoped3A : memref<!tpu.dma_semaphore, #tpu.memory_space<semaphore_mem>>)
      %dma_wait3A = arith.constant 0 : i32
      %dma_wait3A_64 = tpu.memref_slice %arg6[%add3A_12, %dma_wait3A] : memref<10240x128xf32, #tpu.memory_space<vmem_shared>> -> memref<128x128xf32, #tpu.memory_space<vmem_shared>>
      %dma_wait3A_65 = arith.constant 0 : i32
      %dma_wait3A_66 = tpu.memref_slice %arg6[%add3A_12, %dma_wait3A_65] : memref<10240x128xf32, #tpu.memory_space<vmem_shared>> -> memref<128x128xf32, #tpu.memory_space<vmem_shared>>
      tpu.wait_dma2 semaphore(%run_scoped3A : memref<!tpu.dma_semaphore, #tpu.memory_space<semaphore_mem>>) src(%arg9 : memref<128x128xf32, #tpu.memory_space<vmem>>) dst(%dma_wait3A_66 : memref<128x128xf32, #tpu.memory_space<vmem_shared>>)
      tpu.yield
    }) : () -> ()
    %mul3A_13 = arith.constant 640 : i32
    %mul3A_14 = arith.muli %arg1, %mul3A_13 : i32
    %add3A_15 = arith.constant 256 : i32
    %add3A_16 = arith.addi %mul3A_14, %add3A_15 : i32
    "tpu.region"() ({
      %run_scoped3A = tpu.sem_alloc : memref<!tpu.dma_semaphore, #tpu.memory_space<semaphore_mem>>
      %dma_start3A = arith.constant 0 : i32
      %dma_start3A_61 = tpu.memref_slice %arg6[%add3A_16, %dma_start3A] : memref<10240x128xf32, #tpu.memory_space<vmem_shared>> -> memref<128x128xf32, #tpu.memory_space<vmem_shared>>
      %dma_start3A_62 = arith.constant 0 : i32
      %dma_start3A_63 = tpu.memref_slice %arg6[%add3A_16, %dma_start3A_62] : memref<10240x128xf32, #tpu.memory_space<vmem_shared>> -> memref<128x128xf32, #tpu.memory_space<vmem_shared>>
      tpu.enqueue_dma source(%arg9 : memref<128x128xf32, #tpu.memory_space<vmem>>) target(%dma_start3A_63 : memref<128x128xf32, #tpu.memory_space<vmem_shared>>) target_semaphore(%run_scoped3A : memref<!tpu.dma_semaphore, #tpu.memory_space<semaphore_mem>>)
      %dma_wait3A = arith.constant 0 : i32
      %dma_wait3A_64 = tpu.memref_slice %arg6[%add3A_16, %dma_wait3A] : memref<10240x128xf32, #tpu.memory_space<vmem_shared>> -> memref<128x128xf32, #tpu.memory_space<vmem_shared>>
      %dma_wait3A_65 = arith.constant 0 : i32
      %dma_wait3A_66 = tpu.memref_slice %arg6[%add3A_16, %dma_wait3A_65] : memref<10240x128xf32, #tpu.memory_space<vmem_shared>> -> memref<128x128xf32, #tpu.memory_space<vmem_shared>>
      tpu.wait_dma2 semaphore(%run_scoped3A : memref<!tpu.dma_semaphore, #tpu.memory_space<semaphore_mem>>) src(%arg9 : memref<128x128xf32, #tpu.memory_space<vmem>>) dst(%dma_wait3A_66 : memref<128x128xf32, #tpu.memory_space<vmem_shared>>)
      tpu.yield
    }) : () -> ()
    %mul3A_17 = arith.constant 640 : i32
    %mul3A_18 = arith.muli %arg1, %mul3A_17 : i32
    %add3A_19 = arith.constant 384 : i32
    %add3A_20 = arith.addi %mul3A_18, %add3A_19 : i32
    "tpu.region"() ({
      %run_scoped3A = tpu.sem_alloc : memref<!tpu.dma_semaphore, #tpu.memory_space<semaphore_mem>>
      %dma_start3A = arith.constant 0 : i32
      %dma_start3A_61 = tpu.memref_slice %arg6[%add3A_20, %dma_start3A] : memref<10240x128xf32, #tpu.memory_space<vmem_shared>> -> memref<128x128xf32, #tpu.memory_space<vmem_shared>>
      %dma_start3A_62 = arith.constant 0 : i32
      %dma_start3A_63 = tpu.memref_slice %arg6[%add3A_20, %dma_start3A_62] : memref<10240x128xf32, #tpu.memory_space<vmem_shared>> -> memref<128x128xf32, #tpu.memory_space<vmem_shared>>
      tpu.enqueue_dma source(%arg9 : memref<128x128xf32, #tpu.memory_space<vmem>>) target(%dma_start3A_63 : memref<128x128xf32, #tpu.memory_space<vmem_shared>>) target_semaphore(%run_scoped3A : memref<!tpu.dma_semaphore, #tpu.memory_space<semaphore_mem>>)
      %dma_wait3A = arith.constant 0 : i32
      %dma_wait3A_64 = tpu.memref_slice %arg6[%add3A_20, %dma_wait3A] : memref<10240x128xf32, #tpu.memory_space<vmem_shared>> -> memref<128x128xf32, #tpu.memory_space<vmem_shared>>
      %dma_wait3A_65 = arith.constant 0 : i32
      %dma_wait3A_66 = tpu.memref_slice %arg6[%add3A_20, %dma_wait3A_65] : memref<10240x128xf32, #tpu.memory_space<vmem_shared>> -> memref<128x128xf32, #tpu.memory_space<vmem_shared>>
      tpu.wait_dma2 semaphore(%run_scoped3A : memref<!tpu.dma_semaphore, #tpu.memory_space<semaphore_mem>>) src(%arg9 : memref<128x128xf32, #tpu.memory_space<vmem>>) dst(%dma_wait3A_66 : memref<128x128xf32, #tpu.memory_space<vmem_shared>>)
      tpu.yield
    }) : () -> ()
    %mul3A_21 = arith.constant 640 : i32
    %mul3A_22 = arith.muli %arg1, %mul3A_21 : i32
    %add3A_23 = arith.constant 512 : i32
    %add3A_24 = arith.addi %mul3A_22, %add3A_23 : i32
    "tpu.region"() ({
      %run_scoped3A = tpu.sem_alloc : memref<!tpu.dma_semaphore, #tpu.memory_space<semaphore_mem>>
      %dma_start3A = arith.constant 0 : i32
      %dma_start3A_61 = tpu.memref_slice %arg6[%add3A_24, %dma_start3A] : memref<10240x128xf32, #tpu.memory_space<vmem_shared>> -> memref<128x128xf32, #tpu.memory_space<vmem_shared>>
      %dma_start3A_62 = arith.constant 0 : i32
      %dma_start3A_63 = tpu.memref_slice %arg6[%add3A_24, %dma_start3A_62] : memref<10240x128xf32, #tpu.memory_space<vmem_shared>> -> memref<128x128xf32, #tpu.memory_space<vmem_shared>>
      tpu.enqueue_dma source(%arg9 : memref<128x128xf32, #tpu.memory_space<vmem>>) target(%dma_start3A_63 : memref<128x128xf32, #tpu.memory_space<vmem_shared>>) target_semaphore(%run_scoped3A : memref<!tpu.dma_semaphore, #tpu.memory_space<semaphore_mem>>)
      %dma_wait3A = arith.constant 0 : i32
      %dma_wait3A_64 = tpu.memref_slice %arg6[%add3A_24, %dma_wait3A] : memref<10240x128xf32, #tpu.memory_space<vmem_shared>> -> memref<128x128xf32, #tpu.memory_space<vmem_shared>>
      %dma_wait3A_65 = arith.constant 0 : i32
      %dma_wait3A_66 = tpu.memref_slice %arg6[%add3A_24, %dma_wait3A_65] : memref<10240x128xf32, #tpu.memory_space<vmem_shared>> -> memref<128x128xf32, #tpu.memory_space<vmem_shared>>
      tpu.wait_dma2 semaphore(%run_scoped3A : memref<!tpu.dma_semaphore, #tpu.memory_space<semaphore_mem>>) src(%arg9 : memref<128x128xf32, #tpu.memory_space<vmem>>) dst(%dma_wait3A_66 : memref<128x128xf32, #tpu.memory_space<vmem_shared>>)
      tpu.yield
    }) : () -> ()
    %barrier3A = arith.constant 0 : index
    tpu.barrier barrier_id(%barrier3A)
    %eq3A = arith.constant 0 : i32
    %eq3A_25 = arith.cmpi eq, %arg0, %eq3A : i32
    %mul3A_26 = arith.constant 4 : i32
    %mul3A_27 = arith.muli %arg1, %mul3A_26 : i32
    %mul3A_28 = arith.constant 1 : i32
    %mul3A_29 = arith.muli %arg1, %mul3A_28 : i32
    %add3A_30 = arith.constant 64 : i32
    %add3A_31 = arith.addi %add3A_30, %mul3A_29 : i32
    %select_n3A = arith.select %eq3A_25, %mul3A_27, %add3A_31 : i32
    %eq3A_32 = arith.constant 0 : i32
    %eq3A_33 = arith.cmpi eq, %arg0, %eq3A_32 : i32
    %convert_element_type3A = arith.extui %eq3A_33 : i1 to i32
    %cond3A = arith.constant 0 : i32
    %cond3A_34 = arith.cmpi ne, %convert_element_type3A, %cond3A : i32
    scf.if %cond3A_34 {
      %scan3A_61 = arith.constant 0 : i32
      %scan3A_62 = arith.constant 0 : i32
      %scan3A_63 = arith.constant 4 : i32
      %scan3A_64 = arith.addi %scan3A_62, %scan3A_63 : i32
      %scan3A_65 = arith.constant 1 : i32
      %scan3A_66 = scf.for %scan3A_68 = %scan3A_62 to %scan3A_64 step %scan3A_65 iter_args(%scan3A_69 = %scan3A_61) -> (i32)  : i32 {
        %add3A_70 = arith.addi %select_n3A, %scan3A_68 : i32
        %mul3A_71 = arith.constant 32 : i32
        %mul3A_72 = arith.muli %add3A_70, %mul3A_71 : i32
        "tpu.region"() ({
          %run_scoped3A = tpu.sem_alloc : memref<!tpu.dma_semaphore, #tpu.memory_space<semaphore_mem>>
          %dma_start3A_87 = arith.constant 0 : i32
          %dma_start3A_88 = tpu.memref_slice %arg3[%mul3A_72, %dma_start3A_87] : memref<2560x128xi32, #tpu.memory_space<hbm>> -> memref<32x128xi32, #tpu.memory_space<hbm>>
          %dma_start3A_89 = arith.constant 0 : i32
          %dma_start3A_90 = tpu.memref_slice %arg3[%mul3A_72, %dma_start3A_89] : memref<2560x128xi32, #tpu.memory_space<hbm>> -> memref<32x128xi32, #tpu.memory_space<hbm>>
          tpu.enqueue_dma source(%dma_start3A_90 : memref<32x128xi32, #tpu.memory_space<hbm>>) target(%arg7 : memref<32x128xi32, #tpu.memory_space<vmem>>) target_semaphore(%run_scoped3A : memref<!tpu.dma_semaphore, #tpu.memory_space<semaphore_mem>>)
          %dma_wait3A = arith.constant 0 : i32
          %dma_wait3A_91 = tpu.memref_slice %arg3[%mul3A_72, %dma_wait3A] : memref<2560x128xi32, #tpu.memory_space<hbm>> -> memref<32x128xi32, #tpu.memory_space<hbm>>
          %dma_wait3A_92 = arith.constant 0 : i32
          %dma_wait3A_93 = tpu.memref_slice %arg3[%mul3A_72, %dma_wait3A_92] : memref<2560x128xi32, #tpu.memory_space<hbm>> -> memref<32x128xi32, #tpu.memory_space<hbm>>
          tpu.wait_dma2 semaphore(%run_scoped3A : memref<!tpu.dma_semaphore, #tpu.memory_space<semaphore_mem>>) src(%dma_wait3A_93 : memref<32x128xi32, #tpu.memory_space<hbm>>) dst(%arg7 : memref<32x128xi32, #tpu.memory_space<vmem>>)
          tpu.yield
        }) : () -> ()
        "tpu.region"() ({
          %run_scoped3A = tpu.sem_alloc : memref<!tpu.dma_semaphore, #tpu.memory_space<semaphore_mem>>
          %dma_start3A_87 = arith.constant 0 : i32
          %dma_start3A_88 = tpu.memref_slice %arg4[%mul3A_72, %dma_start3A_87] : memref<2560x128xi32, #tpu.memory_space<hbm>> -> memref<32x128xi32, #tpu.memory_space<hbm>>
          %dma_start3A_89 = arith.constant 0 : i32
          %dma_start3A_90 = tpu.memref_slice %arg4[%mul3A_72, %dma_start3A_89] : memref<2560x128xi32, #tpu.memory_space<hbm>> -> memref<32x128xi32, #tpu.memory_space<hbm>>
          tpu.enqueue_dma source(%dma_start3A_90 : memref<32x128xi32, #tpu.memory_space<hbm>>) target(%arg8 : memref<32x128xi32, #tpu.memory_space<vmem>>) target_semaphore(%run_scoped3A : memref<!tpu.dma_semaphore, #tpu.memory_space<semaphore_mem>>)
          %dma_wait3A = arith.constant 0 : i32
          %dma_wait3A_91 = tpu.memref_slice %arg4[%mul3A_72, %dma_wait3A] : memref<2560x128xi32, #tpu.memory_space<hbm>> -> memref<32x128xi32, #tpu.memory_space<hbm>>
          %dma_wait3A_92 = arith.constant 0 : i32
          %dma_wait3A_93 = tpu.memref_slice %arg4[%mul3A_72, %dma_wait3A_92] : memref<2560x128xi32, #tpu.memory_space<hbm>> -> memref<32x128xi32, #tpu.memory_space<hbm>>
          tpu.wait_dma2 semaphore(%run_scoped3A : memref<!tpu.dma_semaphore, #tpu.memory_space<semaphore_mem>>) src(%dma_wait3A_93 : memref<32x128xi32, #tpu.memory_space<hbm>>) dst(%arg8 : memref<32x128xi32, #tpu.memory_space<vmem>>)
          tpu.yield
        }) : () -> ()
        %dma_start3A = arith.constant 0 : i32
        %dma_start3A_73 = arith.constant 0 : i32
        %dma_start3A_74 = tpu.memref_slice %arg7[%dma_start3A, %dma_start3A_73] : memref<32x128xi32, #tpu.memory_space<vmem>> -> memref<1x128xi32, #tpu.memory_space<vmem>>
        %dma_start3A_75 = tpu.memref_squeeze %dma_start3A_74 : memref<1x128xi32, #tpu.memory_space<vmem>> -> memref<128xi32, #tpu.memory_space<vmem>>
        %dma_start3A_76 = arith.constant 0 : i32
        %dma_start3A_77 = arith.constant 0 : i32
        %dma_start3A_78 = tpu.memref_slice %arg2[%dma_start3A_76, %dma_start3A_77] : memref<10000x128xf32, #tpu.memory_space<hbm>> -> memref<10000x128xf32, #tpu.memory_space<hbm>>
        tpu.enqueue_indirect_dma source(%dma_start3A_78 : memref<10000x128xf32, #tpu.memory_space<hbm>>) target(%arg9 : memref<128x128xf32, #tpu.memory_space<vmem>>) offsets(%dma_start3A_75 : memref<128xi32, #tpu.memory_space<vmem>>) semaphore(%arg11 : memref<!tpu.dma_semaphore, #tpu.memory_space<semaphore_mem>>)
        %scan3A_79 = arith.constant 0 : i32
        %scan3A_80 = arith.constant 0 : i32
        %scan3A_81 = arith.constant 16 : i32
        %scan3A_82 = arith.addi %scan3A_80, %scan3A_81 : i32
        %scan3A_83 = arith.constant 1 : i32
        %scan3A_84 = scf.for %scan3A_87 = %scan3A_80 to %scan3A_82 step %scan3A_83 iter_args(%scan3A_88 = %scan3A_79) -> (i32)  : i32 {
          %mul3A_89 = arith.constant 2 : i32
          %mul3A_90 = arith.muli %mul3A_89, %scan3A_87 : i32
          %add3A_91 = arith.constant 1 : i32
          %add3A_92 = arith.addi %mul3A_90, %add3A_91 : i32
          %dma_wait3A = arith.constant 0 : i32
          %dma_wait3A_93 = tpu.memref_slice %arg7[%mul3A_90, %dma_wait3A] : memref<32x128xi32, #tpu.memory_space<vmem>> -> memref<1x128xi32, #tpu.memory_space<vmem>>
          %dma_wait3A_94 = tpu.memref_squeeze %dma_wait3A_93 : memref<1x128xi32, #tpu.memory_space<vmem>> -> memref<128xi32, #tpu.memory_space<vmem>>
          %dma_wait3A_95 = arith.constant 0 : i32
          %dma_wait3A_96 = arith.constant 0 : i32
          %dma_wait3A_97 = tpu.memref_slice %arg2[%dma_wait3A_95, %dma_wait3A_96] : memref<10000x128xf32, #tpu.memory_space<hbm>> -> memref<10000x128xf32, #tpu.memory_space<hbm>>
          tpu.wait_indirect_dma semaphore(%arg11 : memref<!tpu.dma_semaphore, #tpu.memory_space<semaphore_mem>>) src(%dma_wait3A_97 : memref<10000x128xf32, #tpu.memory_space<hbm>>) dst(%arg9 : memref<128x128xf32, #tpu.memory_space<vmem>>)
          %dma_start3A_98 = arith.constant 0 : i32
          %dma_start3A_99 = tpu.memref_slice %arg7[%add3A_92, %dma_start3A_98] : memref<32x128xi32, #tpu.memory_space<vmem>> -> memref<1x128xi32, #tpu.memory_space<vmem>>
          %dma_start3A_100 = tpu.memref_squeeze %dma_start3A_99 : memref<1x128xi32, #tpu.memory_space<vmem>> -> memref<128xi32, #tpu.memory_space<vmem>>
          %dma_start3A_101 = arith.constant 0 : i32
          %dma_start3A_102 = arith.constant 0 : i32
          %dma_start3A_103 = tpu.memref_slice %arg2[%dma_start3A_101, %dma_start3A_102] : memref<10000x128xf32, #tpu.memory_space<hbm>> -> memref<10000x128xf32, #tpu.memory_space<hbm>>
          tpu.enqueue_indirect_dma source(%dma_start3A_103 : memref<10000x128xf32, #tpu.memory_space<hbm>>) target(%arg10 : memref<128x128xf32, #tpu.memory_space<vmem>>) offsets(%dma_start3A_100 : memref<128xi32, #tpu.memory_space<vmem>>) semaphore(%arg12 : memref<!tpu.dma_semaphore, #tpu.memory_space<semaphore_mem>>)
          "tpu.region"() ({
            %run_scoped3A = tpu.sem_alloc : memref<!tpu.dma_semaphore, #tpu.memory_space<semaphore_mem>>
            %dma_start3A_115 = arith.constant 0 : i32
            %dma_start3A_116 = tpu.memref_slice %arg8[%mul3A_90, %dma_start3A_115] : memref<32x128xi32, #tpu.memory_space<vmem>> -> memref<1x128xi32, #tpu.memory_space<vmem>>
            %dma_start3A_117 = tpu.memref_squeeze %dma_start3A_116 : memref<1x128xi32, #tpu.memory_space<vmem>> -> memref<128xi32, #tpu.memory_space<vmem>>
            %dma_start3A_118 = arith.constant 0 : i32
            %dma_start3A_119 = arith.constant 0 : i32
            %dma_start3A_120 = tpu.memref_slice %arg6[%dma_start3A_118, %dma_start3A_119] : memref<10240x128xf32, #tpu.memory_space<vmem_shared>> -> memref<10240x128xf32, #tpu.memory_space<vmem_shared>>
            tpu.enqueue_indirect_dma source(%arg9 : memref<128x128xf32, #tpu.memory_space<vmem>>) target(%dma_start3A_120 : memref<10240x128xf32, #tpu.memory_space<vmem_shared>>) offsets(%dma_start3A_117 : memref<128xi32, #tpu.memory_space<vmem>>) semaphore(%run_scoped3A : memref<!tpu.dma_semaphore, #tpu.memory_space<semaphore_mem>>) {add = true}
            %dma_wait3A_121 = arith.constant 0 : i32
            %dma_wait3A_122 = tpu.memref_slice %arg8[%mul3A_90, %dma_wait3A_121] : memref<32x128xi32, #tpu.memory_space<vmem>> -> memref<1x128xi32, #tpu.memory_space<vmem>>
            %dma_wait3A_123 = tpu.memref_squeeze %dma_wait3A_122 : memref<1x128xi32, #tpu.memory_space<vmem>> -> memref<128xi32, #tpu.memory_space<vmem>>
            %dma_wait3A_124 = arith.constant 0 : i32
            %dma_wait3A_125 = arith.constant 0 : i32
            %dma_wait3A_126 = tpu.memref_slice %arg6[%dma_wait3A_124, %dma_wait3A_125] : memref<10240x128xf32, #tpu.memory_space<vmem_shared>> -> memref<10240x128xf32, #tpu.memory_space<vmem_shared>>
            tpu.wait_indirect_dma semaphore(%run_scoped3A : memref<!tpu.dma_semaphore, #tpu.memory_space<semaphore_mem>>) src(%arg9 : memref<128x128xf32, #tpu.memory_space<vmem>>) dst(%dma_wait3A_126 : memref<10240x128xf32, #tpu.memory_space<vmem_shared>>)
            tpu.yield
          }) : () -> ()
          %dma_wait3A_104 = arith.constant 0 : i32
          %dma_wait3A_105 = tpu.memref_slice %arg7[%add3A_92, %dma_wait3A_104] : memref<32x128xi32, #tpu.memory_space<vmem>> -> memref<1x128xi32, #tpu.memory_space<vmem>>
          %dma_wait3A_106 = tpu.memref_squeeze %dma_wait3A_105 : memref<1x128xi32, #tpu.memory_space<vmem>> -> memref<128xi32, #tpu.memory_space<vmem>>
          %dma_wait3A_107 = arith.constant 0 : i32
          %dma_wait3A_108 = arith.constant 0 : i32
          %dma_wait3A_109 = tpu.memref_slice %arg2[%dma_wait3A_107, %dma_wait3A_108] : memref<10000x128xf32, #tpu.memory_space<hbm>> -> memref<10000x128xf32, #tpu.memory_space<hbm>>
          tpu.wait_indirect_dma semaphore(%arg12 : memref<!tpu.dma_semaphore, #tpu.memory_space<semaphore_mem>>) src(%dma_wait3A_109 : memref<10000x128xf32, #tpu.memory_space<hbm>>) dst(%arg10 : memref<128x128xf32, #tpu.memory_space<vmem>>)
          %lt3A = arith.constant 15 : i32
          %lt3A_110 = arith.cmpi slt, %scan3A_87, %lt3A : i32
          %convert_element_type3A_111 = arith.extui %lt3A_110 : i1 to i32
          %cond3A_112 = arith.constant 0 : i32
          %cond3A_113 = arith.cmpi ne, %convert_element_type3A_111, %cond3A_112 : i32
          scf.if %cond3A_113 {
            %add3A_115 = arith.constant 2 : i32
            %add3A_116 = arith.addi %mul3A_90, %add3A_115 : i32
            %dma_start3A_117 = arith.constant 0 : i32
            %dma_start3A_118 = tpu.memref_slice %arg7[%add3A_116, %dma_start3A_117] : memref<32x128xi32, #tpu.memory_space<vmem>> -> memref<1x128xi32, #tpu.memory_space<vmem>>
            %dma_start3A_119 = tpu.memref_squeeze %dma_start3A_118 : memref<1x128xi32, #tpu.memory_space<vmem>> -> memref<128xi32, #tpu.memory_space<vmem>>
            %dma_start3A_120 = arith.constant 0 : i32
            %dma_start3A_121 = arith.constant 0 : i32
            %dma_start3A_122 = tpu.memref_slice %arg2[%dma_start3A_120, %dma_start3A_121] : memref<10000x128xf32, #tpu.memory_space<hbm>> -> memref<10000x128xf32, #tpu.memory_space<hbm>>
            tpu.enqueue_indirect_dma source(%dma_start3A_122 : memref<10000x128xf32, #tpu.memory_space<hbm>>) target(%arg9 : memref<128x128xf32, #tpu.memory_space<vmem>>) offsets(%dma_start3A_119 : memref<128xi32, #tpu.memory_space<vmem>>) semaphore(%arg11 : memref<!tpu.dma_semaphore, #tpu.memory_space<semaphore_mem>>)
          } else {
          }
          "tpu.region"() ({
            %run_scoped3A = tpu.sem_alloc : memref<!tpu.dma_semaphore, #tpu.memory_space<semaphore_mem>>
            %dma_start3A_115 = arith.constant 0 : i32
            %dma_start3A_116 = tpu.memref_slice %arg8[%add3A_92, %dma_start3A_115] : memref<32x128xi32, #tpu.memory_space<vmem>> -> memref<1x128xi32, #tpu.memory_space<vmem>>
            %dma_start3A_117 = tpu.memref_squeeze %dma_start3A_116 : memref<1x128xi32, #tpu.memory_space<vmem>> -> memref<128xi32, #tpu.memory_space<vmem>>
            %dma_start3A_118 = arith.constant 0 : i32
            %dma_start3A_119 = arith.constant 0 : i32
            %dma_start3A_120 = tpu.memref_slice %arg6[%dma_start3A_118, %dma_start3A_119] : memref<10240x128xf32, #tpu.memory_space<vmem_shared>> -> memref<10240x128xf32, #tpu.memory_space<vmem_shared>>
            tpu.enqueue_indirect_dma source(%arg10 : memref<128x128xf32, #tpu.memory_space<vmem>>) target(%dma_start3A_120 : memref<10240x128xf32, #tpu.memory_space<vmem_shared>>) offsets(%dma_start3A_117 : memref<128xi32, #tpu.memory_space<vmem>>) semaphore(%run_scoped3A : memref<!tpu.dma_semaphore, #tpu.memory_space<semaphore_mem>>) {add = true}
            %dma_wait3A_121 = arith.constant 0 : i32
            %dma_wait3A_122 = tpu.memref_slice %arg8[%add3A_92, %dma_wait3A_121] : memref<32x128xi32, #tpu.memory_space<vmem>> -> memref<1x128xi32, #tpu.memory_space<vmem>>
            %dma_wait3A_123 = tpu.memref_squeeze %dma_wait3A_122 : memref<1x128xi32, #tpu.memory_space<vmem>> -> memref<128xi32, #tpu.memory_space<vmem>>
            %dma_wait3A_124 = arith.constant 0 : i32
            %dma_wait3A_125 = arith.constant 0 : i32
            %dma_wait3A_126 = tpu.memref_slice %arg6[%dma_wait3A_124, %dma_wait3A_125] : memref<10240x128xf32, #tpu.memory_space<vmem_shared>> -> memref<10240x128xf32, #tpu.memory_space<vmem_shared>>
            tpu.wait_indirect_dma semaphore(%run_scoped3A : memref<!tpu.dma_semaphore, #tpu.memory_space<semaphore_mem>>) src(%arg10 : memref<128x128xf32, #tpu.memory_space<vmem>>) dst(%dma_wait3A_126 : memref<10240x128xf32, #tpu.memory_space<vmem_shared>>)
            tpu.yield
          }) : () -> ()
          %scan3A_114 = arith.constant 0 : i32
          scf.yield %scan3A_114 : i32
        }
        %scan3A_85 = arith.constant 16 : i32
        %scan3A_86 = arith.constant 0 : i32
        scf.yield %scan3A_86 : i32
      }
      %scan3A_67 = arith.constant 4 : i32
    } else {
    }
    %eq3A_35 = arith.constant 1 : i32
    %eq3A_36 = arith.cmpi eq, %arg0, %eq3A_35 : i32
    %convert_element_type3A_37 = arith.extui %eq3A_36 : i1 to i32
    %cond3A_38 = arith.constant 0 : i32
    %cond3A_39 = arith.cmpi ne, %convert_element_type3A_37, %cond3A_38 : i32
    scf.if %cond3A_39 {
      %scan3A_61 = arith.constant 0 : i32
      %scan3A_62 = arith.constant 0 : i32
      %add3A_63 = arith.addi %select_n3A, %scan3A_62 : i32
      %mul3A_64 = arith.constant 32 : i32
      %mul3A_65 = arith.muli %add3A_63, %mul3A_64 : i32
      "tpu.region"() ({
        %run_scoped3A = tpu.sem_alloc : memref<!tpu.dma_semaphore, #tpu.memory_space<semaphore_mem>>
        %dma_start3A = arith.constant 0 : i32
        %dma_start3A_75 = tpu.memref_slice %arg3[%mul3A_65, %dma_start3A] : memref<2560x128xi32, #tpu.memory_space<hbm>> -> memref<32x128xi32, #tpu.memory_space<hbm>>
        %dma_start3A_76 = arith.constant 0 : i32
        %dma_start3A_77 = tpu.memref_slice %arg3[%mul3A_65, %dma_start3A_76] : memref<2560x128xi32, #tpu.memory_space<hbm>> -> memref<32x128xi32, #tpu.memory_space<hbm>>
        tpu.enqueue_dma source(%dma_start3A_77 : memref<32x128xi32, #tpu.memory_space<hbm>>) target(%arg7 : memref<32x128xi32, #tpu.memory_space<vmem>>) target_semaphore(%run_scoped3A : memref<!tpu.dma_semaphore, #tpu.memory_space<semaphore_mem>>)
        %dma_wait3A = arith.constant 0 : i32
        %dma_wait3A_78 = tpu.memref_slice %arg3[%mul3A_65, %dma_wait3A] : memref<2560x128xi32, #tpu.memory_space<hbm>> -> memref<32x128xi32, #tpu.memory_space<hbm>>
        %dma_wait3A_79 = arith.constant 0 : i32
        %dma_wait3A_80 = tpu.memref_slice %arg3[%mul3A_65, %dma_wait3A_79] : memref<2560x128xi32, #tpu.memory_space<hbm>> -> memref<32x128xi32, #tpu.memory_space<hbm>>
        tpu.wait_dma2 semaphore(%run_scoped3A : memref<!tpu.dma_semaphore, #tpu.memory_space<semaphore_mem>>) src(%dma_wait3A_80 : memref<32x128xi32, #tpu.memory_space<hbm>>) dst(%arg7 : memref<32x128xi32, #tpu.memory_space<vmem>>)
        tpu.yield
      }) : () -> ()
      "tpu.region"() ({
        %run_scoped3A = tpu.sem_alloc : memref<!tpu.dma_semaphore, #tpu.memory_space<semaphore_mem>>
        %dma_start3A = arith.constant 0 : i32
        %dma_start3A_75 = tpu.memref_slice %arg4[%mul3A_65, %dma_start3A] : memref<2560x128xi32, #tpu.memory_space<hbm>> -> memref<32x128xi32, #tpu.memory_space<hbm>>
        %dma_start3A_76 = arith.constant 0 : i32
        %dma_start3A_77 = tpu.memref_slice %arg4[%mul3A_65, %dma_start3A_76] : memref<2560x128xi32, #tpu.memory_space<hbm>> -> memref<32x128xi32, #tpu.memory_space<hbm>>
        tpu.enqueue_dma source(%dma_start3A_77 : memref<32x128xi32, #tpu.memory_space<hbm>>) target(%arg8 : memref<32x128xi32, #tpu.memory_space<vmem>>) target_semaphore(%run_scoped3A : memref<!tpu.dma_semaphore, #tpu.memory_space<semaphore_mem>>)
        %dma_wait3A = arith.constant 0 : i32
        %dma_wait3A_78 = tpu.memref_slice %arg4[%mul3A_65, %dma_wait3A] : memref<2560x128xi32, #tpu.memory_space<hbm>> -> memref<32x128xi32, #tpu.memory_space<hbm>>
        %dma_wait3A_79 = arith.constant 0 : i32
        %dma_wait3A_80 = tpu.memref_slice %arg4[%mul3A_65, %dma_wait3A_79] : memref<2560x128xi32, #tpu.memory_space<hbm>> -> memref<32x128xi32, #tpu.memory_space<hbm>>
        tpu.wait_dma2 semaphore(%run_scoped3A : memref<!tpu.dma_semaphore, #tpu.memory_space<semaphore_mem>>) src(%dma_wait3A_80 : memref<32x128xi32, #tpu.memory_space<hbm>>) dst(%arg8 : memref<32x128xi32, #tpu.memory_space<vmem>>)
        tpu.yield
      }) : () -> ()
      %scan3A_66 = arith.constant 0 : i32
      %scan3A_67 = arith.constant 0 : i32
      %scan3A_68 = arith.constant 32 : i32
      %scan3A_69 = arith.addi %scan3A_67, %scan3A_68 : i32
      %scan3A_70 = arith.constant 1 : i32
      %scan3A_71 = scf.for %scan3A_75 = %scan3A_67 to %scan3A_69 step %scan3A_70 iter_args(%scan3A_76 = %scan3A_66) -> (i32)  : i32 {
        %dma_start3A = arith.constant 0 : i32
        %dma_start3A_77 = tpu.memref_slice %arg7[%scan3A_75, %dma_start3A] : memref<32x128xi32, #tpu.memory_space<vmem>> -> memref<1x128xi32, #tpu.memory_space<vmem>>
        %dma_start3A_78 = tpu.memref_squeeze %dma_start3A_77 : memref<1x128xi32, #tpu.memory_space<vmem>> -> memref<128xi32, #tpu.memory_space<vmem>>
        %dma_start3A_79 = arith.constant 0 : i32
        %dma_start3A_80 = arith.constant 0 : i32
        %dma_start3A_81 = tpu.memref_slice %arg2[%dma_start3A_79, %dma_start3A_80] : memref<10000x128xf32, #tpu.memory_space<hbm>> -> memref<10000x128xf32, #tpu.memory_space<hbm>>
        tpu.enqueue_indirect_dma source(%dma_start3A_81 : memref<10000x128xf32, #tpu.memory_space<hbm>>) target(%arg9 : memref<128x128xf32, #tpu.memory_space<vmem>>) offsets(%dma_start3A_78 : memref<128xi32, #tpu.memory_space<vmem>>) semaphore(%arg11 : memref<!tpu.dma_semaphore, #tpu.memory_space<semaphore_mem>>)
        %dma_wait3A = arith.constant 0 : i32
        %dma_wait3A_82 = tpu.memref_slice %arg7[%scan3A_75, %dma_wait3A] : memref<32x128xi32, #tpu.memory_space<vmem>> -> memref<1x128xi32, #tpu.memory_space<vmem>>
        %dma_wait3A_83 = tpu.memref_squeeze %dma_wait3A_82 : memref<1x128xi32, #tpu.memory_space<vmem>> -> memref<128xi32, #tpu.memory_space<vmem>>
        %dma_wait3A_84 = arith.constant 0 : i32
        %dma_wait3A_85 = arith.constant 0 : i32
        %dma_wait3A_86 = tpu.memref_slice %arg2[%dma_wait3A_84, %dma_wait3A_85] : memref<10000x128xf32, #tpu.memory_space<hbm>> -> memref<10000x128xf32, #tpu.memory_space<hbm>>
        tpu.wait_indirect_dma semaphore(%arg11 : memref<!tpu.dma_semaphore, #tpu.memory_space<semaphore_mem>>) src(%dma_wait3A_86 : memref<10000x128xf32, #tpu.memory_space<hbm>>) dst(%arg9 : memref<128x128xf32, #tpu.memory_space<vmem>>)
        "tpu.region"() ({
          %run_scoped3A = tpu.sem_alloc : memref<!tpu.dma_semaphore, #tpu.memory_space<semaphore_mem>>
          %dma_start3A_88 = arith.constant 0 : i32
          %dma_start3A_89 = tpu.memref_slice %arg8[%scan3A_75, %dma_start3A_88] : memref<32x128xi32, #tpu.memory_space<vmem>> -> memref<1x128xi32, #tpu.memory_space<vmem>>
          %dma_start3A_90 = tpu.memref_squeeze %dma_start3A_89 : memref<1x128xi32, #tpu.memory_space<vmem>> -> memref<128xi32, #tpu.memory_space<vmem>>
          %dma_start3A_91 = arith.constant 0 : i32
          %dma_start3A_92 = arith.constant 0 : i32
          %dma_start3A_93 = tpu.memref_slice %arg6[%dma_start3A_91, %dma_start3A_92] : memref<10240x128xf32, #tpu.memory_space<vmem_shared>> -> memref<10240x128xf32, #tpu.memory_space<vmem_shared>>
          tpu.enqueue_indirect_dma source(%arg9 : memref<128x128xf32, #tpu.memory_space<vmem>>) target(%dma_start3A_93 : memref<10240x128xf32, #tpu.memory_space<vmem_shared>>) offsets(%dma_start3A_90 : memref<128xi32, #tpu.memory_space<vmem>>) semaphore(%run_scoped3A : memref<!tpu.dma_semaphore, #tpu.memory_space<semaphore_mem>>) {add = true}
          %dma_wait3A_94 = arith.constant 0 : i32
          %dma_wait3A_95 = tpu.memref_slice %arg8[%scan3A_75, %dma_wait3A_94] : memref<32x128xi32, #tpu.memory_space<vmem>> -> memref<1x128xi32, #tpu.memory_space<vmem>>
          %dma_wait3A_96 = tpu.memref_squeeze %dma_wait3A_95 : memref<1x128xi32, #tpu.memory_space<vmem>> -> memref<128xi32, #tpu.memory_space<vmem>>
          %dma_wait3A_97 = arith.constant 0 : i32
          %dma_wait3A_98 = arith.constant 0 : i32
          %dma_wait3A_99 = tpu.memref_slice %arg6[%dma_wait3A_97, %dma_wait3A_98] : memref<10240x128xf32, #tpu.memory_space<vmem_shared>> -> memref<10240x128xf32, #tpu.memory_space<vmem_shared>>
          tpu.wait_indirect_dma semaphore(%run_scoped3A : memref<!tpu.dma_semaphore, #tpu.memory_space<semaphore_mem>>) src(%arg9 : memref<128x128xf32, #tpu.memory_space<vmem>>) dst(%dma_wait3A_99 : memref<10240x128xf32, #tpu.memory_space<vmem_shared>>)
          tpu.yield
        }) : () -> ()
        %scan3A_87 = arith.constant 0 : i32
        scf.yield %scan3A_87 : i32
      }
      %scan3A_72 = arith.constant 32 : i32
      %scan3A_73 = arith.constant 0 : i32
      %scan3A_74 = arith.constant 1 : i32
    } else {
    }
    %barrier3A_40 = arith.constant 0 : index
    tpu.barrier barrier_id(%barrier3A_40)
    %mul3A_41 = arith.constant 640 : i32
    %mul3A_42 = arith.muli %arg1, %mul3A_41 : i32
    %add3A_43 = arith.constant 0 : i32
    %add3A_44 = arith.addi %mul3A_42, %add3A_43 : i32
    "tpu.region"() ({
      %run_scoped3A = tpu.sem_alloc : memref<!tpu.dma_semaphore, #tpu.memory_space<semaphore_mem>>
      %dma_start3A = arith.constant 0 : i32
      %dma_start3A_61 = tpu.memref_slice %arg5[%arg0, %add3A_44, %dma_start3A] : memref<2x10240x128xf32, #tpu.memory_space<hbm>> -> memref<1x128x128xf32, #tpu.memory_space<hbm>>
      %dma_start3A_62 = tpu.memref_squeeze %dma_start3A_61 : memref<1x128x128xf32, #tpu.memory_space<hbm>> -> memref<128x128xf32, #tpu.memory_space<hbm>>
      %dma_start3A_63 = arith.constant 0 : i32
      %dma_start3A_64 = tpu.memref_slice %arg6[%add3A_44, %dma_start3A_63] : memref<10240x128xf32, #tpu.memory_space<vmem_shared>> -> memref<128x128xf32, #tpu.memory_space<vmem_shared>>
      tpu.enqueue_dma source(%dma_start3A_64 : memref<128x128xf32, #tpu.memory_space<vmem_shared>>) target(%dma_start3A_62 : memref<128x128xf32, #tpu.memory_space<hbm>>) target_semaphore(%run_scoped3A : memref<!tpu.dma_semaphore, #tpu.memory_space<semaphore_mem>>)
      %dma_wait3A = arith.constant 0 : i32
      %dma_wait3A_65 = tpu.memref_slice %arg5[%arg0, %add3A_44, %dma_wait3A] : memref<2x10240x128xf32, #tpu.memory_space<hbm>> -> memref<1x128x128xf32, #tpu.memory_space<hbm>>
      %dma_wait3A_66 = tpu.memref_squeeze %dma_wait3A_65 : memref<1x128x128xf32, #tpu.memory_space<hbm>> -> memref<128x128xf32, #tpu.memory_space<hbm>>
      %dma_wait3A_67 = arith.constant 0 : i32
      %dma_wait3A_68 = tpu.memref_slice %arg6[%add3A_44, %dma_wait3A_67] : memref<10240x128xf32, #tpu.memory_space<vmem_shared>> -> memref<128x128xf32, #tpu.memory_space<vmem_shared>>
      tpu.wait_dma2 semaphore(%run_scoped3A : memref<!tpu.dma_semaphore, #tpu.memory_space<semaphore_mem>>) src(%dma_wait3A_68 : memref<128x128xf32, #tpu.memory_space<vmem_shared>>) dst(%dma_wait3A_66 : memref<128x128xf32, #tpu.memory_space<hbm>>)
      tpu.yield
    }) : () -> ()
    %mul3A_45 = arith.constant 640 : i32
    %mul3A_46 = arith.muli %arg1, %mul3A_45 : i32
    %add3A_47 = arith.constant 128 : i32
    %add3A_48 = arith.addi %mul3A_46, %add3A_47 : i32
    "tpu.region"() ({
      %run_scoped3A = tpu.sem_alloc : memref<!tpu.dma_semaphore, #tpu.memory_space<semaphore_mem>>
      %dma_start3A = arith.constant 0 : i32
      %dma_start3A_61 = tpu.memref_slice %arg5[%arg0, %add3A_48, %dma_start3A] : memref<2x10240x128xf32, #tpu.memory_space<hbm>> -> memref<1x128x128xf32, #tpu.memory_space<hbm>>
      %dma_start3A_62 = tpu.memref_squeeze %dma_start3A_61 : memref<1x128x128xf32, #tpu.memory_space<hbm>> -> memref<128x128xf32, #tpu.memory_space<hbm>>
      %dma_start3A_63 = arith.constant 0 : i32
      %dma_start3A_64 = tpu.memref_slice %arg6[%add3A_48, %dma_start3A_63] : memref<10240x128xf32, #tpu.memory_space<vmem_shared>> -> memref<128x128xf32, #tpu.memory_space<vmem_shared>>
      tpu.enqueue_dma source(%dma_start3A_64 : memref<128x128xf32, #tpu.memory_space<vmem_shared>>) target(%dma_start3A_62 : memref<128x128xf32, #tpu.memory_space<hbm>>) target_semaphore(%run_scoped3A : memref<!tpu.dma_semaphore, #tpu.memory_space<semaphore_mem>>)
      %dma_wait3A = arith.constant 0 : i32
      %dma_wait3A_65 = tpu.memref_slice %arg5[%arg0, %add3A_48, %dma_wait3A] : memref<2x10240x128xf32, #tpu.memory_space<hbm>> -> memref<1x128x128xf32, #tpu.memory_space<hbm>>
      %dma_wait3A_66 = tpu.memref_squeeze %dma_wait3A_65 : memref<1x128x128xf32, #tpu.memory_space<hbm>> -> memref<128x128xf32, #tpu.memory_space<hbm>>
      %dma_wait3A_67 = arith.constant 0 : i32
      %dma_wait3A_68 = tpu.memref_slice %arg6[%add3A_48, %dma_wait3A_67] : memref<10240x128xf32, #tpu.memory_space<vmem_shared>> -> memref<128x128xf32, #tpu.memory_space<vmem_shared>>
      tpu.wait_dma2 semaphore(%run_scoped3A : memref<!tpu.dma_semaphore, #tpu.memory_space<semaphore_mem>>) src(%dma_wait3A_68 : memref<128x128xf32, #tpu.memory_space<vmem_shared>>) dst(%dma_wait3A_66 : memref<128x128xf32, #tpu.memory_space<hbm>>)
      tpu.yield
    }) : () -> ()
    %mul3A_49 = arith.constant 640 : i32
    %mul3A_50 = arith.muli %arg1, %mul3A_49 : i32
    %add3A_51 = arith.constant 256 : i32
    %add3A_52 = arith.addi %mul3A_50, %add3A_51 : i32
    "tpu.region"() ({
      %run_scoped3A = tpu.sem_alloc : memref<!tpu.dma_semaphore, #tpu.memory_space<semaphore_mem>>
      %dma_start3A = arith.constant 0 : i32
      %dma_start3A_61 = tpu.memref_slice %arg5[%arg0, %add3A_52, %dma_start3A] : memref<2x10240x128xf32, #tpu.memory_space<hbm>> -> memref<1x128x128xf32, #tpu.memory_space<hbm>>
      %dma_start3A_62 = tpu.memref_squeeze %dma_start3A_61 : memref<1x128x128xf32, #tpu.memory_space<hbm>> -> memref<128x128xf32, #tpu.memory_space<hbm>>
      %dma_start3A_63 = arith.constant 0 : i32
      %dma_start3A_64 = tpu.memref_slice %arg6[%add3A_52, %dma_start3A_63] : memref<10240x128xf32, #tpu.memory_space<vmem_shared>> -> memref<128x128xf32, #tpu.memory_space<vmem_shared>>
      tpu.enqueue_dma source(%dma_start3A_64 : memref<128x128xf32, #tpu.memory_space<vmem_shared>>) target(%dma_start3A_62 : memref<128x128xf32, #tpu.memory_space<hbm>>) target_semaphore(%run_scoped3A : memref<!tpu.dma_semaphore, #tpu.memory_space<semaphore_mem>>)
      %dma_wait3A = arith.constant 0 : i32
      %dma_wait3A_65 = tpu.memref_slice %arg5[%arg0, %add3A_52, %dma_wait3A] : memref<2x10240x128xf32, #tpu.memory_space<hbm>> -> memref<1x128x128xf32, #tpu.memory_space<hbm>>
      %dma_wait3A_66 = tpu.memref_squeeze %dma_wait3A_65 : memref<1x128x128xf32, #tpu.memory_space<hbm>> -> memref<128x128xf32, #tpu.memory_space<hbm>>
      %dma_wait3A_67 = arith.constant 0 : i32
      %dma_wait3A_68 = tpu.memref_slice %arg6[%add3A_52, %dma_wait3A_67] : memref<10240x128xf32, #tpu.memory_space<vmem_shared>> -> memref<128x128xf32, #tpu.memory_space<vmem_shared>>
      tpu.wait_dma2 semaphore(%run_scoped3A : memref<!tpu.dma_semaphore, #tpu.memory_space<semaphore_mem>>) src(%dma_wait3A_68 : memref<128x128xf32, #tpu.memory_space<vmem_shared>>) dst(%dma_wait3A_66 : memref<128x128xf32, #tpu.memory_space<hbm>>)
      tpu.yield
    }) : () -> ()
    %mul3A_53 = arith.constant 640 : i32
    %mul3A_54 = arith.muli %arg1, %mul3A_53 : i32
    %add3A_55 = arith.constant 384 : i32
    %add3A_56 = arith.addi %mul3A_54, %add3A_55 : i32
    "tpu.region"() ({
      %run_scoped3A = tpu.sem_alloc : memref<!tpu.dma_semaphore, #tpu.memory_space<semaphore_mem>>
      %dma_start3A = arith.constant 0 : i32
      %dma_start3A_61 = tpu.memref_slice %arg5[%arg0, %add3A_56, %dma_start3A] : memref<2x10240x128xf32, #tpu.memory_space<hbm>> -> memref<1x128x128xf32, #tpu.memory_space<hbm>>
      %dma_start3A_62 = tpu.memref_squeeze %dma_start3A_61 : memref<1x128x128xf32, #tpu.memory_space<hbm>> -> memref<128x128xf32, #tpu.memory_space<hbm>>
      %dma_start3A_63 = arith.constant 0 : i32
      %dma_start3A_64 = tpu.memref_slice %arg6[%add3A_56, %dma_start3A_63] : memref<10240x128xf32, #tpu.memory_space<vmem_shared>> -> memref<128x128xf32, #tpu.memory_space<vmem_shared>>
      tpu.enqueue_dma source(%dma_start3A_64 : memref<128x128xf32, #tpu.memory_space<vmem_shared>>) target(%dma_start3A_62 : memref<128x128xf32, #tpu.memory_space<hbm>>) target_semaphore(%run_scoped3A : memref<!tpu.dma_semaphore, #tpu.memory_space<semaphore_mem>>)
      %dma_wait3A = arith.constant 0 : i32
      %dma_wait3A_65 = tpu.memref_slice %arg5[%arg0, %add3A_56, %dma_wait3A] : memref<2x10240x128xf32, #tpu.memory_space<hbm>> -> memref<1x128x128xf32, #tpu.memory_space<hbm>>
      %dma_wait3A_66 = tpu.memref_squeeze %dma_wait3A_65 : memref<1x128x128xf32, #tpu.memory_space<hbm>> -> memref<128x128xf32, #tpu.memory_space<hbm>>
      %dma_wait3A_67 = arith.constant 0 : i32
      %dma_wait3A_68 = tpu.memref_slice %arg6[%add3A_56, %dma_wait3A_67] : memref<10240x128xf32, #tpu.memory_space<vmem_shared>> -> memref<128x128xf32, #tpu.memory_space<vmem_shared>>
      tpu.wait_dma2 semaphore(%run_scoped3A : memref<!tpu.dma_semaphore, #tpu.memory_space<semaphore_mem>>) src(%dma_wait3A_68 : memref<128x128xf32, #tpu.memory_space<vmem_shared>>) dst(%dma_wait3A_66 : memref<128x128xf32, #tpu.memory_space<hbm>>)
      tpu.yield
    }) : () -> ()
    %mul3A_57 = arith.constant 640 : i32
    %mul3A_58 = arith.muli %arg1, %mul3A_57 : i32
    %add3A_59 = arith.constant 512 : i32
    %add3A_60 = arith.addi %mul3A_58, %add3A_59 : i32
    "tpu.region"() ({
      %run_scoped3A = tpu.sem_alloc : memref<!tpu.dma_semaphore, #tpu.memory_space<semaphore_mem>>
      %dma_start3A = arith.constant 0 : i32
      %dma_start3A_61 = tpu.memref_slice %arg5[%arg0, %add3A_60, %dma_start3A] : memref<2x10240x128xf32, #tpu.memory_space<hbm>> -> memref<1x128x128xf32, #tpu.memory_space<hbm>>
      %dma_start3A_62 = tpu.memref_squeeze %dma_start3A_61 : memref<1x128x128xf32, #tpu.memory_space<hbm>> -> memref<128x128xf32, #tpu.memory_space<hbm>>
      %dma_start3A_63 = arith.constant 0 : i32
      %dma_start3A_64 = tpu.memref_slice %arg6[%add3A_60, %dma_start3A_63] : memref<10240x128xf32, #tpu.memory_space<vmem_shared>> -> memref<128x128xf32, #tpu.memory_space<vmem_shared>>
      tpu.enqueue_dma source(%dma_start3A_64 : memref<128x128xf32, #tpu.memory_space<vmem_shared>>) target(%dma_start3A_62 : memref<128x128xf32, #tpu.memory_space<hbm>>) target_semaphore(%run_scoped3A : memref<!tpu.dma_semaphore, #tpu.memory_space<semaphore_mem>>)
      %dma_wait3A = arith.constant 0 : i32
      %dma_wait3A_65 = tpu.memref_slice %arg5[%arg0, %add3A_60, %dma_wait3A] : memref<2x10240x128xf32, #tpu.memory_space<hbm>> -> memref<1x128x128xf32, #tpu.memory_space<hbm>>
      %dma_wait3A_66 = tpu.memref_squeeze %dma_wait3A_65 : memref<1x128x128xf32, #tpu.memory_space<hbm>> -> memref<128x128xf32, #tpu.memory_space<hbm>>
      %dma_wait3A_67 = arith.constant 0 : i32
      %dma_wait3A_68 = tpu.memref_slice %arg6[%add3A_60, %dma_wait3A_67] : memref<10240x128xf32, #tpu.memory_space<vmem_shared>> -> memref<128x128xf32, #tpu.memory_space<vmem_shared>>
      tpu.wait_dma2 semaphore(%run_scoped3A : memref<!tpu.dma_semaphore, #tpu.memory_space<semaphore_mem>>) src(%dma_wait3A_68 : memref<128x128xf32, #tpu.memory_space<vmem_shared>>) dst(%dma_wait3A_66 : memref<128x128xf32, #tpu.memory_space<hbm>>)
      tpu.yield
    }) : () -> ()
    return
  }
}

#map = affine_map<(d0, d1) -> (0, 0)>
#map1 = affine_map<(d0, d1) -> (0, 0, 0)>
module attributes {stable_mosaic.version = 14 : i64} {
  func.func @body(%arg0: i32, %arg1: i32, %arg2: memref<2560x128xi32, #tpu.memory_space<hbm>>, %arg3: memref<2x10240x128xf32, #tpu.memory_space<hbm>>, %arg4: memref<10240x128xf32, #tpu.memory_space<vmem_shared>>, %arg5: memref<80x128xi32, #tpu.memory_space<vmem>>, %arg6: memref<128x128xf32, #tpu.memory_space<vmem>>, %arg7: memref<128x128xf32, #tpu.memory_space<vmem>>) attributes {dimension_semantics = [#tpu.dimension_semantics<core_parallel>, #tpu.dimension_semantics<subcore_parallel>], iteration_bounds = array<i64: 2, 16>, scalar_prefetch = 0 : i64, scratch_operands = 4 : i64, tpu.core_type = #tpu.core_type<sc_vector_subcore>, window_params = [{transform_indices = #map}, {transform_indices = #map1}]} {
    %mul3A = arith.constant 2 : i32
    %mul3A_0 = arith.muli %arg1, %mul3A : i32
    %add3A = arith.addi %mul3A_0, %arg0 : i32
    %broadcast_in_dim3A = arith.constant 0.000000e+00 : f32
    %broadcast_in_dim3A_1 = vector.broadcast %broadcast_in_dim3A : f32 to vector<16xf32>
    %broadcast_in_dim3A_2 = arith.constant 1.000000e+00 : f32
    %broadcast_in_dim3A_3 = vector.broadcast %broadcast_in_dim3A_2 : f32 to vector<16xf32>
    %scan3A = arith.constant 0 : i32
    %scan3A_4 = arith.constant 0 : i32
    %scan3A_5 = arith.constant 128 : i32
    %scan3A_6 = arith.addi %scan3A_4, %scan3A_5 : i32
    %scan3A_7 = arith.constant 1 : i32
    %scan3A_8 = scf.for %scan3A_60 = %scan3A_4 to %scan3A_6 step %scan3A_7 iter_args(%scan3A_61 = %scan3A) -> (i32)  : i32 {
      %swap3A = arith.index_cast %scan3A_60 : i32 to index
      %swap3A_62 = arith.constant 0 : index
      %swap3A_63 = tpu.vector_load %arg7[%swap3A, %swap3A_62] {strides = array<i32>} : memref<128x128xf32, #tpu.memory_space<vmem>>, vector<1x16xf32>,
      %swap3A_64 = vector.shape_cast %swap3A_63 : vector<1x16xf32> to vector<16xf32>
      %swap3A_65 = vector.shape_cast %broadcast_in_dim3A_1 : vector<16xf32> to vector<1x16xf32>
      tpu.vector_store %arg7[%swap3A, %swap3A_62], %swap3A_65 {strides = array<i32>} : memref<128x128xf32, #tpu.memory_space<vmem>>, vector<1x16xf32>,
      %swap3A_66 = arith.index_cast %scan3A_60 : i32 to index
      %swap3A_67 = arith.constant 0 : index
      %swap3A_68 = tpu.vector_load %arg6[%swap3A_66, %swap3A_67] {strides = array<i32>} : memref<128x128xf32, #tpu.memory_space<vmem>>, vector<1x16xf32>,
      %swap3A_69 = vector.shape_cast %swap3A_68 : vector<1x16xf32> to vector<16xf32>
      %swap3A_70 = vector.shape_cast %broadcast_in_dim3A_3 : vector<16xf32> to vector<1x16xf32>
      tpu.vector_store %arg6[%swap3A_66, %swap3A_67], %swap3A_70 {strides = array<i32>} : memref<128x128xf32, #tpu.memory_space<vmem>>, vector<1x16xf32>,
      %swap3A_71 = arith.index_cast %scan3A_60 : i32 to index
      %swap3A_72 = arith.constant 16 : index
      %swap3A_73 = tpu.vector_load %arg7[%swap3A_71, %swap3A_72] {strides = array<i32>} : memref<128x128xf32, #tpu.memory_space<vmem>>, vector<1x16xf32>,
      %swap3A_74 = vector.shape_cast %swap3A_73 : vector<1x16xf32> to vector<16xf32>
      %swap3A_75 = vector.shape_cast %broadcast_in_dim3A_1 : vector<16xf32> to vector<1x16xf32>
      tpu.vector_store %arg7[%swap3A_71, %swap3A_72], %swap3A_75 {strides = array<i32>} : memref<128x128xf32, #tpu.memory_space<vmem>>, vector<1x16xf32>,
      %swap3A_76 = arith.index_cast %scan3A_60 : i32 to index
      %swap3A_77 = arith.constant 16 : index
      %swap3A_78 = tpu.vector_load %arg6[%swap3A_76, %swap3A_77] {strides = array<i32>} : memref<128x128xf32, #tpu.memory_space<vmem>>, vector<1x16xf32>,
      %swap3A_79 = vector.shape_cast %swap3A_78 : vector<1x16xf32> to vector<16xf32>
      %swap3A_80 = vector.shape_cast %broadcast_in_dim3A_3 : vector<16xf32> to vector<1x16xf32>
      tpu.vector_store %arg6[%swap3A_76, %swap3A_77], %swap3A_80 {strides = array<i32>} : memref<128x128xf32, #tpu.memory_space<vmem>>, vector<1x16xf32>,
      %swap3A_81 = arith.index_cast %scan3A_60 : i32 to index
      %swap3A_82 = arith.constant 32 : index
      %swap3A_83 = tpu.vector_load %arg7[%swap3A_81, %swap3A_82] {strides = array<i32>} : memref<128x128xf32, #tpu.memory_space<vmem>>, vector<1x16xf32>,
      %swap3A_84 = vector.shape_cast %swap3A_83 : vector<1x16xf32> to vector<16xf32>
      %swap3A_85 = vector.shape_cast %broadcast_in_dim3A_1 : vector<16xf32> to vector<1x16xf32>
      tpu.vector_store %arg7[%swap3A_81, %swap3A_82], %swap3A_85 {strides = array<i32>} : memref<128x128xf32, #tpu.memory_space<vmem>>, vector<1x16xf32>,
      %swap3A_86 = arith.index_cast %scan3A_60 : i32 to index
      %swap3A_87 = arith.constant 32 : index
      %swap3A_88 = tpu.vector_load %arg6[%swap3A_86, %swap3A_87] {strides = array<i32>} : memref<128x128xf32, #tpu.memory_space<vmem>>, vector<1x16xf32>,
      %swap3A_89 = vector.shape_cast %swap3A_88 : vector<1x16xf32> to vector<16xf32>
      %swap3A_90 = vector.shape_cast %broadcast_in_dim3A_3 : vector<16xf32> to vector<1x16xf32>
      tpu.vector_store %arg6[%swap3A_86, %swap3A_87], %swap3A_90 {strides = array<i32>} : memref<128x128xf32, #tpu.memory_space<vmem>>, vector<1x16xf32>,
      %swap3A_91 = arith.index_cast %scan3A_60 : i32 to index
      %swap3A_92 = arith.constant 48 : index
      %swap3A_93 = tpu.vector_load %arg7[%swap3A_91, %swap3A_92] {strides = array<i32>} : memref<128x128xf32, #tpu.memory_space<vmem>>, vector<1x16xf32>,
      %swap3A_94 = vector.shape_cast %swap3A_93 : vector<1x16xf32> to vector<16xf32>
      %swap3A_95 = vector.shape_cast %broadcast_in_dim3A_1 : vector<16xf32> to vector<1x16xf32>
      tpu.vector_store %arg7[%swap3A_91, %swap3A_92], %swap3A_95 {strides = array<i32>} : memref<128x128xf32, #tpu.memory_space<vmem>>, vector<1x16xf32>,
      %swap3A_96 = arith.index_cast %scan3A_60 : i32 to index
      %swap3A_97 = arith.constant 48 : index
      %swap3A_98 = tpu.vector_load %arg6[%swap3A_96, %swap3A_97] {strides = array<i32>} : memref<128x128xf32, #tpu.memory_space<vmem>>, vector<1x16xf32>,
      %swap3A_99 = vector.shape_cast %swap3A_98 : vector<1x16xf32> to vector<16xf32>
      %swap3A_100 = vector.shape_cast %broadcast_in_dim3A_3 : vector<16xf32> to vector<1x16xf32>
      tpu.vector_store %arg6[%swap3A_96, %swap3A_97], %swap3A_100 {strides = array<i32>} : memref<128x128xf32, #tpu.memory_space<vmem>>, vector<1x16xf32>,
      %swap3A_101 = arith.index_cast %scan3A_60 : i32 to index
      %swap3A_102 = arith.constant 64 : index
      %swap3A_103 = tpu.vector_load %arg7[%swap3A_101, %swap3A_102] {strides = array<i32>} : memref<128x128xf32, #tpu.memory_space<vmem>>, vector<1x16xf32>,
      %swap3A_104 = vector.shape_cast %swap3A_103 : vector<1x16xf32> to vector<16xf32>
      %swap3A_105 = vector.shape_cast %broadcast_in_dim3A_1 : vector<16xf32> to vector<1x16xf32>
      tpu.vector_store %arg7[%swap3A_101, %swap3A_102], %swap3A_105 {strides = array<i32>} : memref<128x128xf32, #tpu.memory_space<vmem>>, vector<1x16xf32>,
      %swap3A_106 = arith.index_cast %scan3A_60 : i32 to index
      %swap3A_107 = arith.constant 64 : index
      %swap3A_108 = tpu.vector_load %arg6[%swap3A_106, %swap3A_107] {strides = array<i32>} : memref<128x128xf32, #tpu.memory_space<vmem>>, vector<1x16xf32>,
      %swap3A_109 = vector.shape_cast %swap3A_108 : vector<1x16xf32> to vector<16xf32>
      %swap3A_110 = vector.shape_cast %broadcast_in_dim3A_3 : vector<16xf32> to vector<1x16xf32>
      tpu.vector_store %arg6[%swap3A_106, %swap3A_107], %swap3A_110 {strides = array<i32>} : memref<128x128xf32, #tpu.memory_space<vmem>>, vector<1x16xf32>,
      %swap3A_111 = arith.index_cast %scan3A_60 : i32 to index
      %swap3A_112 = arith.constant 80 : index
      %swap3A_113 = tpu.vector_load %arg7[%swap3A_111, %swap3A_112] {strides = array<i32>} : memref<128x128xf32, #tpu.memory_space<vmem>>, vector<1x16xf32>,
      %swap3A_114 = vector.shape_cast %swap3A_113 : vector<1x16xf32> to vector<16xf32>
      %swap3A_115 = vector.shape_cast %broadcast_in_dim3A_1 : vector<16xf32> to vector<1x16xf32>
      tpu.vector_store %arg7[%swap3A_111, %swap3A_112], %swap3A_115 {strides = array<i32>} : memref<128x128xf32, #tpu.memory_space<vmem>>, vector<1x16xf32>,
      %swap3A_116 = arith.index_cast %scan3A_60 : i32 to index
      %swap3A_117 = arith.constant 80 : index
      %swap3A_118 = tpu.vector_load %arg6[%swap3A_116, %swap3A_117] {strides = array<i32>} : memref<128x128xf32, #tpu.memory_space<vmem>>, vector<1x16xf32>,
      %swap3A_119 = vector.shape_cast %swap3A_118 : vector<1x16xf32> to vector<16xf32>
      %swap3A_120 = vector.shape_cast %broadcast_in_dim3A_3 : vector<16xf32> to vector<1x16xf32>
      tpu.vector_store %arg6[%swap3A_116, %swap3A_117], %swap3A_120 {strides = array<i32>} : memref<128x128xf32, #tpu.memory_space<vmem>>, vector<1x16xf32>,
      %swap3A_121 = arith.index_cast %scan3A_60 : i32 to index
      %swap3A_122 = arith.constant 96 : index
      %swap3A_123 = tpu.vector_load %arg7[%swap3A_121, %swap3A_122] {strides = array<i32>} : memref<128x128xf32, #tpu.memory_space<vmem>>, vector<1x16xf32>,
      %swap3A_124 = vector.shape_cast %swap3A_123 : vector<1x16xf32> to vector<16xf32>
      %swap3A_125 = vector.shape_cast %broadcast_in_dim3A_1 : vector<16xf32> to vector<1x16xf32>
      tpu.vector_store %arg7[%swap3A_121, %swap3A_122], %swap3A_125 {strides = array<i32>} : memref<128x128xf32, #tpu.memory_space<vmem>>, vector<1x16xf32>,
      %swap3A_126 = arith.index_cast %scan3A_60 : i32 to index
      %swap3A_127 = arith.constant 96 : index
      %swap3A_128 = tpu.vector_load %arg6[%swap3A_126, %swap3A_127] {strides = array<i32>} : memref<128x128xf32, #tpu.memory_space<vmem>>, vector<1x16xf32>,
      %swap3A_129 = vector.shape_cast %swap3A_128 : vector<1x16xf32> to vector<16xf32>
      %swap3A_130 = vector.shape_cast %broadcast_in_dim3A_3 : vector<16xf32> to vector<1x16xf32>
      tpu.vector_store %arg6[%swap3A_126, %swap3A_127], %swap3A_130 {strides = array<i32>} : memref<128x128xf32, #tpu.memory_space<vmem>>, vector<1x16xf32>,
      %swap3A_131 = arith.index_cast %scan3A_60 : i32 to index
      %swap3A_132 = arith.constant 112 : index
      %swap3A_133 = tpu.vector_load %arg7[%swap3A_131, %swap3A_132] {strides = array<i32>} : memref<128x128xf32, #tpu.memory_space<vmem>>, vector<1x16xf32>,
      %swap3A_134 = vector.shape_cast %swap3A_133 : vector<1x16xf32> to vector<16xf32>
      %swap3A_135 = vector.shape_cast %broadcast_in_dim3A_1 : vector<16xf32> to vector<1x16xf32>
      tpu.vector_store %arg7[%swap3A_131, %swap3A_132], %swap3A_135 {strides = array<i32>} : memref<128x128xf32, #tpu.memory_space<vmem>>, vector<1x16xf32>,
      %swap3A_136 = arith.index_cast %scan3A_60 : i32 to index
      %swap3A_137 = arith.constant 112 : index
      %swap3A_138 = tpu.vector_load %arg6[%swap3A_136, %swap3A_137] {strides = array<i32>} : memref<128x128xf32, #tpu.memory_space<vmem>>, vector<1x16xf32>,
      %swap3A_139 = vector.shape_cast %swap3A_138 : vector<1x16xf32> to vector<16xf32>
      %swap3A_140 = vector.shape_cast %broadcast_in_dim3A_3 : vector<16xf32> to vector<1x16xf32>
      tpu.vector_store %arg6[%swap3A_136, %swap3A_137], %swap3A_140 {strides = array<i32>} : memref<128x128xf32, #tpu.memory_space<vmem>>, vector<1x16xf32>,
      %scan3A_141 = arith.constant 0 : i32
      scf.yield %scan3A_141 : i32
    }
    %scan3A_9 = arith.constant 128 : i32
    %mul3A_10 = arith.constant 640 : i32
    %mul3A_11 = arith.muli %arg1, %mul3A_10 : i32
    %add3A_12 = arith.constant 0 : i32
    %add3A_13 = arith.addi %mul3A_11, %add3A_12 : i32
    "tpu.region"() ({
      %run_scoped3A = tpu.sem_alloc : memref<!tpu.dma_semaphore, #tpu.memory_space<semaphore_mem>>
      %dma_start3A = arith.constant 0 : i32
      %dma_start3A_60 = tpu.memref_slice %arg4[%add3A_13, %dma_start3A] : memref<10240x128xf32, #tpu.memory_space<vmem_shared>> -> memref<128x128xf32, #tpu.memory_space<vmem_shared>>
      %dma_start3A_61 = arith.constant 0 : i32
      %dma_start3A_62 = tpu.memref_slice %arg4[%add3A_13, %dma_start3A_61] : memref<10240x128xf32, #tpu.memory_space<vmem_shared>> -> memref<128x128xf32, #tpu.memory_space<vmem_shared>>
      tpu.enqueue_dma source(%arg7 : memref<128x128xf32, #tpu.memory_space<vmem>>) target(%dma_start3A_62 : memref<128x128xf32, #tpu.memory_space<vmem_shared>>) target_semaphore(%run_scoped3A : memref<!tpu.dma_semaphore, #tpu.memory_space<semaphore_mem>>)
      %dma_wait3A = arith.constant 0 : i32
      %dma_wait3A_63 = tpu.memref_slice %arg4[%add3A_13, %dma_wait3A] : memref<10240x128xf32, #tpu.memory_space<vmem_shared>> -> memref<128x128xf32, #tpu.memory_space<vmem_shared>>
      %dma_wait3A_64 = arith.constant 0 : i32
      %dma_wait3A_65 = tpu.memref_slice %arg4[%add3A_13, %dma_wait3A_64] : memref<10240x128xf32, #tpu.memory_space<vmem_shared>> -> memref<128x128xf32, #tpu.memory_space<vmem_shared>>
      tpu.wait_dma2 semaphore(%run_scoped3A : memref<!tpu.dma_semaphore, #tpu.memory_space<semaphore_mem>>) src(%arg7 : memref<128x128xf32, #tpu.memory_space<vmem>>) dst(%dma_wait3A_65 : memref<128x128xf32, #tpu.memory_space<vmem_shared>>)
      tpu.yield
    }) : () -> ()
    %mul3A_14 = arith.constant 640 : i32
    %mul3A_15 = arith.muli %arg1, %mul3A_14 : i32
    %add3A_16 = arith.constant 128 : i32
    %add3A_17 = arith.addi %mul3A_15, %add3A_16 : i32
    "tpu.region"() ({
      %run_scoped3A = tpu.sem_alloc : memref<!tpu.dma_semaphore, #tpu.memory_space<semaphore_mem>>
      %dma_start3A = arith.constant 0 : i32
      %dma_start3A_60 = tpu.memref_slice %arg4[%add3A_17, %dma_start3A] : memref<10240x128xf32, #tpu.memory_space<vmem_shared>> -> memref<128x128xf32, #tpu.memory_space<vmem_shared>>
      %dma_start3A_61 = arith.constant 0 : i32
      %dma_start3A_62 = tpu.memref_slice %arg4[%add3A_17, %dma_start3A_61] : memref<10240x128xf32, #tpu.memory_space<vmem_shared>> -> memref<128x128xf32, #tpu.memory_space<vmem_shared>>
      tpu.enqueue_dma source(%arg7 : memref<128x128xf32, #tpu.memory_space<vmem>>) target(%dma_start3A_62 : memref<128x128xf32, #tpu.memory_space<vmem_shared>>) target_semaphore(%run_scoped3A : memref<!tpu.dma_semaphore, #tpu.memory_space<semaphore_mem>>)
      %dma_wait3A = arith.constant 0 : i32
      %dma_wait3A_63 = tpu.memref_slice %arg4[%add3A_17, %dma_wait3A] : memref<10240x128xf32, #tpu.memory_space<vmem_shared>> -> memref<128x128xf32, #tpu.memory_space<vmem_shared>>
      %dma_wait3A_64 = arith.constant 0 : i32
      %dma_wait3A_65 = tpu.memref_slice %arg4[%add3A_17, %dma_wait3A_64] : memref<10240x128xf32, #tpu.memory_space<vmem_shared>> -> memref<128x128xf32, #tpu.memory_space<vmem_shared>>
      tpu.wait_dma2 semaphore(%run_scoped3A : memref<!tpu.dma_semaphore, #tpu.memory_space<semaphore_mem>>) src(%arg7 : memref<128x128xf32, #tpu.memory_space<vmem>>) dst(%dma_wait3A_65 : memref<128x128xf32, #tpu.memory_space<vmem_shared>>)
      tpu.yield
    }) : () -> ()
    %mul3A_18 = arith.constant 640 : i32
    %mul3A_19 = arith.muli %arg1, %mul3A_18 : i32
    %add3A_20 = arith.constant 256 : i32
    %add3A_21 = arith.addi %mul3A_19, %add3A_20 : i32
    "tpu.region"() ({
      %run_scoped3A = tpu.sem_alloc : memref<!tpu.dma_semaphore, #tpu.memory_space<semaphore_mem>>
      %dma_start3A = arith.constant 0 : i32
      %dma_start3A_60 = tpu.memref_slice %arg4[%add3A_21, %dma_start3A] : memref<10240x128xf32, #tpu.memory_space<vmem_shared>> -> memref<128x128xf32, #tpu.memory_space<vmem_shared>>
      %dma_start3A_61 = arith.constant 0 : i32
      %dma_start3A_62 = tpu.memref_slice %arg4[%add3A_21, %dma_start3A_61] : memref<10240x128xf32, #tpu.memory_space<vmem_shared>> -> memref<128x128xf32, #tpu.memory_space<vmem_shared>>
      tpu.enqueue_dma source(%arg7 : memref<128x128xf32, #tpu.memory_space<vmem>>) target(%dma_start3A_62 : memref<128x128xf32, #tpu.memory_space<vmem_shared>>) target_semaphore(%run_scoped3A : memref<!tpu.dma_semaphore, #tpu.memory_space<semaphore_mem>>)
      %dma_wait3A = arith.constant 0 : i32
      %dma_wait3A_63 = tpu.memref_slice %arg4[%add3A_21, %dma_wait3A] : memref<10240x128xf32, #tpu.memory_space<vmem_shared>> -> memref<128x128xf32, #tpu.memory_space<vmem_shared>>
      %dma_wait3A_64 = arith.constant 0 : i32
      %dma_wait3A_65 = tpu.memref_slice %arg4[%add3A_21, %dma_wait3A_64] : memref<10240x128xf32, #tpu.memory_space<vmem_shared>> -> memref<128x128xf32, #tpu.memory_space<vmem_shared>>
      tpu.wait_dma2 semaphore(%run_scoped3A : memref<!tpu.dma_semaphore, #tpu.memory_space<semaphore_mem>>) src(%arg7 : memref<128x128xf32, #tpu.memory_space<vmem>>) dst(%dma_wait3A_65 : memref<128x128xf32, #tpu.memory_space<vmem_shared>>)
      tpu.yield
    }) : () -> ()
    %mul3A_22 = arith.constant 640 : i32
    %mul3A_23 = arith.muli %arg1, %mul3A_22 : i32
    %add3A_24 = arith.constant 384 : i32
    %add3A_25 = arith.addi %mul3A_23, %add3A_24 : i32
    "tpu.region"() ({
      %run_scoped3A = tpu.sem_alloc : memref<!tpu.dma_semaphore, #tpu.memory_space<semaphore_mem>>
      %dma_start3A = arith.constant 0 : i32
      %dma_start3A_60 = tpu.memref_slice %arg4[%add3A_25, %dma_start3A] : memref<10240x128xf32, #tpu.memory_space<vmem_shared>> -> memref<128x128xf32, #tpu.memory_space<vmem_shared>>
      %dma_start3A_61 = arith.constant 0 : i32
      %dma_start3A_62 = tpu.memref_slice %arg4[%add3A_25, %dma_start3A_61] : memref<10240x128xf32, #tpu.memory_space<vmem_shared>> -> memref<128x128xf32, #tpu.memory_space<vmem_shared>>
      tpu.enqueue_dma source(%arg7 : memref<128x128xf32, #tpu.memory_space<vmem>>) target(%dma_start3A_62 : memref<128x128xf32, #tpu.memory_space<vmem_shared>>) target_semaphore(%run_scoped3A : memref<!tpu.dma_semaphore, #tpu.memory_space<semaphore_mem>>)
      %dma_wait3A = arith.constant 0 : i32
      %dma_wait3A_63 = tpu.memref_slice %arg4[%add3A_25, %dma_wait3A] : memref<10240x128xf32, #tpu.memory_space<vmem_shared>> -> memref<128x128xf32, #tpu.memory_space<vmem_shared>>
      %dma_wait3A_64 = arith.constant 0 : i32
      %dma_wait3A_65 = tpu.memref_slice %arg4[%add3A_25, %dma_wait3A_64] : memref<10240x128xf32, #tpu.memory_space<vmem_shared>> -> memref<128x128xf32, #tpu.memory_space<vmem_shared>>
      tpu.wait_dma2 semaphore(%run_scoped3A : memref<!tpu.dma_semaphore, #tpu.memory_space<semaphore_mem>>) src(%arg7 : memref<128x128xf32, #tpu.memory_space<vmem>>) dst(%dma_wait3A_65 : memref<128x128xf32, #tpu.memory_space<vmem_shared>>)
      tpu.yield
    }) : () -> ()
    %mul3A_26 = arith.constant 640 : i32
    %mul3A_27 = arith.muli %arg1, %mul3A_26 : i32
    %add3A_28 = arith.constant 512 : i32
    %add3A_29 = arith.addi %mul3A_27, %add3A_28 : i32
    "tpu.region"() ({
      %run_scoped3A = tpu.sem_alloc : memref<!tpu.dma_semaphore, #tpu.memory_space<semaphore_mem>>
      %dma_start3A = arith.constant 0 : i32
      %dma_start3A_60 = tpu.memref_slice %arg4[%add3A_29, %dma_start3A] : memref<10240x128xf32, #tpu.memory_space<vmem_shared>> -> memref<128x128xf32, #tpu.memory_space<vmem_shared>>
      %dma_start3A_61 = arith.constant 0 : i32
      %dma_start3A_62 = tpu.memref_slice %arg4[%add3A_29, %dma_start3A_61] : memref<10240x128xf32, #tpu.memory_space<vmem_shared>> -> memref<128x128xf32, #tpu.memory_space<vmem_shared>>
      tpu.enqueue_dma source(%arg7 : memref<128x128xf32, #tpu.memory_space<vmem>>) target(%dma_start3A_62 : memref<128x128xf32, #tpu.memory_space<vmem_shared>>) target_semaphore(%run_scoped3A : memref<!tpu.dma_semaphore, #tpu.memory_space<semaphore_mem>>)
      %dma_wait3A = arith.constant 0 : i32
      %dma_wait3A_63 = tpu.memref_slice %arg4[%add3A_29, %dma_wait3A] : memref<10240x128xf32, #tpu.memory_space<vmem_shared>> -> memref<128x128xf32, #tpu.memory_space<vmem_shared>>
      %dma_wait3A_64 = arith.constant 0 : i32
      %dma_wait3A_65 = tpu.memref_slice %arg4[%add3A_29, %dma_wait3A_64] : memref<10240x128xf32, #tpu.memory_space<vmem_shared>> -> memref<128x128xf32, #tpu.memory_space<vmem_shared>>
      tpu.wait_dma2 semaphore(%run_scoped3A : memref<!tpu.dma_semaphore, #tpu.memory_space<semaphore_mem>>) src(%arg7 : memref<128x128xf32, #tpu.memory_space<vmem>>) dst(%dma_wait3A_65 : memref<128x128xf32, #tpu.memory_space<vmem_shared>>)
      tpu.yield
    }) : () -> ()
    %mul3A_30 = arith.constant 80 : i32
    %mul3A_31 = arith.muli %add3A, %mul3A_30 : i32
    "tpu.region"() ({
      %run_scoped3A = tpu.sem_alloc : memref<!tpu.dma_semaphore, #tpu.memory_space<semaphore_mem>>
      %dma_start3A = arith.constant 0 : i32
      %dma_start3A_60 = tpu.memref_slice %arg2[%mul3A_31, %dma_start3A] : memref<2560x128xi32, #tpu.memory_space<hbm>> -> memref<80x128xi32, #tpu.memory_space<hbm>>
      %dma_start3A_61 = arith.constant 0 : i32
      %dma_start3A_62 = tpu.memref_slice %arg2[%mul3A_31, %dma_start3A_61] : memref<2560x128xi32, #tpu.memory_space<hbm>> -> memref<80x128xi32, #tpu.memory_space<hbm>>
      tpu.enqueue_dma source(%dma_start3A_62 : memref<80x128xi32, #tpu.memory_space<hbm>>) target(%arg5 : memref<80x128xi32, #tpu.memory_space<vmem>>) target_semaphore(%run_scoped3A : memref<!tpu.dma_semaphore, #tpu.memory_space<semaphore_mem>>)
      %dma_wait3A = arith.constant 0 : i32
      %dma_wait3A_63 = tpu.memref_slice %arg2[%mul3A_31, %dma_wait3A] : memref<2560x128xi32, #tpu.memory_space<hbm>> -> memref<80x128xi32, #tpu.memory_space<hbm>>
      %dma_wait3A_64 = arith.constant 0 : i32
      %dma_wait3A_65 = tpu.memref_slice %arg2[%mul3A_31, %dma_wait3A_64] : memref<2560x128xi32, #tpu.memory_space<hbm>> -> memref<80x128xi32, #tpu.memory_space<hbm>>
      tpu.wait_dma2 semaphore(%run_scoped3A : memref<!tpu.dma_semaphore, #tpu.memory_space<semaphore_mem>>) src(%dma_wait3A_65 : memref<80x128xi32, #tpu.memory_space<hbm>>) dst(%arg5 : memref<80x128xi32, #tpu.memory_space<vmem>>)
      tpu.yield
    }) : () -> ()
    %barrier3A = arith.constant 0 : index
    tpu.barrier barrier_id(%barrier3A)
    %scan3A_32 = arith.constant 0 : i32
    %scan3A_33 = arith.constant 0 : i32
    %scan3A_34 = arith.constant 80 : i32
    %scan3A_35 = arith.addi %scan3A_33, %scan3A_34 : i32
    %scan3A_36 = arith.constant 1 : i32
    %scan3A_37 = scf.for %scan3A_60 = %scan3A_33 to %scan3A_35 step %scan3A_36 iter_args(%scan3A_61 = %scan3A_32) -> (i32)  : i32 {
      "tpu.region"() ({
        %run_scoped3A = tpu.sem_alloc : memref<!tpu.dma_semaphore, #tpu.memory_space<semaphore_mem>>
        %dma_start3A = arith.constant 0 : i32
        %dma_start3A_63 = tpu.memref_slice %arg5[%scan3A_60, %dma_start3A] : memref<80x128xi32, #tpu.memory_space<vmem>> -> memref<1x128xi32, #tpu.memory_space<vmem>>
        %dma_start3A_64 = tpu.memref_squeeze %dma_start3A_63 : memref<1x128xi32, #tpu.memory_space<vmem>> -> memref<128xi32, #tpu.memory_space<vmem>>
        %dma_start3A_65 = arith.constant 0 : i32
        %dma_start3A_66 = arith.constant 0 : i32
        %dma_start3A_67 = tpu.memref_slice %arg4[%dma_start3A_65, %dma_start3A_66] : memref<10240x128xf32, #tpu.memory_space<vmem_shared>> -> memref<10240x128xf32, #tpu.memory_space<vmem_shared>>
        tpu.enqueue_indirect_dma source(%arg6 : memref<128x128xf32, #tpu.memory_space<vmem>>) target(%dma_start3A_67 : memref<10240x128xf32, #tpu.memory_space<vmem_shared>>) offsets(%dma_start3A_64 : memref<128xi32, #tpu.memory_space<vmem>>) semaphore(%run_scoped3A : memref<!tpu.dma_semaphore, #tpu.memory_space<semaphore_mem>>) {add = true}
        %dma_wait3A = arith.constant 0 : i32
        %dma_wait3A_68 = tpu.memref_slice %arg5[%scan3A_60, %dma_wait3A] : memref<80x128xi32, #tpu.memory_space<vmem>> -> memref<1x128xi32, #tpu.memory_space<vmem>>
        %dma_wait3A_69 = tpu.memref_squeeze %dma_wait3A_68 : memref<1x128xi32, #tpu.memory_space<vmem>> -> memref<128xi32, #tpu.memory_space<vmem>>
        %dma_wait3A_70 = arith.constant 0 : i32
        %dma_wait3A_71 = arith.constant 0 : i32
        %dma_wait3A_72 = tpu.memref_slice %arg4[%dma_wait3A_70, %dma_wait3A_71] : memref<10240x128xf32, #tpu.memory_space<vmem_shared>> -> memref<10240x128xf32, #tpu.memory_space<vmem_shared>>
        tpu.wait_indirect_dma semaphore(%run_scoped3A : memref<!tpu.dma_semaphore, #tpu.memory_space<semaphore_mem>>) src(%arg6 : memref<128x128xf32, #tpu.memory_space<vmem>>) dst(%dma_wait3A_72 : memref<10240x128xf32, #tpu.memory_space<vmem_shared>>)
        tpu.yield
      }) : () -> ()
      %scan3A_62 = arith.constant 0 : i32
      scf.yield %scan3A_62 : i32
    }
    %scan3A_38 = arith.constant 80 : i32
    %barrier3A_39 = arith.constant 0 : index
    tpu.barrier barrier_id(%barrier3A_39)
    %mul3A_40 = arith.constant 640 : i32
    %mul3A_41 = arith.muli %arg1, %mul3A_40 : i32
    %add3A_42 = arith.constant 0 : i32
    %add3A_43 = arith.addi %mul3A_41, %add3A_42 : i32
    "tpu.region"() ({
      %run_scoped3A = tpu.sem_alloc : memref<!tpu.dma_semaphore, #tpu.memory_space<semaphore_mem>>
      %dma_start3A = arith.constant 0 : i32
      %dma_start3A_60 = tpu.memref_slice %arg3[%arg0, %add3A_43, %dma_start3A] : memref<2x10240x128xf32, #tpu.memory_space<hbm>> -> memref<1x128x128xf32, #tpu.memory_space<hbm>>
      %dma_start3A_61 = tpu.memref_squeeze %dma_start3A_60 : memref<1x128x128xf32, #tpu.memory_space<hbm>> -> memref<128x128xf32, #tpu.memory_space<hbm>>
      %dma_start3A_62 = arith.constant 0 : i32
      %dma_start3A_63 = tpu.memref_slice %arg4[%add3A_43, %dma_start3A_62] : memref<10240x128xf32, #tpu.memory_space<vmem_shared>> -> memref<128x128xf32, #tpu.memory_space<vmem_shared>>
      tpu.enqueue_dma source(%dma_start3A_63 : memref<128x128xf32, #tpu.memory_space<vmem_shared>>) target(%dma_start3A_61 : memref<128x128xf32, #tpu.memory_space<hbm>>) target_semaphore(%run_scoped3A : memref<!tpu.dma_semaphore, #tpu.memory_space<semaphore_mem>>)
      %dma_wait3A = arith.constant 0 : i32
      %dma_wait3A_64 = tpu.memref_slice %arg3[%arg0, %add3A_43, %dma_wait3A] : memref<2x10240x128xf32, #tpu.memory_space<hbm>> -> memref<1x128x128xf32, #tpu.memory_space<hbm>>
      %dma_wait3A_65 = tpu.memref_squeeze %dma_wait3A_64 : memref<1x128x128xf32, #tpu.memory_space<hbm>> -> memref<128x128xf32, #tpu.memory_space<hbm>>
      %dma_wait3A_66 = arith.constant 0 : i32
      %dma_wait3A_67 = tpu.memref_slice %arg4[%add3A_43, %dma_wait3A_66] : memref<10240x128xf32, #tpu.memory_space<vmem_shared>> -> memref<128x128xf32, #tpu.memory_space<vmem_shared>>
      tpu.wait_dma2 semaphore(%run_scoped3A : memref<!tpu.dma_semaphore, #tpu.memory_space<semaphore_mem>>) src(%dma_wait3A_67 : memref<128x128xf32, #tpu.memory_space<vmem_shared>>) dst(%dma_wait3A_65 : memref<128x128xf32, #tpu.memory_space<hbm>>)
      tpu.yield
    }) : () -> ()
    %mul3A_44 = arith.constant 640 : i32
    %mul3A_45 = arith.muli %arg1, %mul3A_44 : i32
    %add3A_46 = arith.constant 128 : i32
    %add3A_47 = arith.addi %mul3A_45, %add3A_46 : i32
    "tpu.region"() ({
      %run_scoped3A = tpu.sem_alloc : memref<!tpu.dma_semaphore, #tpu.memory_space<semaphore_mem>>
      %dma_start3A = arith.constant 0 : i32
      %dma_start3A_60 = tpu.memref_slice %arg3[%arg0, %add3A_47, %dma_start3A] : memref<2x10240x128xf32, #tpu.memory_space<hbm>> -> memref<1x128x128xf32, #tpu.memory_space<hbm>>
      %dma_start3A_61 = tpu.memref_squeeze %dma_start3A_60 : memref<1x128x128xf32, #tpu.memory_space<hbm>> -> memref<128x128xf32, #tpu.memory_space<hbm>>
      %dma_start3A_62 = arith.constant 0 : i32
      %dma_start3A_63 = tpu.memref_slice %arg4[%add3A_47, %dma_start3A_62] : memref<10240x128xf32, #tpu.memory_space<vmem_shared>> -> memref<128x128xf32, #tpu.memory_space<vmem_shared>>
      tpu.enqueue_dma source(%dma_start3A_63 : memref<128x128xf32, #tpu.memory_space<vmem_shared>>) target(%dma_start3A_61 : memref<128x128xf32, #tpu.memory_space<hbm>>) target_semaphore(%run_scoped3A : memref<!tpu.dma_semaphore, #tpu.memory_space<semaphore_mem>>)
      %dma_wait3A = arith.constant 0 : i32
      %dma_wait3A_64 = tpu.memref_slice %arg3[%arg0, %add3A_47, %dma_wait3A] : memref<2x10240x128xf32, #tpu.memory_space<hbm>> -> memref<1x128x128xf32, #tpu.memory_space<hbm>>
      %dma_wait3A_65 = tpu.memref_squeeze %dma_wait3A_64 : memref<1x128x128xf32, #tpu.memory_space<hbm>> -> memref<128x128xf32, #tpu.memory_space<hbm>>
      %dma_wait3A_66 = arith.constant 0 : i32
      %dma_wait3A_67 = tpu.memref_slice %arg4[%add3A_47, %dma_wait3A_66] : memref<10240x128xf32, #tpu.memory_space<vmem_shared>> -> memref<128x128xf32, #tpu.memory_space<vmem_shared>>
      tpu.wait_dma2 semaphore(%run_scoped3A : memref<!tpu.dma_semaphore, #tpu.memory_space<semaphore_mem>>) src(%dma_wait3A_67 : memref<128x128xf32, #tpu.memory_space<vmem_shared>>) dst(%dma_wait3A_65 : memref<128x128xf32, #tpu.memory_space<hbm>>)
      tpu.yield
    }) : () -> ()
    %mul3A_48 = arith.constant 640 : i32
    %mul3A_49 = arith.muli %arg1, %mul3A_48 : i32
    %add3A_50 = arith.constant 256 : i32
    %add3A_51 = arith.addi %mul3A_49, %add3A_50 : i32
    "tpu.region"() ({
      %run_scoped3A = tpu.sem_alloc : memref<!tpu.dma_semaphore, #tpu.memory_space<semaphore_mem>>
      %dma_start3A = arith.constant 0 : i32
      %dma_start3A_60 = tpu.memref_slice %arg3[%arg0, %add3A_51, %dma_start3A] : memref<2x10240x128xf32, #tpu.memory_space<hbm>> -> memref<1x128x128xf32, #tpu.memory_space<hbm>>
      %dma_start3A_61 = tpu.memref_squeeze %dma_start3A_60 : memref<1x128x128xf32, #tpu.memory_space<hbm>> -> memref<128x128xf32, #tpu.memory_space<hbm>>
      %dma_start3A_62 = arith.constant 0 : i32
      %dma_start3A_63 = tpu.memref_slice %arg4[%add3A_51, %dma_start3A_62] : memref<10240x128xf32, #tpu.memory_space<vmem_shared>> -> memref<128x128xf32, #tpu.memory_space<vmem_shared>>
      tpu.enqueue_dma source(%dma_start3A_63 : memref<128x128xf32, #tpu.memory_space<vmem_shared>>) target(%dma_start3A_61 : memref<128x128xf32, #tpu.memory_space<hbm>>) target_semaphore(%run_scoped3A : memref<!tpu.dma_semaphore, #tpu.memory_space<semaphore_mem>>)
      %dma_wait3A = arith.constant 0 : i32
      %dma_wait3A_64 = tpu.memref_slice %arg3[%arg0, %add3A_51, %dma_wait3A] : memref<2x10240x128xf32, #tpu.memory_space<hbm>> -> memref<1x128x128xf32, #tpu.memory_space<hbm>>
      %dma_wait3A_65 = tpu.memref_squeeze %dma_wait3A_64 : memref<1x128x128xf32, #tpu.memory_space<hbm>> -> memref<128x128xf32, #tpu.memory_space<hbm>>
      %dma_wait3A_66 = arith.constant 0 : i32
      %dma_wait3A_67 = tpu.memref_slice %arg4[%add3A_51, %dma_wait3A_66] : memref<10240x128xf32, #tpu.memory_space<vmem_shared>> -> memref<128x128xf32, #tpu.memory_space<vmem_shared>>
      tpu.wait_dma2 semaphore(%run_scoped3A : memref<!tpu.dma_semaphore, #tpu.memory_space<semaphore_mem>>) src(%dma_wait3A_67 : memref<128x128xf32, #tpu.memory_space<vmem_shared>>) dst(%dma_wait3A_65 : memref<128x128xf32, #tpu.memory_space<hbm>>)
      tpu.yield
    }) : () -> ()
    %mul3A_52 = arith.constant 640 : i32
    %mul3A_53 = arith.muli %arg1, %mul3A_52 : i32
    %add3A_54 = arith.constant 384 : i32
    %add3A_55 = arith.addi %mul3A_53, %add3A_54 : i32
    "tpu.region"() ({
      %run_scoped3A = tpu.sem_alloc : memref<!tpu.dma_semaphore, #tpu.memory_space<semaphore_mem>>
      %dma_start3A = arith.constant 0 : i32
      %dma_start3A_60 = tpu.memref_slice %arg3[%arg0, %add3A_55, %dma_start3A] : memref<2x10240x128xf32, #tpu.memory_space<hbm>> -> memref<1x128x128xf32, #tpu.memory_space<hbm>>
      %dma_start3A_61 = tpu.memref_squeeze %dma_start3A_60 : memref<1x128x128xf32, #tpu.memory_space<hbm>> -> memref<128x128xf32, #tpu.memory_space<hbm>>
      %dma_start3A_62 = arith.constant 0 : i32
      %dma_start3A_63 = tpu.memref_slice %arg4[%add3A_55, %dma_start3A_62] : memref<10240x128xf32, #tpu.memory_space<vmem_shared>> -> memref<128x128xf32, #tpu.memory_space<vmem_shared>>
      tpu.enqueue_dma source(%dma_start3A_63 : memref<128x128xf32, #tpu.memory_space<vmem_shared>>) target(%dma_start3A_61 : memref<128x128xf32, #tpu.memory_space<hbm>>) target_semaphore(%run_scoped3A : memref<!tpu.dma_semaphore, #tpu.memory_space<semaphore_mem>>)
      %dma_wait3A = arith.constant 0 : i32
      %dma_wait3A_64 = tpu.memref_slice %arg3[%arg0, %add3A_55, %dma_wait3A] : memref<2x10240x128xf32, #tpu.memory_space<hbm>> -> memref<1x128x128xf32, #tpu.memory_space<hbm>>
      %dma_wait3A_65 = tpu.memref_squeeze %dma_wait3A_64 : memref<1x128x128xf32, #tpu.memory_space<hbm>> -> memref<128x128xf32, #tpu.memory_space<hbm>>
      %dma_wait3A_66 = arith.constant 0 : i32
      %dma_wait3A_67 = tpu.memref_slice %arg4[%add3A_55, %dma_wait3A_66] : memref<10240x128xf32, #tpu.memory_space<vmem_shared>> -> memref<128x128xf32, #tpu.memory_space<vmem_shared>>
      tpu.wait_dma2 semaphore(%run_scoped3A : memref<!tpu.dma_semaphore, #tpu.memory_space<semaphore_mem>>) src(%dma_wait3A_67 : memref<128x128xf32, #tpu.memory_space<vmem_shared>>) dst(%dma_wait3A_65 : memref<128x128xf32, #tpu.memory_space<hbm>>)
      tpu.yield
    }) : () -> ()
    %mul3A_56 = arith.constant 640 : i32
    %mul3A_57 = arith.muli %arg1, %mul3A_56 : i32
    %add3A_58 = arith.constant 512 : i32
    %add3A_59 = arith.addi %mul3A_57, %add3A_58 : i32
    "tpu.region"() ({
      %run_scoped3A = tpu.sem_alloc : memref<!tpu.dma_semaphore, #tpu.memory_space<semaphore_mem>>
      %dma_start3A = arith.constant 0 : i32
      %dma_start3A_60 = tpu.memref_slice %arg3[%arg0, %add3A_59, %dma_start3A] : memref<2x10240x128xf32, #tpu.memory_space<hbm>> -> memref<1x128x128xf32, #tpu.memory_space<hbm>>
      %dma_start3A_61 = tpu.memref_squeeze %dma_start3A_60 : memref<1x128x128xf32, #tpu.memory_space<hbm>> -> memref<128x128xf32, #tpu.memory_space<hbm>>
      %dma_start3A_62 = arith.constant 0 : i32
      %dma_start3A_63 = tpu.memref_slice %arg4[%add3A_59, %dma_start3A_62] : memref<10240x128xf32, #tpu.memory_space<vmem_shared>> -> memref<128x128xf32, #tpu.memory_space<vmem_shared>>
      tpu.enqueue_dma source(%dma_start3A_63 : memref<128x128xf32, #tpu.memory_space<vmem_shared>>) target(%dma_start3A_61 : memref<128x128xf32, #tpu.memory_space<hbm>>) target_semaphore(%run_scoped3A : memref<!tpu.dma_semaphore, #tpu.memory_space<semaphore_mem>>)
      %dma_wait3A = arith.constant 0 : i32
      %dma_wait3A_64 = tpu.memref_slice %arg3[%arg0, %add3A_59, %dma_wait3A] : memref<2x10240x128xf32, #tpu.memory_space<hbm>> -> memref<1x128x128xf32, #tpu.memory_space<hbm>>
      %dma_wait3A_65 = tpu.memref_squeeze %dma_wait3A_64 : memref<1x128x128xf32, #tpu.memory_space<hbm>> -> memref<128x128xf32, #tpu.memory_space<hbm>>
      %dma_wait3A_66 = arith.constant 0 : i32
      %dma_wait3A_67 = tpu.memref_slice %arg4[%add3A_59, %dma_wait3A_66] : memref<10240x128xf32, #tpu.memory_space<vmem_shared>> -> memref<128x128xf32, #tpu.memory_space<vmem_shared>>
      tpu.wait_dma2 semaphore(%run_scoped3A : memref<!tpu.dma_semaphore, #tpu.memory_space<semaphore_mem>>) src(%dma_wait3A_67 : memref<128x128xf32, #tpu.memory_space<vmem_shared>>) dst(%dma_wait3A_65 : memref<128x128xf32, #tpu.memory_space<hbm>>)
      tpu.yield
    }) : () -> ()
    return
  }
}

module attributes {stable_mosaic.version = 14 : i64} {
  func.func @body(%arg0: memref<2x10240x128xf32, #tpu.memory_space<vmem>>, %arg1: memref<10000x128xf32, #tpu.memory_space<vmem>>, %arg2: memref<10000x1xf32, #tpu.memory_space<vmem>>, %arg3: memref<1x128xf32, #tpu.memory_space<vmem>>, %arg4: memref<128x128xf32, #tpu.memory_space<vmem>>, %arg5: memref<10000x128xf32, #tpu.memory_space<vmem>>, %arg6: memref<10000x128xf32, #tpu.memory_space<vmem>>) attributes {dimension_semantics = [], scalar_prefetch = 0 : i64, scratch_operands = 0 : i64, tpu.core_type = #tpu.core_type<tc>} {
    %get3A = arith.constant 0 : index
    %get3A_0 = arith.constant 0 : index
    %get3A_1 = vector.load %arg2[%get3A, %get3A_0] : memref<10000x1xf32, #tpu.memory_space<vmem>>, vector<10000x1xf32>
    %get3A_2 = arith.constant 0 : index
    %get3A_3 = arith.constant 0 : index
    %get3A_4 = arith.constant 0 : index
    %get3A_5 = vector.load %arg0[%get3A_2, %get3A_3, %get3A_4] : memref<2x10240x128xf32, #tpu.memory_space<vmem>>, vector<1x10000x128xf32>
    %get3A_6 = vector.shape_cast %get3A_5 : vector<1x10000x128xf32> to vector<10000x128xf32>
    %get3A_7 = arith.constant 1 : index
    %get3A_8 = arith.constant 0 : index
    %get3A_9 = arith.constant 0 : index
    %get3A_10 = vector.load %arg0[%get3A_7, %get3A_8, %get3A_9] : memref<2x10240x128xf32, #tpu.memory_space<vmem>>, vector<1x10000x128xf32>
    %get3A_11 = vector.shape_cast %get3A_10 : vector<1x10000x128xf32> to vector<10000x128xf32>
    %add3A = arith.addf %get3A_6, %get3A_11 : vector<10000x128xf32>
    %get3A_12 = arith.constant 0 : index
    %get3A_13 = arith.constant 0 : index
    %get3A_14 = vector.load %arg1[%get3A_12, %get3A_13] : memref<10000x128xf32, #tpu.memory_space<vmem>>, vector<10000x128xf32>
    %add3A_15 = arith.addf %add3A, %get3A_14 : vector<10000x128xf32>
    %mul3A = vector.broadcast %get3A_1 : vector<10000x1xf32> to vector<10000x128xf32>
    %mul3A_16 = arith.mulf %mul3A, %add3A_15 : vector<10000x128xf32>
    %get3A_17 = arith.constant 0 : index
    %get3A_18 = arith.constant 0 : index
    %get3A_19 = vector.load %arg3[%get3A_17, %get3A_18] : memref<1x128xf32, #tpu.memory_space<vmem>>, vector<1x128xf32>
    %add3A_20 = vector.broadcast %get3A_19 : vector<1x128xf32> to vector<10000x128xf32>
    %add3A_21 = arith.addf %mul3A_16, %add3A_20 : vector<10000x128xf32>
    %max3A = arith.constant 0.000000e+00 : f32
    %max3A_22 = vector.broadcast %max3A : f32 to vector<10000x128xf32>
    %max3A_23 = arith.maximumf %add3A_21, %max3A_22 : vector<10000x128xf32>
    %get3A_24 = arith.constant 0 : index
    %get3A_25 = arith.constant 0 : index
    %get3A_26 = vector.load %arg4[%get3A_24, %get3A_25] : memref<128x128xf32, #tpu.memory_space<vmem>>, vector<128x128xf32>
    %broadcast_in_dim3A = arith.constant 1.000000e+00 : f32
    %broadcast_in_dim3A_27 = vector.broadcast %broadcast_in_dim3A : f32 to vector<1x128xf32>
    %sqrt3A = arith.constant 1.280000e+02 : f32
    %sqrt3A_28 = math.sqrt %sqrt3A : f32
    %add3A_29 = arith.constant 9.99999996E-13 : f32
    %add3A_30 = arith.addf %sqrt3A_28, %add3A_29 : f32
    %div3A = vector.broadcast %add3A_30 : f32 to vector<1x128xf32>
    %div3A_31 = arith.divf %broadcast_in_dim3A_27, %div3A : vector<1x128xf32>
    %dot_general3A = arith.constant dense<0.000000e+00> : vector<1x128xf32>
    %dot_general3A_32 = tpu.matmul %div3A_31, %get3A_26, %dot_general3A {dimension_numbers = #tpu.dot_dimension_numbers<[1], [0], [0], [1], [0, 0, 1, 1], [], []>, transpose_lhs_hint = false} : vector<1x128xf32>, vector<128x128xf32>, vector<1x128xf32> -> vector<1x128xf32>
    %mul3A_33 = arith.mulf %dot_general3A_32, %dot_general3A_32 : vector<1x128xf32>
    %reduce_sum3A = vector.shape_cast %mul3A_33 : vector<1x128xf32> to vector<1x1x128xf32>
    %reduce_sum3A_34 = arith.constant dense<0.000000e+00> : vector<1xf32>
    %reduce_sum3A_35 = vector.multi_reduction <add>, %reduce_sum3A, %reduce_sum3A_34 [1, 2] : vector<1x1x128xf32> to vector<1xf32>
    %reduce_sum3A_36 = vector.shape_cast %reduce_sum3A_35 : vector<1xf32> to vector<1x1x1xf32>
    %reduce_sum3A_37 = vector.extract %reduce_sum3A_36[0, 0, 0] : f32 from vector<1x1x1xf32>
    %sqrt3A_38 = math.sqrt %reduce_sum3A_37 : f32
    %add3A_39 = arith.constant 9.99999996E-13 : f32
    %add3A_40 = arith.addf %sqrt3A_38, %add3A_39 : f32
    %div3A_41 = vector.broadcast %add3A_40 : f32 to vector<1x128xf32>
    %div3A_42 = arith.divf %dot_general3A_32, %div3A_41 : vector<1x128xf32>
    %dot_general3A_43 = arith.constant dense<0.000000e+00> : vector<1x128xf32>
    %dot_general3A_44 = tpu.matmul %div3A_42, %get3A_26, %dot_general3A_43 {dimension_numbers = #tpu.dot_dimension_numbers<[1], [1], [0], [0], [0, 0, 1, 0], [], []>, transpose_lhs_hint = false} : vector<1x128xf32>, vector<128x128xf32>, vector<1x128xf32> -> vector<1x128xf32>
    %mul3A_45 = arith.mulf %dot_general3A_44, %dot_general3A_44 : vector<1x128xf32>
    %reduce_sum3A_46 = vector.shape_cast %mul3A_45 : vector<1x128xf32> to vector<1x1x128xf32>
    %reduce_sum3A_47 = arith.constant dense<0.000000e+00> : vector<1xf32>
    %reduce_sum3A_48 = vector.multi_reduction <add>, %reduce_sum3A_46, %reduce_sum3A_47 [1, 2] : vector<1x1x128xf32> to vector<1xf32>
    %reduce_sum3A_49 = vector.shape_cast %reduce_sum3A_48 : vector<1xf32> to vector<1x1x1xf32>
    %reduce_sum3A_50 = vector.extract %reduce_sum3A_49[0, 0, 0] : f32 from vector<1x1x1xf32>
    %sqrt3A_51 = math.sqrt %reduce_sum3A_50 : f32
    %add3A_52 = arith.constant 9.99999996E-13 : f32
    %add3A_53 = arith.addf %sqrt3A_51, %add3A_52 : f32
    %div3A_54 = vector.broadcast %add3A_53 : f32 to vector<1x128xf32>
    %div3A_55 = arith.divf %dot_general3A_44, %div3A_54 : vector<1x128xf32>
    %dot_general3A_56 = arith.constant dense<0.000000e+00> : vector<1x128xf32>
    %dot_general3A_57 = tpu.matmul %div3A_55, %get3A_26, %dot_general3A_56 {dimension_numbers = #tpu.dot_dimension_numbers<[1], [0], [0], [1], [0, 0, 1, 1], [], []>, transpose_lhs_hint = false} : vector<1x128xf32>, vector<128x128xf32>, vector<1x128xf32> -> vector<1x128xf32>
    %mul3A_58 = arith.mulf %dot_general3A_57, %div3A_42 : vector<1x128xf32>
    %reduce_sum3A_59 = vector.shape_cast %mul3A_58 : vector<1x128xf32> to vector<1x1x128xf32>
    %reduce_sum3A_60 = arith.constant dense<0.000000e+00> : vector<1xf32>
    %reduce_sum3A_61 = vector.multi_reduction <add>, %reduce_sum3A_59, %reduce_sum3A_60 [1, 2] : vector<1x1x128xf32> to vector<1xf32>
    %reduce_sum3A_62 = vector.shape_cast %reduce_sum3A_61 : vector<1xf32> to vector<1x1x1xf32>
    %reduce_sum3A_63 = vector.extract %reduce_sum3A_62[0, 0, 0] : f32 from vector<1x1x1xf32>
    %div3A_64 = vector.broadcast %reduce_sum3A_63 : f32 to vector<10000x1xf32>
    %div3A_65 = arith.divf %get3A_1, %div3A_64 : vector<10000x1xf32>
    %dot_general3A_66 = arith.constant dense<0.000000e+00> : vector<10000x128xf32>
    %dot_general3A_67 = tpu.matmul %max3A_23, %get3A_26, %dot_general3A_66 {dimension_numbers = #tpu.dot_dimension_numbers<[1], [0], [0], [1], [0, 0, 1, 1], [], []>, transpose_lhs_hint = false} : vector<10000x128xf32>, vector<128x128xf32>, vector<10000x128xf32> -> vector<10000x128xf32>
    %mul3A_68 = vector.broadcast %div3A_65 : vector<10000x1xf32> to vector<10000x128xf32>
    %mul3A_69 = arith.mulf %mul3A_68, %dot_general3A_67 : vector<10000x128xf32>
    %swap3A = arith.constant 0 : index
    %swap3A_70 = arith.constant 0 : index
    %swap3A_71 = vector.load %arg6[%swap3A, %swap3A_70] : memref<10000x128xf32, #tpu.memory_space<vmem>>, vector<10000x128xf32>
    tpu.vector_store %arg6[%swap3A, %swap3A_70], %mul3A_69 {strides = array<i32>} : memref<10000x128xf32, #tpu.memory_space<vmem>>, vector<10000x128xf32>,
    %swap3A_72 = arith.constant 0 : index
    %swap3A_73 = arith.constant 0 : index
    %swap3A_74 = vector.load %arg5[%swap3A_72, %swap3A_73] : memref<10000x128xf32, #tpu.memory_space<vmem>>, vector<10000x128xf32>
    tpu.vector_store %arg5[%swap3A_72, %swap3A_73], %max3A_23 {strides = array<i32>} : memref<10000x128xf32, #tpu.memory_space<vmem>>, vector<10000x128xf32>,
    return
  }
}

module attributes {stable_mosaic.version = 14 : i64} {
  func.func @body(%arg0: memref<10000x128xf32, #tpu.memory_space<vmem>>, %arg1: memref<128x128xf32, #tpu.memory_space<vmem>>, %arg2: memref<2x10240x128xf32, #tpu.memory_space<vmem>>, %arg3: memref<10000x128xf32, #tpu.memory_space<vmem>>, %arg4: memref<10000x1xf32, #tpu.memory_space<vmem>>) attributes {dimension_semantics = [], scalar_prefetch = 0 : i64, scratch_operands = 0 : i64, tpu.core_type = #tpu.core_type<tc>} {
    %get3A = arith.constant 0 : index
    %get3A_0 = arith.constant 0 : index
    %get3A_1 = arith.constant 0 : index
    %get3A_2 = vector.load %arg2[%get3A, %get3A_0, %get3A_1] : memref<2x10240x128xf32, #tpu.memory_space<vmem>>, vector<1x10000x1xf32>
    %get3A_3 = vector.shape_cast %get3A_2 : vector<1x10000x1xf32> to vector<10000x1xf32>
    %get3A_4 = arith.constant 1 : index
    %get3A_5 = arith.constant 0 : index
    %get3A_6 = arith.constant 0 : index
    %get3A_7 = vector.load %arg2[%get3A_4, %get3A_5, %get3A_6] : memref<2x10240x128xf32, #tpu.memory_space<vmem>>, vector<1x10000x1xf32>
    %get3A_8 = vector.shape_cast %get3A_7 : vector<1x10000x1xf32> to vector<10000x1xf32>
    %add3A = arith.addf %get3A_3, %get3A_8 : vector<10000x1xf32>
    %add3A_9 = arith.constant 1.000000e+00 : f32
    %add3A_10 = vector.broadcast %add3A_9 : f32 to vector<10000x1xf32>
    %add3A_11 = arith.addf %add3A, %add3A_10 : vector<10000x1xf32>
    %gt3A = arith.constant 0.000000e+00 : f32
    %gt3A_12 = vector.broadcast %gt3A : f32 to vector<10000x1xf32>
    %gt3A_13 = arith.cmpf ogt, %add3A_11, %gt3A_12 : vector<10000x1xf32>
    %sqrt3A = math.sqrt %add3A_11 : vector<10000x1xf32>
    %div3A = arith.constant 1.000000e+00 : f32
    %div3A_14 = vector.broadcast %div3A : f32 to vector<10000x1xf32>
    %div3A_15 = arith.divf %div3A_14, %sqrt3A : vector<10000x1xf32>
    %jit3A = arith.constant 0.000000e+00 : f32
    %broadcast_in_dim3A = vector.broadcast %jit3A : f32 to vector<10000x1xf32>
    %select_n3A = arith.select %gt3A_13, %div3A_15, %broadcast_in_dim3A : vector<10000x1xi1>, vector<10000x1xf32>
    %get3A_16 = arith.constant 0 : index
    %get3A_17 = arith.constant 0 : index
    %get3A_18 = vector.load %arg1[%get3A_16, %get3A_17] : memref<128x128xf32, #tpu.memory_space<vmem>>, vector<128x128xf32>
    %broadcast_in_dim3A_19 = arith.constant 1.000000e+00 : f32
    %broadcast_in_dim3A_20 = vector.broadcast %broadcast_in_dim3A_19 : f32 to vector<1x128xf32>
    %sqrt3A_21 = arith.constant 1.280000e+02 : f32
    %sqrt3A_22 = math.sqrt %sqrt3A_21 : f32
    %add3A_23 = arith.constant 9.99999996E-13 : f32
    %add3A_24 = arith.addf %sqrt3A_22, %add3A_23 : f32
    %div3A_25 = vector.broadcast %add3A_24 : f32 to vector<1x128xf32>
    %div3A_26 = arith.divf %broadcast_in_dim3A_20, %div3A_25 : vector<1x128xf32>
    %dot_general3A = arith.constant dense<0.000000e+00> : vector<1x128xf32>
    %dot_general3A_27 = tpu.matmul %div3A_26, %get3A_18, %dot_general3A {dimension_numbers = #tpu.dot_dimension_numbers<[1], [0], [0], [1], [0, 0, 1, 1], [], []>, transpose_lhs_hint = false} : vector<1x128xf32>, vector<128x128xf32>, vector<1x128xf32> -> vector<1x128xf32>
    %mul3A = arith.mulf %dot_general3A_27, %dot_general3A_27 : vector<1x128xf32>
    %reduce_sum3A = vector.shape_cast %mul3A : vector<1x128xf32> to vector<1x1x128xf32>
    %reduce_sum3A_28 = arith.constant dense<0.000000e+00> : vector<1xf32>
    %reduce_sum3A_29 = vector.multi_reduction <add>, %reduce_sum3A, %reduce_sum3A_28 [1, 2] : vector<1x1x128xf32> to vector<1xf32>
    %reduce_sum3A_30 = vector.shape_cast %reduce_sum3A_29 : vector<1xf32> to vector<1x1x1xf32>
    %reduce_sum3A_31 = vector.extract %reduce_sum3A_30[0, 0, 0] : f32 from vector<1x1x1xf32>
    %sqrt3A_32 = math.sqrt %reduce_sum3A_31 : f32
    %add3A_33 = arith.constant 9.99999996E-13 : f32
    %add3A_34 = arith.addf %sqrt3A_32, %add3A_33 : f32
    %div3A_35 = vector.broadcast %add3A_34 : f32 to vector<1x128xf32>
    %div3A_36 = arith.divf %dot_general3A_27, %div3A_35 : vector<1x128xf32>
    %dot_general3A_37 = arith.constant dense<0.000000e+00> : vector<1x128xf32>
    %dot_general3A_38 = tpu.matmul %div3A_36, %get3A_18, %dot_general3A_37 {dimension_numbers = #tpu.dot_dimension_numbers<[1], [1], [0], [0], [0, 0, 1, 0], [], []>, transpose_lhs_hint = false} : vector<1x128xf32>, vector<128x128xf32>, vector<1x128xf32> -> vector<1x128xf32>
    %mul3A_39 = arith.mulf %dot_general3A_38, %dot_general3A_38 : vector<1x128xf32>
    %reduce_sum3A_40 = vector.shape_cast %mul3A_39 : vector<1x128xf32> to vector<1x1x128xf32>
    %reduce_sum3A_41 = arith.constant dense<0.000000e+00> : vector<1xf32>
    %reduce_sum3A_42 = vector.multi_reduction <add>, %reduce_sum3A_40, %reduce_sum3A_41 [1, 2] : vector<1x1x128xf32> to vector<1xf32>
    %reduce_sum3A_43 = vector.shape_cast %reduce_sum3A_42 : vector<1xf32> to vector<1x1x1xf32>
    %reduce_sum3A_44 = vector.extract %reduce_sum3A_43[0, 0, 0] : f32 from vector<1x1x1xf32>
    %sqrt3A_45 = math.sqrt %reduce_sum3A_44 : f32
    %add3A_46 = arith.constant 9.99999996E-13 : f32
    %add3A_47 = arith.addf %sqrt3A_45, %add3A_46 : f32
    %div3A_48 = vector.broadcast %add3A_47 : f32 to vector<1x128xf32>
    %div3A_49 = arith.divf %dot_general3A_38, %div3A_48 : vector<1x128xf32>
    %dot_general3A_50 = arith.constant dense<0.000000e+00> : vector<1x128xf32>
    %dot_general3A_51 = tpu.matmul %div3A_49, %get3A_18, %dot_general3A_50 {dimension_numbers = #tpu.dot_dimension_numbers<[1], [0], [0], [1], [0, 0, 1, 1], [], []>, transpose_lhs_hint = false} : vector<1x128xf32>, vector<128x128xf32>, vector<1x128xf32> -> vector<1x128xf32>
    %mul3A_52 = arith.mulf %dot_general3A_51, %div3A_36 : vector<1x128xf32>
    %reduce_sum3A_53 = vector.shape_cast %mul3A_52 : vector<1x128xf32> to vector<1x1x128xf32>
    %reduce_sum3A_54 = arith.constant dense<0.000000e+00> : vector<1xf32>
    %reduce_sum3A_55 = vector.multi_reduction <add>, %reduce_sum3A_53, %reduce_sum3A_54 [1, 2] : vector<1x1x128xf32> to vector<1xf32>
    %reduce_sum3A_56 = vector.shape_cast %reduce_sum3A_55 : vector<1xf32> to vector<1x1x1xf32>
    %reduce_sum3A_57 = vector.extract %reduce_sum3A_56[0, 0, 0] : f32 from vector<1x1x1xf32>
    %get3A_58 = arith.constant 0 : index
    %get3A_59 = arith.constant 0 : index
    %get3A_60 = vector.load %arg0[%get3A_58, %get3A_59] : memref<10000x128xf32, #tpu.memory_space<vmem>>, vector<10000x128xf32>
    %dot_general3A_61 = arith.constant dense<0.000000e+00> : vector<10000x128xf32>
    %dot_general3A_62 = tpu.matmul %get3A_60, %get3A_18, %dot_general3A_61 {dimension_numbers = #tpu.dot_dimension_numbers<[1], [0], [0], [1], [0, 0, 1, 1], [], []>, transpose_lhs_hint = false} : vector<10000x128xf32>, vector<128x128xf32>, vector<10000x128xf32> -> vector<10000x128xf32>
    %div3A_63 = vector.broadcast %reduce_sum3A_57 : f32 to vector<10000x1xf32>
    %div3A_64 = arith.divf %select_n3A, %div3A_63 : vector<10000x1xf32>
    %mul3A_65 = vector.broadcast %div3A_64 : vector<10000x1xf32> to vector<10000x128xf32>
    %mul3A_66 = arith.mulf %mul3A_65, %dot_general3A_62 : vector<10000x128xf32>
    %swap3A = arith.constant 0 : index
    %swap3A_67 = arith.constant 0 : index
    %swap3A_68 = vector.load %arg3[%swap3A, %swap3A_67] : memref<10000x128xf32, #tpu.memory_space<vmem>>, vector<10000x128xf32>
    tpu.vector_store %arg3[%swap3A, %swap3A_67], %mul3A_66 {strides = array<i32>} : memref<10000x128xf32, #tpu.memory_space<vmem>>, vector<10000x128xf32>,
    %swap3A_69 = arith.constant 0 : index
    %swap3A_70 = arith.constant 0 : index
    %swap3A_71 = vector.load %arg4[%swap3A_69, %swap3A_70] : memref<10000x1xf32, #tpu.memory_space<vmem>>, vector<10000x1xf32>
    tpu.vector_store %arg4[%swap3A_69, %swap3A_70], %select_n3A {strides = array<i32>} : memref<10000x1xf32, #tpu.memory_space<vmem>>, vector<10000x1xf32>,
    return
  }
}

module attributes {stable_mosaic.version = 14 : i64} {
  func.func @body(%arg0: memref<2x10240x128xf32, #tpu.memory_space<vmem>>, %arg1: memref<10000x128xf32, #tpu.memory_space<vmem>>, %arg2: memref<10000x128xf32, #tpu.memory_space<vmem>>, %arg3: memref<10000x1xf32, #tpu.memory_space<vmem>>, %arg4: memref<1x128xf32, #tpu.memory_space<vmem>>, %arg5: memref<10000x128xf32, #tpu.memory_space<vmem>>) attributes {dimension_semantics = [], scalar_prefetch = 0 : i64, scratch_operands = 0 : i64, tpu.core_type = #tpu.core_type<tc>} {
    %get3A = arith.constant 0 : index
    %get3A_0 = arith.constant 0 : index
    %get3A_1 = vector.load %arg3[%get3A, %get3A_0] : memref<10000x1xf32, #tpu.memory_space<vmem>>, vector<10000x1xf32>
    %get3A_2 = arith.constant 0 : index
    %get3A_3 = arith.constant 0 : index
    %get3A_4 = arith.constant 0 : index
    %get3A_5 = vector.load %arg0[%get3A_2, %get3A_3, %get3A_4] : memref<2x10240x128xf32, #tpu.memory_space<vmem>>, vector<1x10000x128xf32>
    %get3A_6 = vector.shape_cast %get3A_5 : vector<1x10000x128xf32> to vector<10000x128xf32>
    %get3A_7 = arith.constant 1 : index
    %get3A_8 = arith.constant 0 : index
    %get3A_9 = arith.constant 0 : index
    %get3A_10 = vector.load %arg0[%get3A_7, %get3A_8, %get3A_9] : memref<2x10240x128xf32, #tpu.memory_space<vmem>>, vector<1x10000x128xf32>
    %get3A_11 = vector.shape_cast %get3A_10 : vector<1x10000x128xf32> to vector<10000x128xf32>
    %add3A = arith.addf %get3A_6, %get3A_11 : vector<10000x128xf32>
    %get3A_12 = arith.constant 0 : index
    %get3A_13 = arith.constant 0 : index
    %get3A_14 = vector.load %arg1[%get3A_12, %get3A_13] : memref<10000x128xf32, #tpu.memory_space<vmem>>, vector<10000x128xf32>
    %add3A_15 = arith.addf %add3A, %get3A_14 : vector<10000x128xf32>
    %mul3A = vector.broadcast %get3A_1 : vector<10000x1xf32> to vector<10000x128xf32>
    %mul3A_16 = arith.mulf %mul3A, %add3A_15 : vector<10000x128xf32>
    %get3A_17 = arith.constant 0 : index
    %get3A_18 = arith.constant 0 : index
    %get3A_19 = vector.load %arg4[%get3A_17, %get3A_18] : memref<1x128xf32, #tpu.memory_space<vmem>>, vector<1x128xf32>
    %add3A_20 = vector.broadcast %get3A_19 : vector<1x128xf32> to vector<10000x128xf32>
    %add3A_21 = arith.addf %mul3A_16, %add3A_20 : vector<10000x128xf32>
    %max3A = arith.constant 0.000000e+00 : f32
    %max3A_22 = vector.broadcast %max3A : f32 to vector<10000x128xf32>
    %max3A_23 = arith.maximumf %add3A_21, %max3A_22 : vector<10000x128xf32>
    %get3A_24 = arith.constant 0 : index
    %get3A_25 = arith.constant 0 : index
    %get3A_26 = vector.load %arg2[%get3A_24, %get3A_25] : memref<10000x128xf32, #tpu.memory_space<vmem>>, vector<10000x128xf32>
    %max3A_27 = arith.maximumf %get3A_26, %max3A_23 : vector<10000x128xf32>
    %swap3A = arith.constant 0 : index
    %swap3A_28 = arith.constant 0 : index
    %swap3A_29 = vector.load %arg5[%swap3A, %swap3A_28] : memref<10000x128xf32, #tpu.memory_space<vmem>>, vector<10000x128xf32>
    tpu.vector_store %arg5[%swap3A, %swap3A_28], %max3A_27 {strides = array<i32>} : memref<10000x128xf32, #tpu.memory_space<vmem>>, vector<10000x128xf32>,
    return
  }
}

</mosaic_0001>

<sc_bundles>
// kernel: kernel.11.cloned.1.call-start
scs
__scs_entry_jumppad:
0x0: {  	(pc) =	sbr.rel $0x88, $3  }
0x1: {  	(tag) =	ssettag $0x0;
	lr =	simm.s32 $0x1  }
0x2: {  	[smem:$0x3F9B] =	sst lr;
	_ =	strace $0xD0000000  }
0x3: {  	_ = 	snop  }
0x4: {  	_ = 	snop  }
0x5: {  	_ = 	snop  }
0x6: {  	_ = 	snop  }
0x7: {  	_ = 	snop  }
__scs_overlays_trampoline_lowered:
0x8: {  	[smem:$0x3FAA] =	sst s0  }
0x9: {  	[smem:$0x3FAB] =	sst s1  }
0xa: {  	[smem:$0x3FAC] =	sst s2  }
0xb: {  	[smem:$0x3FAD] =	sst s3  }
0xc: {  	[smem:$0x3FAE] =	sst s4  }
0xd: {  	[smem:$0x3FAF] =	sst s5  }
0xe: {  	[smem:$0x3FB0] =	sst s6  }
0xf: {  	[smem:$0x3FB1] =	sst s7  }
0x10: {  	[smem:$0x3FB2] =	sst s8  }
0x11: {  	[smem:$0x3FB3] =	sst s9;
	s0 =	simm.s32 @!p0 $0x0  }
0x12: {  	s1 =	sld [smem:$0x3F99];
	s0 =	simm.s32 @p0 $0x1  }
0x13: {  	[smem:$0x3FB4] =	sst s0;
	s0 =	simm.s32 @!p1 $0x0  }
0x14: {  	s2 =	sld [smem:$0x3F98];
	s0 =	simm.s32 @p1 $0x1  }
0x15: {  	[smem:$0x3FB5] =	sst s0;
	s0 =	simm.s32 @!p2 $0x0  }
0x16: {  	s3 =	sld [smem:$0x3FDB];
	s0 =	simm.s32 @p2 $0x1  }
0x17: {  	s4 =	simm.s32 $0x1BF5;
	[smem:$0x3FB7] =	sst s0  }
0x18: {  	s0 =	sld [smem:$0x3F9A];
	_ =	swait.ge [sflag:s4], $0x0  }
0x19: {  	s7 =	sld [smem:$0x3F9B]  }
0x1a: {  	s8 =	sadd.s32 $0xFFFFE003, lr  }
0x1b: {  	s9 =	sadd.s32 $0xFFFFFEF7, lr;
	s5 =	simm.s32 $0xFFFFFFFF;
	p2 =	slt.u32 s8, $0xFFFFF086  }
0x1c: {  	p1 =	slt.u32 s9, $0xF7A;
	s5 =	simm.s32 @!p2 $0x0  }
0x1d: {  	s5 =	simm.s32 @p1 $0x1;
	p0 =	seq.s32 s7, s2  }
0x1e: {  	s7 =	smul.u32 @!p0 $0xF7A, s2;
	p2 =	seq.s32 @!p0 s5, $0x0  }
0x1f: {  	s9 =	smul.u32 $0xF7A, s1;
	s8 =	simm.s32 @!p0 $0x1BF5;
	p2 =	por !p2, p0  }
0x20: {  	[sflag:s8] =	ssyncset.s32 @!p0 $0xFFFFF086;
	s6 =	sadd.s32 @!p0 s3, s7;
	s7 =	simm.s32 @!p0 $0x108  }
0x21: {  	s3 =	sadd.s32 s3, s9;
	s6 =	sadd.s32 @!p0 $0x88, s6;
	s7 =	simm.s32 @p2 $0x1082  }
0x22: {  	[simem:s7], [sflag:s8] =	dma.local @!p0 [hbm:s6], $0xF7A  }
0x23: {  	s9 =	sor.u32 $0xD0000000, s2;
	s6 =	simm.s32 $0x108;
	_ =	swait.ge @!p0 [sflag:s8], $0x0  }
0x24: {  	s3 =	sadd.s32 $0x88, s3;
	s6 =	simm.s32 @!p1 $0x1082;
	[sflag:s4] =	ssyncset.s32 $0xFFFFF086  }
0x25: {  	[simem:s6], [sflag:s4] =	dma.local [hbm:s3], $0xF7A  }
0x26: {  	[smem:$0x3F9B] =	sst s1;
	(tag) =	ssettag s2;
	_ =	strace s9  }
0x27: {  	s1 =	sld [smem:$0x3FAB]  }
0x28: {  	s2 =	sld [smem:$0x3FAC]  }
0x29: {  	s4 =	sld [smem:$0x3FAE]  }
0x2a: {  	p0 =	seq.s32 s5, $0x0;
	s5 =	sld [smem:$0x3FAF]  }
0x2b: {  	s6 =	sld [smem:$0x3FB0]  }
0x2c: {  	s7 =	sld [smem:$0x3FB1]  }
0x2d: {  	s3 =	simm.s32 $0x108;
	s8 =	sld [smem:$0x3FB2]  }
0x2e: {  	s3 =	simm.s32 @!p0 $0x1082;
	s9 =	sld [smem:$0x3FB3]  }
0x2f: {  	lr =	sadd.s32 s0, s3;
	s0 =	sld [smem:$0x3FAA]  }
0x30: {  	s3 =	sld [smem:$0x3FAD]  }
0x31: {  	[smem:$0x3FB6] =	sst s10  }
0x32: {  	s10 =	sld [smem:$0x3FB4];
	_ =	sdelay $0x3  }
0x33: {  	p0 =	seq.s32 s10, $0x1;
	s10 =	sld [smem:$0x3FB6];
	_ =	sdelay $0x3  }
0x34: {  	[smem:$0x3FB6] =	sst s10  }
0x35: {  	s10 =	sld [smem:$0x3FB5];
	_ =	sdelay $0x3  }
0x36: {  	p1 =	seq.s32 s10, $0x1;
	s10 =	sld [smem:$0x3FB6];
	_ =	sdelay $0x3  }
0x37: {  	[smem:$0x3FB6] =	sst s10  }
0x38: {  	s10 =	sld [smem:$0x3FB7]  }
0x39: {  	_ = 	snop;
	(pc) =	sbr.ind lr, $3  }
0x3a: {  	_ = 	snop  }
0x3b: {  	_ = 	snop  }
0x3c: {  	p2 =	seq.s32 s10, $0x1;
	s10 =	sld [smem:$0x3FB6]  }
0x3d: {  	_ =	shalt  }
0x3e: {  	_ =	shalt  }
0x3f: {  	_ =	shalt  }
0x40: {  	_ =	shalt  }
0x41: {  	_ =	shalt  }
0x42: {  	_ =	shalt  }
0x43: {  	_ =	shalt  }
0x44: {  	_ =	shalt  }
0x45: {  	_ =	shalt  }
0x46: {  	_ =	shalt  }
0x47: {  	_ =	shalt  }
0x48: {  	_ =	shalt  }
0x49: {  	_ =	shalt  }
0x4a: {  	_ =	shalt  }
0x4b: {  	_ =	shalt  }
0x4c: {  	_ =	shalt  }
0x4d: {  	_ =	shalt  }
0x4e: {  	_ =	shalt  }
0x4f: {  	_ =	shalt  }
0x50: {  	_ =	shalt  }
0x51: {  	_ =	shalt  }
0x52: {  	_ =	shalt  }
0x53: {  	_ =	shalt  }
0x54: {  	_ =	shalt  }
0x55: {  	_ =	shalt  }
0x56: {  	_ =	shalt  }
0x57: {  	_ =	shalt  }
0x58: {  	_ =	shalt  }
0x59: {  	_ =	shalt  }
0x5a: {  	_ =	shalt  }
0x5b: {  	_ =	shalt  }
0x5c: {  	_ =	shalt  }
0x5d: {  	_ =	shalt  }
0x5e: {  	_ =	shalt  }
0x5f: {  	_ =	shalt  }
0x60: {  	_ =	shalt  }
0x61: {  	_ =	shalt  }
0x62: {  	_ =	shalt  }
0x63: {  	_ =	shalt  }
0x64: {  	_ =	shalt  }
0x65: {  	_ =	shalt  }
0x66: {  	_ =	shalt  }
0x67: {  	_ =	shalt  }
0x68: {  	_ =	shalt  }
0x69: {  	_ =	shalt  }
0x6a: {  	_ =	shalt  }
0x6b: {  	_ =	shalt  }
0x6c: {  	_ =	shalt  }
0x6d: {  	_ =	shalt  }
0x6e: {  	_ =	shalt  }
0x6f: {  	_ =	shalt  }
0x70: {  	_ =	shalt  }
0x71: {  	_ =	shalt  }
0x72: {  	_ =	shalt  }
0x73: {  	_ =	shalt  }
0x74: {  	_ =	shalt  }
0x75: {  	_ =	shalt  }
0x76: {  	_ =	shalt  }
0x77: {  	_ =	shalt  }
0x78: {  	_ =	shalt  }
0x79: {  	_ =	shalt  }
0x7a: {  	_ =	shalt  }
0x7b: {  	_ =	shalt  }
0x7c: {  	_ =	shalt  }
0x7d: {  	_ =	shalt  }
0x7e: {  	_ =	shalt  }
0x7f: {  	_ =	shalt  }
0x80: {  	_ =	shalt  }
0x81: {  	_ =	shalt  }
0x82: {  	_ =	shalt  }
0x83: {  	_ =	shalt  }
0x84: {  	_ =	shalt  }
0x85: {  	_ =	shalt  }
0x86: {  	_ =	shalt  }
0x87: {  	_ =	shalt  }
.Lfunc_end0:
.L_simem_size_0:
called_computation.1_lowered:
.L_overlay_start_0:
0x88: {  	s2 =	sld [smem:$0x3FD9]  }
0x89: {  	s3 =	sld [smem:$0x3FFE];
	_ =	sdelay $0x1  }
0x8a: {  	s1 =	srdreg.scid  }
0x8b: {  	s0 =	sand.u32 $0x1, s1  }
0x8c: {  	s17 =	sshll.u32 s0, $0xA;
	s2 =	sadd.s32 s3, s2  }
0x8d: {  	s2 =	sadd.s32 s2, s17  }
0x8e: {  	[smem:$0x3FC2] =	sst s2  }
0x8f: {  	_ = 	snop  }
0x90: {  	s2 =	sld [smem:$0x3FD0];
	(tm) =	ssettm $0x1  }
0x91: {  	s18 =	sld [smem:$0x3FFB];
	_ =	sdelay $0x3  }
0x92: {  	_ =	strace s18  }
0x93: {  	s3 =	sld [smem:$0x3FFC];
	_ =	sdelay $0x3  }
0x94: {  	_ =	strace s3  }
0x95: {  	s3 =	sld [smem:$0x3FFD];
	_ =	sdelay $0x3  }
0x96: {  	_ =	strace s3  }
0x97: {  	_ =	strace $0x8FFFFFFF  }
0x98: {  	s19 =	sld [smem:$0x3FDB];
	_ =	sdelay $0x1  }
0x99: {  	s4 =	simm.s32 $_scs_section_size  }
0x9a: {  	s5 =	simm.s32 $_size__tile_overlayer_lowered;
	s6 =	simm.s32 $_tile_overlayer_lowered  }
0x9b: {  	s22 =	simm.s32 $0x1BFF;
	s21 =	sshll.u32 s6, $0x1;
	s3 =	sadd.s32 s4, s19  }
0x9c: {  	s7 =	simm.s32 $0x0;
	s20 =	sshll.u32 s5, $0x1;
	s5 =	sadd.s32 s21, s3  }
0x9d: {  	[timem:s7], [sflag:s22] =	dma.local [hbm:s5], s20  }
0x9e: {  	_ =	swait.ge [sflag:s22], s20  }
0x9f: {  	s4 =	ssub.s32 $0x0, s20;
	[sflag:s22] =	ssyncset.done $0x0  }
0xa0: {  	[sflag:s22] =	ssyncadd.s32 s4;
	_ =	sdelay $0x1  }
0xa1: {  	s23 =	simm.s32 $0x1B8B  }
0xa2: {  	_ =	swait.ge [sflag:s23], $0x1  }
0xa3: {  	[sflag:s23] =	ssyncset.done $0x0  }
0xa4: {  	s25 =	simm.s32 $0x1B8E;
	s24 =	sld [smem:$0x3FFE];
	[sflag:s23] =	ssyncadd.s32 $0xFFFFFFFF  }
0xa5: {  	s26 =	simm.s32 $execute0_lowered;
	[smem:$0x3FD2] =	sst s25  }
0xa6: {  	s5 =	sshll.u32 s26, $0x1;
	_ =	strace $0x80000049;
	[dreg:$0x1] =	wrdreg $0xFFFFFFFF  }
0xa7: {  	s28 =	simm.s32 $_size_execute0_lowered;
	s3 =	sadd.s32 s3, s5;
	[dreg:$0x0] =	wrdreg $0x0  }
0xa8: {  	s5 =	sshll.u32 s28, $0x1;
	[dreg:$0x2] =	wrdreg s3  }
0xa9: {  	[dreg:$0x3] =	wrdreg s5  }
0xaa: {  	[dreg:$0x4] =	wrdreg $0xC0  }
0xab: {  	_ =	task [dreg:s7], $0x5FFFF  }
0xac: {  	[dreg:$0x1] =	wrdreg $0xFFFFFFFF  }
0xad: {  	[dreg:$0x0] =	wrdreg $0x60  }
0xae: {  	[dreg:$0x2] =	wrdreg s2  }
0xaf: {  	[dreg:$0x3] =	wrdreg s24  }
0xb0: {  	[dreg:$0x4] =	wrdreg $0x0  }
0xb1: {  	[dreg:$0x5] =	wrdreg $0x9  }
0xb2: {  	_ =	task.clear_ibuf [dreg:s7], $0x6FFFF;
	_ =	strace $0x90000049  }
0xb3: {  	s29 =	simm.s32 $0x9;
	_ =	strace $0x8000004B  }
0xb4: {  	_ =	swait.ge [sflag:s29], $0x1  }
0xb5: {  	[sflag:s29] =	ssyncadd.s32 $0xFFFFFFFF  }
0xb6: {  	_ =	strace $0x9000004B  }
0xb7: {  	_ =	sfence  }
0xb8: {  	s30 =	sld [smem:$0x0];
	_ =	sdelay $0x2  }
0xb9: {  	s31 =	sshll.u32 s1, $0xD;
	s1 =	sshrl.u32 s1, $0x2  }
0xba: {  	s3 =	sand.u32 $0x4000, s31;
	s1 =	sadd.s32 s1, s30  }
0xbb: {  	s0 =	sor.u32 s3, s0;
	s1 =	sshll.u32 s1, $0x11  }
0xbc: {  	s0 =	sor.u32 s1, s0  }
0xbd: {  	s0 =	sadd.s32 $0x8F2B, s0  }
0xbe: {  	[sflag:s0] =	ssyncadd.remote.s32 $0x1  }
0xbf: {  	_ =	sfence.sel $0xFFFF  }
0xc0: {  	[dreg:$0x0] =	wrdreg $0xFFFFFFFF;
	(pc) =	sbr.abs _section_cstart, $3  }
0xc1: {  	[dreg:$0x1] =	wrdreg $0xFFFFFFFF  }
0xc2: {  	_ =	task.clear_ibuf [dreg:s7], $0x2FFFF;
	_ =	strace $0x9FFFFFFF  }
0xc3: {  	(tm) =	ssettm $0x7FFFFFFF  }
tec
execute0_lowered:
.L_overlay_start_1:
0x0: {  	(tag) =	ssettag $0x1  }
0x1: {  	s1 =	rddreg [dreg:$0x0]  }
0x2: {  	s0 =	rddreg [dreg:$0x1]  }
0x3: {  	s2 =	rddreg [dreg:$0x2];
	s4 =	simm.s32 $0x0;
	s3 =	srdreg.scid  }
0x4: {  	s11 =	stileid.u32;
	s28 =	simm.s32 $0x1A000;
	s29 =	simm.s32 $0x2  }
0x5: {  	s30 =	simm.s32 $0x14F80;
	s31 =	simm.s32 $0x15F00;
	[smem:$0x7FF] =	sst s4  }
0x6: {  	s3 =	sand.u32 $0x1, s3;
	s5 =	sadd.s32 $0x2E00, s0;
	s8 =	smul.u32 $0x50000, s11  }
0x7: {  	s6 =	sadd.s32 $0xCE00, s0;
	s13 =	smul.u32 $0x14000, s11;
	s0 =	sadd.s32 $0x16E00, s0  }
0x8: {  	s10 =	sor.u32 $0x40, s11;
	s16 =	sshll.u32 s11, $0x2;
	_ =	strace $0x8000004A  }
0x9: {  	s7 =	ssub.s32 $0x2, s3;
	p0 =	seq.s32 s3, $0x0;
	s20 =	sshll.u32 s10, $0x9  }
0xa: {  	s21 =	smul.u32 $0x140000, s3;
	s9 =	sshrl.u32 s7, $0x1;
	s25 =	sshrl.u32 s8, $0x2  }
0xb: {  	s15 =	sadd.s32 $0x4000, s13;
	s17 =	sadd.s32 $0x8000, s13;
	s18 =	sadd.s32 $0xC000, s13  }
0xc: {  	s19 =	sadd.s32 $0x10000, s13;
	s10 =	smov.u32 @p0 s16;
	s26 =	sadd.s32 s5, s20  }
0xd: {  	s22 =	sadd.s32 s6, s20;
	p0 =	sne.s32 s3, $0x0;
	s14 =	ssub.s32 s7, s9  }
0xe: {  	s7 =	sadd.s32 s25, s2;
	s8 =	sadd.s32 s15, s2;
	s9 =	sadd.s32 s17, s2  }
0xf: {  	s11 =	sadd.s32 s18, s2;
	s12 =	sadd.s32 s19, s2;
	[dreg:$0x4] =	wrdreg s26  }
0x10: {  	s13 =	sadd.s32 s13, s21;
	s15 =	sadd.s32 s21, s15;
	[dreg:$0x5] =	wrdreg s22  }
0x11: {  	s25 =	sadd.s32 s21, s17;
	s18 =	sadd.s32 s21, s18;
	s19 =	sadd.s32 s21, s19  }
0x12: {  	s21 =	simm.s32 $0x16000;
	s22 =	simm.s32 $0x3;
	s13 =	sshrl.u32 s13, $0x3  }
0x13: {  	s23 =	sshrl.u32 s15, $0x3;
	s26 =	sshrl.u32 s18, $0x3;
	s19 =	sshrl.u32 s19, $0x3  }
.Ltmp0:
0x14: {  	s20 =	smax.u32 s14, $0x1;
	s13 =	sadd.s32 s0, s13;
	(pc) =	sbr.rel .LBB2_1-.Ltmp0, $4  }
0x15: {  	s24 =	sadd.s32 s0, s23;
	s18 =	sadd.s32 s0, s26;
	s19 =	sadd.s32 s0, s19  }
0x16: {  	s23 =	simm.s32 $0x14000;
	s26 =	simm.s32 $0x1;
	[dreg:$0x6] =	wrdreg s13  }
0x17: {  	[dreg:$0x7] =	wrdreg s24;
	s13 =	sshrl.u32 s25, $0x3;
	s24 =	simm.s32 $0x15000  }
0x18: {  	v0 =	vimm.f32 $0.0e+00;
	s25 =	simm.s32 $0x80;
	s17 =	sadd.s32 s0, s13;
	s0 =	simm.s32 $0x15F80  }
.LBB2_10:
0x19: {  	s3 =	stileid.u32  }
0x1a: {  	[bflag:$0x0] =	sbarrier.arrive $0xFFFF;
	s3 =	sshll.u32 s3, $0x6  }
0x1b: {  	s13 =	sshrl.u32 s7, $0x3;
	s14 =	rddreg [dreg:$0x6];
	s3 =	sor.u32 $0x1C03, s3  }
0x1c: {  	[hbm:s14], [sflag:s3] =	dma.local [spmem:s13], $0x800  }
0x1d: {  	_ =	swait.ge [sflag:s22], $0x800  }
0x1e: {  	[sflag:s22] =	ssyncset.done $0x0  }
0x1f: {  	s15 =	sshrl.u32 s8, $0x3;
	s16 =	rddreg [dreg:$0x7];
	[sflag:s22] =	ssyncadd.s32 $0xFFFFF800  }
0x20: {  	[hbm:s16], [sflag:s3] =	dma.local [spmem:s15], $0x800  }
0x21: {  	_ =	swait.ge [sflag:s22], $0x800  }
0x22: {  	[sflag:s22] =	ssyncset.done $0x0  }
0x23: {  	s14 =	sshrl.u32 s9, $0x3;
	[sflag:s22] =	ssyncadd.s32 $0xFFFFF800  }
0x24: {  	[hbm:s17], [sflag:s3] =	dma.local [spmem:s14], $0x800  }
0x25: {  	_ =	swait.ge [sflag:s22], $0x800  }
0x26: {  	[sflag:s22] =	ssyncset.done $0x0  }
0x27: {  	s15 =	sshrl.u32 s11, $0x3;
	[sflag:s22] =	ssyncadd.s32 $0xFFFFF800  }
0x28: {  	[hbm:s18], [sflag:s3] =	dma.local [spmem:s15], $0x800  }
0x29: {  	s4 =	sadd.s32 $0x1, s4;
	_ =	swait.ge [sflag:s22], $0x800  }
0x2a: {  	p1 =	sne.s32 s4, s20;
	[sflag:s22] =	ssyncset.done $0x0  }
.Ltmp1:
0x2b: {  	s16 =	sshrl.u32 s12, $0x3;
	[sflag:s22] =	ssyncadd.s32 $0xFFFFF800;
	(pc) =	sbr.rel @!p1 .LBB2_11-.Ltmp1, $4  }
0x2c: {  	[hbm:s19], [sflag:s3] =	dma.local [spmem:s16], $0x800  }
0x2d: {  	_ =	swait.ge [sflag:s22], $0x800  }
0x2e: {  	[sflag:s22] =	ssyncset.done $0x0  }
0x2f: {  	[sflag:s22] =	ssyncadd.s32 $0xFFFFF800  }
.LBB2_1:
0x30: {  	s3 =	simm.s32 $0x0;
	s13 =	simm.s32 $0x200  }
.LBB2_2:
0x31: {  	p1 =	sne.s32 s13, $0xFE00;
	[tilespmem:s3+$0x16070] =	vst v0  }
0x32: {  	[tilespmem:s3+$0x16000] =	vst v0  }
0x33: {  	[tilespmem:s3+$0x16010] =	vst v0  }
.Ltmp2:
0x34: {  	[tilespmem:s3+$0x16020] =	vst v0;
	(pc) =	sbr.rel @p1 .LBB2_2-.Ltmp2, $4  }
0x35: {  	[tilespmem:s3+$0x16030] =	vst v0  }
0x36: {  	[tilespmem:s3+$0x16040] =	vst v0  }
0x37: {  	[tilespmem:s3+$0x16050] =	vst v0  }
0x38: {  	[tilespmem:s3+$0x16060] =	vst v0;
	s3 =	sshra.s32 s13, $0x2;
	s13 =	sadd.s32 $0x200, s13  }
0x39: {  	[tilespmem:s3+$0x16070] =	vst v0  }
0x3a: {  	[tilespmem:s3+$0x16000] =	vst v0  }
0x3b: {  	[tilespmem:s3+$0x16010] =	vst v0  }
0x3c: {  	[tilespmem:s3+$0x16020] =	vst v0  }
0x3d: {  	[tilespmem:s3+$0x16030] =	vst v0  }
0x3e: {  	[tilespmem:s3+$0x16040] =	vst v0  }
0x3f: {  	[tilespmem:s3+$0x16050] =	vst v0  }
0x40: {  	[tilespmem:s3+$0x16060] =	vst v0  }
0x41: {  	[spmem:s7] =	stream.linear.scatter [tilespmem:s21], [sflag:$0x3], $0x4000, $0x38;
	[tilespmem:$0x1E000] =	vst v63  }
0x42: {  	_ =	swait.ge [sflag:s22], $0x4000  }
0x43: {  	[sflag:s22] =	ssyncset.done $0x0  }
0x44: {  	[sflag:s22] =	ssyncadd.s32 $0xFFFFC000  }
0x45: {  	[spmem:s8] =	stream.linear.scatter [tilespmem:s21], [sflag:$0x3], $0x4000, $0x38;
	[tilespmem:$0x1E000] =	vst v63  }
0x46: {  	_ =	swait.ge [sflag:s22], $0x4000  }
0x47: {  	[sflag:s22] =	ssyncset.done $0x0  }
0x48: {  	[sflag:s22] =	ssyncadd.s32 $0xFFFFC000  }
0x49: {  	[spmem:s9] =	stream.linear.scatter [tilespmem:s21], [sflag:$0x3], $0x4000, $0x38;
	[tilespmem:$0x1E000] =	vst v63  }
0x4a: {  	_ =	swait.ge [sflag:s22], $0x4000  }
0x4b: {  	[sflag:s22] =	ssyncset.done $0x0  }
0x4c: {  	[sflag:s22] =	ssyncadd.s32 $0xFFFFC000  }
0x4d: {  	[spmem:s11] =	stream.linear.scatter [tilespmem:s21], [sflag:$0x3], $0x4000, $0x38;
	[tilespmem:$0x1E000] =	vst v63  }
0x4e: {  	_ =	swait.ge [sflag:s22], $0x4000  }
0x4f: {  	[sflag:s22] =	ssyncset.done $0x0  }
0x50: {  	[sflag:s22] =	ssyncadd.s32 $0xFFFFC000  }
0x51: {  	[spmem:s12] =	stream.linear.scatter [tilespmem:s21], [sflag:$0x3], $0x4000, $0x38;
	[tilespmem:$0x1E000] =	vst v63  }
.Ltmp3:
0x52: {  	_ =	swait.ge [sflag:s22], $0x4000;
	(pc) =	sbr.rel @p0 .LBB2_7-.Ltmp3, $4  }
0x53: {  	[sflag:s22] =	ssyncset.done $0x0  }
0x54: {  	[sflag:s22] =	ssyncadd.s32 $0xFFFFC000  }
0x55: {  	[bflag:$0x0] =	sbarrier.arrive $0xFFFF  }
0x56: {  	s13 =	simm.s32 $0x0;
	s14 =	simm.s32 $0x0  }
.LBB2_4:
0x57: {  	s3 =	sadd.s32 s10, s14  }
0x58: {  	s3 =	sshll.u32 s3, $0x9  }
0x59: {  	s15 =	sadd.s32 s5, s3  }
0x5a: {  	[tilespmem:s23], [sflag:$0x3] =	stream.linear.gather [hbm4b:s15+s13], $0x1000, $0x38;
	[tilespmem:$0x1E000] =	vst v63  }
0x5b: {  	_ =	swait.ge [sflag:s22], $0x1000  }
0x5c: {  	[sflag:s22] =	ssyncset.done $0x0  }
0x5d: {  	s3 =	sadd.s32 s6, s3;
	[sflag:s22] =	ssyncadd.s32 $0xFFFFF000  }
0x5e: {  	[tilespmem:s24], [sflag:$0x3] =	stream.linear.gather [hbm4b:s3+s13], $0x1000, $0x38;
	[tilespmem:$0x1E000] =	vst v63  }
0x5f: {  	_ =	swait.ge [sflag:s22], $0x1000  }
0x60: {  	[sflag:s22] =	ssyncset.done $0x0  }
0x61: {  	[sflag:s22] =	ssyncadd.s32 $0xFFFFF000  }
0x62: {  	[tilespmem:s21], [sflag:$0x1] =	stream.indirect.gather [hbm4b:s1+s25], $0x80, s23, s25, $0xb8;
	[tilespmem:$0x1E000] =	vst v63  }
0x63: {  	_ =	swait.ge [sflag:s26], $0x4000  }
0x64: {  	[sflag:s26] =	ssyncset.done $0x0  }
0x65: {  	s15 =	simm.s32 $0x14080;
	[sflag:s26] =	ssyncadd.s32 $0xFFFFC000  }
0x66: {  	[tilespmem:s28], [sflag:$0x2] =	stream.indirect.gather [hbm4b:s1+s25], $0x80, s15, s25, $0xb8;
	[tilespmem:$0x1E000] =	vst v63  }
0x67: {  	s16 =	simm.s32 $0x15000  }
0x68: {  	[spmem:s2] =	stream.indirect.scatter.add.f32 [tilespmem:s21], [sflag:$0x3], $0x80, s16, s25, $0xb8;
	[tilespmem:$0x1E000] =	vst v63  }
0x69: {  	_ =	swait.ge [sflag:s22], $0x4000  }
0x6a: {  	[sflag:s22] =	ssyncset.done $0x0  }
0x6b: {  	[sflag:s22] =	ssyncadd.s32 $0xFFFFC000  }
0x6c: {  	_ =	swait.ge [sflag:s29], $0x4000  }
0x6d: {  	[sflag:s29] =	ssyncset.done $0x0  }
0x6e: {  	s15 =	simm.s32 $0x14100;
	[sflag:s29] =	ssyncadd.s32 $0xFFFFC000  }
0x6f: {  	[tilespmem:s21], [sflag:$0x1] =	stream.indirect.gather [hbm4b:s1+s25], $0x80, s15, s25, $0xb8;
	[tilespmem:$0x1E000] =	vst v63  }
0x70: {  	s16 =	simm.s32 $0x15080  }
0x71: {  	[spmem:s2] =	stream.indirect.scatter.add.f32 [tilespmem:s28], [sflag:$0x3], $0x80, s16, s25, $0xb8;
	[tilespmem:$0x1E000] =	vst v63  }
0x72: {  	_ =	swait.ge [sflag:s22], $0x4000  }
0x73: {  	s3 =	simm.s32 $0x400;
	[sflag:s22] =	ssyncset.done $0x0  }
.LBB2_5:
0x74: {  	p1 =	sne.s32 s3, $0x3800  }
0x75: {  	[sflag:s22] =	ssyncadd.s32 $0xFFFFC000;
	s15 =	smov.u32 s3;
	s3 =	sadd.s32 $0x400, s3  }
0x76: {  	_ = 	snop  }
0x77: {  	_ =	swait.ge [sflag:s26], $0x4000  }
0x78: {  	s15 =	sshra.s32 s15, $0x2;
	[sflag:s26] =	ssyncset.done $0x0  }
0x79: {  	s16 =	sadd.s32 $0x14080, s15;
	[sflag:s26] =	ssyncadd.s32 $0xFFFFC000  }
0x7a: {  	[tilespmem:s28], [sflag:$0x2] =	stream.indirect.gather [hbm4b:s1+s25], $0x80, s16, s25, $0xb8;
	[tilespmem:$0x1E000] =	vst v63  }
0x7b: {  	s16 =	sadd.s32 $0x15000, s15  }
0x7c: {  	[spmem:s2] =	stream.indirect.scatter.add.f32 [tilespmem:s21], [sflag:$0x3], $0x80, s16, s25, $0xb8;
	[tilespmem:$0x1E000] =	vst v63  }
0x7d: {  	_ =	swait.ge [sflag:s22], $0x4000  }
0x7e: {  	[sflag:s22] =	ssyncset.done $0x0  }
0x7f: {  	[sflag:s22] =	ssyncadd.s32 $0xFFFFC000  }
0x80: {  	_ =	swait.ge [sflag:s29], $0x4000  }
0x81: {  	[sflag:s29] =	ssyncset.done $0x0  }
0x82: {  	s16 =	sadd.s32 $0x14100, s15;
	[sflag:s29] =	ssyncadd.s32 $0xFFFFC000  }
0x83: {  	[tilespmem:s21], [sflag:$0x1] =	stream.indirect.gather [hbm4b:s1+s25], $0x80, s16, s25, $0xb8;
	[tilespmem:$0x1E000] =	vst v63  }
.Ltmp4:
0x84: {  	_ = 	snop;
	(pc) =	sbr.rel @p1 .LBB2_5-.Ltmp4, $4  }
0x85: {  	s15 =	sadd.s32 $0x15080, s15  }
0x86: {  	[spmem:s2] =	stream.indirect.scatter.add.f32 [tilespmem:s28], [sflag:$0x3], $0x80, s15, s25, $0xb8;
	[tilespmem:$0x1E000] =	vst v63  }
0x87: {  	_ =	swait.ge [sflag:s22], $0x4000  }
0x88: {  	[sflag:s22] =	ssyncset.done $0x0  }
0x89: {  	[sflag:s22] =	ssyncadd.s32 $0xFFFFC000  }
0x8a: {  	_ =	swait.ge [sflag:s26], $0x4000  }
0x8b: {  	[sflag:s26] =	ssyncset.done $0x0  }
0x8c: {  	[sflag:s26] =	ssyncadd.s32 $0xFFFFC000  }
0x8d: {  	[tilespmem:s28], [sflag:$0x2] =	stream.indirect.gather [hbm4b:s1+s25], $0x80, s30, s25, $0xb8;
	[tilespmem:$0x1E000] =	vst v63  }
0x8e: {  	_ = 	snop  }
0x8f: {  	[spmem:s2] =	stream.indirect.scatter.add.f32 [tilespmem:s21], [sflag:$0x3], $0x80, s31, s25, $0xb8;
	[tilespmem:$0x1E000] =	vst v63  }
0x90: {  	_ =	swait.ge [sflag:s22], $0x4000  }
0x91: {  	[sflag:s22] =	ssyncset.done $0x0  }
0x92: {  	[sflag:s22] =	ssyncadd.s32 $0xFFFFC000  }
0x93: {  	_ =	swait.ge [sflag:s29], $0x4000  }
0x94: {  	s14 =	sadd.s32 $0x1, s14;
	[sflag:s29] =	ssyncset.done $0x0  }
0x95: {  	p1 =	seq.s32 s14, $0x4;
	[sflag:s29] =	ssyncadd.s32 $0xFFFFC000  }
0x96: {  	[spmem:s2] =	stream.indirect.scatter.add.f32 [tilespmem:s28], [sflag:$0x3], $0x80, s0, s25, $0xb8;
	[tilespmem:$0x1E000] =	vst v63  }
.Ltmp5:
0x97: {  	_ = 	snop;
	(pc) =	sbr.rel @!p1 .LBB2_4-.Ltmp5, $4  }
.Ltmp6:
0x98: {  	_ = 	snop;
	(pc) =	sbr.rel @p1 .LBB2_10-.Ltmp6, $4  }
0x99: {  	_ =	swait.ge [sflag:s22], $0x4000  }
0x9a: {  	[sflag:s22] =	ssyncset.done $0x0  }
0x9b: {  	[sflag:s22] =	ssyncadd.s32 $0xFFFFC000  }
0x9c: {  	_ = 	snop  }
.LBB2_7:
0x9d: {  	s3 =	simm.s32 $0x0;
	s13 =	rddreg [dreg:$0x4]  }
0x9e: {  	[tilespmem:s23], [sflag:$0x3] =	stream.linear.gather [hbm4b:s13+s3], $0x1000, $0x38;
	[tilespmem:$0x1E000] =	vst v63  }
0x9f: {  	_ =	swait.ge [sflag:s22], $0x1000  }
0xa0: {  	[sflag:s22] =	ssyncset.done $0x0  }
0xa1: {  	s14 =	rddreg [dreg:$0x5];
	[sflag:s22] =	ssyncadd.s32 $0xFFFFF000  }
0xa2: {  	[tilespmem:s24], [sflag:$0x3] =	stream.linear.gather [hbm4b:s14+s3], $0x1000, $0x38;
	[tilespmem:$0x1E000] =	vst v63  }
0xa3: {  	_ =	swait.ge [sflag:s22], $0x1000  }
0xa4: {  	[sflag:s22] =	ssyncset.done $0x0  }
0xa5: {  	s15 =	simm.s32 $0x14000;
	[sflag:s22] =	ssyncadd.s32 $0xFFFFF000  }
0xa6: {  	[tilespmem:s21], [sflag:$0x1] =	stream.indirect.gather [hbm4b:s1+s25], $0x80, s15, s25, $0xb8;
	[tilespmem:$0x1E000] =	vst v63  }
0xa7: {  	_ =	swait.ge [sflag:s26], $0x4000  }
0xa8: {  	[sflag:s26] =	ssyncset.done $0x0  }
0xa9: {  	s16 =	simm.s32 $0x15000;
	[sflag:s26] =	ssyncadd.s32 $0xFFFFC000  }
0xaa: {  	[spmem:s2] =	stream.indirect.scatter.add.f32 [tilespmem:s21], [sflag:$0x3], $0x80, s16, s25, $0xb8;
	[tilespmem:$0x1E000] =	vst v63  }
0xab: {  	_ =	swait.ge [sflag:s22], $0x4000  }
0xac: {  	s13 =	simm.s32 $0x400;
	s3 =	simm.s32 $0x80;
	[sflag:s22] =	ssyncset.done $0x0  }
.LBB2_8:
0xad: {  	s14 =	sadd.s32 $0x14000, s3  }
0xae: {  	[sflag:s22] =	ssyncadd.s32 $0xFFFFC000;
	s15 =	smov.u32 s13;
	s16 =	sadd.s32 $0x200, s13  }
0xaf: {  	[tilespmem:s21], [sflag:$0x1] =	stream.indirect.gather [hbm4b:s1+s25], $0x80, s14, s25, $0xb8;
	[tilespmem:$0x1E000] =	vst v63  }
0xb0: {  	p1 =	sne.s32 s13, $0x3E00;
	_ =	swait.ge [sflag:s26], $0x4000  }
.Ltmp7:
0xb1: {  	[sflag:s26] =	ssyncset.done $0x0;
	(pc) =	sbr.rel @p1 .LBB2_8-.Ltmp7, $4  }
0xb2: {  	s3 =	sadd.s32 $0x15000, s3;
	[sflag:s26] =	ssyncadd.s32 $0xFFFFC000  }
0xb3: {  	[spmem:s2] =	stream.indirect.scatter.add.f32 [tilespmem:s21], [sflag:$0x3], $0x80, s3, s25, $0xb8;
	[tilespmem:$0x1E000] =	vst v63  }
0xb4: {  	_ =	swait.ge [sflag:s22], $0x4000  }
0xb5: {  	s13 =	smov.u32 s16;
	s3 =	sshra.s32 s15, $0x2;
	[sflag:s22] =	ssyncset.done $0x0  }
0xb6: {  	s13 =	sadd.s32 $0x14000, s3;
	[sflag:s22] =	ssyncadd.s32 $0xFFFFC000  }
0xb7: {  	[tilespmem:s21], [sflag:$0x1] =	stream.indirect.gather [hbm4b:s1+s25], $0x80, s13, s25, $0xb8;
	[tilespmem:$0x1E000] =	vst v63  }
0xb8: {  	_ =	swait.ge [sflag:s26], $0x4000  }
0xb9: {  	[sflag:s26] =	ssyncset.done $0x0  }
.Ltmp8:
0xba: {  	s16 =	sadd.s32 $0x15000, s3;
	[sflag:s26] =	ssyncadd.s32 $0xFFFFC000;
	(pc) =	sbr.rel .LBB2_10-.Ltmp8, $4  }
0xbb: {  	[spmem:s2] =	stream.indirect.scatter.add.f32 [tilespmem:s21], [sflag:$0x3], $0x80, s16, s25, $0xb8;
	[tilespmem:$0x1E000] =	vst v63  }
0xbc: {  	_ =	swait.ge [sflag:s22], $0x4000  }
0xbd: {  	[sflag:s22] =	ssyncset.done $0x0  }
0xbe: {  	[sflag:s22] =	ssyncadd.s32 $0xFFFFC000  }
.LBB2_11:
0xbf: {  	_ =	sfence.sel $0x180000  }
0xc0: {  	[bflag:$0x0] =	sbarrier.arrive $0xFFFF  }
0xc1: {  	_ =	strace $0x9000004A  }
0xc2: {  	s0 =	stileid.u32;
	[bflag:$0x2] =	sbarrier.arrive $0xFFFF  }
0xc3: {  	p0 =	sne.s32 s0, $0x0;
	s0 =	rddreg [dreg:$0x3]  }
0xc4: {  	s0 =	sadd.s32 @!p0 $0x100000, s0  }
0xc5: {  	[sflag:s0] =	ssyncadd.tile.s32 @!p0 $0x1;
	_ =	shalt  }
.Lfunc_end2:
_tile_overlayer_lowered:
.L_overlay_start_2:
0xc6: {  	(tag) =	ssettag $0x2  }
0xc7: {  	s0 =	rddreg [dreg:$0x0];
	s2 =	stileid.u32  }
0xc8: {  	s1 =	rddreg [dreg:$0x1];
	p0 =	sne.s32 s2, $0x0  }
0xc9: {  	s3 =	rddreg [dreg:$0x2];
	[bflag:$0x3] =	sbarrier.arrive $0xFFFF;
	s2 =	simm.s32 @!p0 $0x1C03  }
0xca: {  	[timem:s3], [sflag:s2] =	dma.local @!p0 [hbm:s0], s1  }
0xcb: {  	s0 =	simm.s32 @!p0 $0x3  }
0xcc: {  	_ =	swait.ge @!p0 [sflag:s0], s1  }
0xcd: {  	s1 =	ssub.s32 @!p0 $0x0, s1;
	[sflag:s0] =	ssyncset.done @!p0 $0x0  }
0xce: {  	[sflag:s0] =	ssyncadd.s32 @!p0 s1  }
0xcf: {  	[bflag:$0x3] =	sbarrier.arrive $0xFFFF  }
0xd0: {  	_ =	shalt  }

// kernel: kernel.14.cloned.1.call-start
scs
__scs_entry_jumppad:
0x0: {  	(pc) =	sbr.rel $0x88, $3  }
0x1: {  	(tag) =	ssettag $0x0;
	lr =	simm.s32 $0x1  }
0x2: {  	[smem:$0x3F9B] =	sst lr;
	_ =	strace $0xD0000000  }
0x3: {  	_ = 	snop  }
0x4: {  	_ = 	snop  }
0x5: {  	_ = 	snop  }
0x6: {  	_ = 	snop  }
0x7: {  	_ = 	snop  }
__scs_overlays_trampoline_lowered:
0x8: {  	[smem:$0x3FAA] =	sst s0  }
0x9: {  	[smem:$0x3FAB] =	sst s1  }
0xa: {  	[smem:$0x3FAC] =	sst s2  }
0xb: {  	[smem:$0x3FAD] =	sst s3  }
0xc: {  	[smem:$0x3FAE] =	sst s4  }
0xd: {  	[smem:$0x3FAF] =	sst s5  }
0xe: {  	[smem:$0x3FB0] =	sst s6  }
0xf: {  	[smem:$0x3FB1] =	sst s7  }
0x10: {  	[smem:$0x3FB2] =	sst s8  }
0x11: {  	[smem:$0x3FB3] =	sst s9;
	s0 =	simm.s32 @!p0 $0x0  }
0x12: {  	s1 =	sld [smem:$0x3F99];
	s0 =	simm.s32 @p0 $0x1  }
0x13: {  	[smem:$0x3FB4] =	sst s0;
	s0 =	simm.s32 @!p1 $0x0  }
0x14: {  	s2 =	sld [smem:$0x3F98];
	s0 =	simm.s32 @p1 $0x1  }
0x15: {  	[smem:$0x3FB5] =	sst s0;
	s0 =	simm.s32 @!p2 $0x0  }
0x16: {  	s3 =	sld [smem:$0x3FDB];
	s0 =	simm.s32 @p2 $0x1  }
0x17: {  	s4 =	simm.s32 $0x1BF5;
	[smem:$0x3FB7] =	sst s0  }
0x18: {  	s0 =	sld [smem:$0x3F9A];
	_ =	swait.ge [sflag:s4], $0x0  }
0x19: {  	s7 =	sld [smem:$0x3F9B]  }
0x1a: {  	s8 =	sadd.s32 $0xFFFFE003, lr  }
0x1b: {  	s9 =	sadd.s32 $0xFFFFFEF7, lr;
	s5 =	simm.s32 $0xFFFFFFFF;
	p2 =	slt.u32 s8, $0xFFFFF086  }
0x1c: {  	p1 =	slt.u32 s9, $0xF7A;
	s5 =	simm.s32 @!p2 $0x0  }
0x1d: {  	s5 =	simm.s32 @p1 $0x1;
	p0 =	seq.s32 s7, s2  }
0x1e: {  	s7 =	smul.u32 @!p0 $0xF7A, s2;
	p2 =	seq.s32 @!p0 s5, $0x0  }
0x1f: {  	s9 =	smul.u32 $0xF7A, s1;
	s8 =	simm.s32 @!p0 $0x1BF5;
	p2 =	por !p2, p0  }
0x20: {  	[sflag:s8] =	ssyncset.s32 @!p0 $0xFFFFF086;
	s6 =	sadd.s32 @!p0 s3, s7;
	s7 =	simm.s32 @!p0 $0x108  }
0x21: {  	s3 =	sadd.s32 s3, s9;
	s6 =	sadd.s32 @!p0 $0x88, s6;
	s7 =	simm.s32 @p2 $0x1082  }
0x22: {  	[simem:s7], [sflag:s8] =	dma.local @!p0 [hbm:s6], $0xF7A  }
0x23: {  	s9 =	sor.u32 $0xD0000000, s2;
	s6 =	simm.s32 $0x108;
	_ =	swait.ge @!p0 [sflag:s8], $0x0  }
0x24: {  	s3 =	sadd.s32 $0x88, s3;
	s6 =	simm.s32 @!p1 $0x1082;
	[sflag:s4] =	ssyncset.s32 $0xFFFFF086  }
0x25: {  	[simem:s6], [sflag:s4] =	dma.local [hbm:s3], $0xF7A  }
0x26: {  	[smem:$0x3F9B] =	sst s1;
	(tag) =	ssettag s2;
	_ =	strace s9  }
0x27: {  	s1 =	sld [smem:$0x3FAB]  }
0x28: {  	s2 =	sld [smem:$0x3FAC]  }
0x29: {  	s4 =	sld [smem:$0x3FAE]  }
0x2a: {  	p0 =	seq.s32 s5, $0x0;
	s5 =	sld [smem:$0x3FAF]  }
0x2b: {  	s6 =	sld [smem:$0x3FB0]  }
0x2c: {  	s7 =	sld [smem:$0x3FB1]  }
0x2d: {  	s3 =	simm.s32 $0x108;
	s8 =	sld [smem:$0x3FB2]  }
0x2e: {  	s3 =	simm.s32 @!p0 $0x1082;
	s9 =	sld [smem:$0x3FB3]  }
0x2f: {  	lr =	sadd.s32 s0, s3;
	s0 =	sld [smem:$0x3FAA]  }
0x30: {  	s3 =	sld [smem:$0x3FAD]  }
0x31: {  	[smem:$0x3FB6] =	sst s10  }
0x32: {  	s10 =	sld [smem:$0x3FB4];
	_ =	sdelay $0x3  }
0x33: {  	p0 =	seq.s32 s10, $0x1;
	s10 =	sld [smem:$0x3FB6];
	_ =	sdelay $0x3  }
0x34: {  	[smem:$0x3FB6] =	sst s10  }
0x35: {  	s10 =	sld [smem:$0x3FB5];
	_ =	sdelay $0x3  }
0x36: {  	p1 =	seq.s32 s10, $0x1;
	s10 =	sld [smem:$0x3FB6];
	_ =	sdelay $0x3  }
0x37: {  	[smem:$0x3FB6] =	sst s10  }
0x38: {  	s10 =	sld [smem:$0x3FB7]  }
0x39: {  	_ = 	snop;
	(pc) =	sbr.ind lr, $3  }
0x3a: {  	_ = 	snop  }
0x3b: {  	_ = 	snop  }
0x3c: {  	p2 =	seq.s32 s10, $0x1;
	s10 =	sld [smem:$0x3FB6]  }
0x3d: {  	_ =	shalt  }
0x3e: {  	_ =	shalt  }
0x3f: {  	_ =	shalt  }
0x40: {  	_ =	shalt  }
0x41: {  	_ =	shalt  }
0x42: {  	_ =	shalt  }
0x43: {  	_ =	shalt  }
0x44: {  	_ =	shalt  }
0x45: {  	_ =	shalt  }
0x46: {  	_ =	shalt  }
0x47: {  	_ =	shalt  }
0x48: {  	_ =	shalt  }
0x49: {  	_ =	shalt  }
0x4a: {  	_ =	shalt  }
0x4b: {  	_ =	shalt  }
0x4c: {  	_ =	shalt  }
0x4d: {  	_ =	shalt  }
0x4e: {  	_ =	shalt  }
0x4f: {  	_ =	shalt  }
0x50: {  	_ =	shalt  }
0x51: {  	_ =	shalt  }
0x52: {  	_ =	shalt  }
0x53: {  	_ =	shalt  }
0x54: {  	_ =	shalt  }
0x55: {  	_ =	shalt  }
0x56: {  	_ =	shalt  }
0x57: {  	_ =	shalt  }
0x58: {  	_ =	shalt  }
0x59: {  	_ =	shalt  }
0x5a: {  	_ =	shalt  }
0x5b: {  	_ =	shalt  }
0x5c: {  	_ =	shalt  }
0x5d: {  	_ =	shalt  }
0x5e: {  	_ =	shalt  }
0x5f: {  	_ =	shalt  }
0x60: {  	_ =	shalt  }
0x61: {  	_ =	shalt  }
0x62: {  	_ =	shalt  }
0x63: {  	_ =	shalt  }
0x64: {  	_ =	shalt  }
0x65: {  	_ =	shalt  }
0x66: {  	_ =	shalt  }
0x67: {  	_ =	shalt  }
0x68: {  	_ =	shalt  }
0x69: {  	_ =	shalt  }
0x6a: {  	_ =	shalt  }
0x6b: {  	_ =	shalt  }
0x6c: {  	_ =	shalt  }
0x6d: {  	_ =	shalt  }
0x6e: {  	_ =	shalt  }
0x6f: {  	_ =	shalt  }
0x70: {  	_ =	shalt  }
0x71: {  	_ =	shalt  }
0x72: {  	_ =	shalt  }
0x73: {  	_ =	shalt  }
0x74: {  	_ =	shalt  }
0x75: {  	_ =	shalt  }
0x76: {  	_ =	shalt  }
0x77: {  	_ =	shalt  }
0x78: {  	_ =	shalt  }
0x79: {  	_ =	shalt  }
0x7a: {  	_ =	shalt  }
0x7b: {  	_ =	shalt  }
0x7c: {  	_ =	shalt  }
0x7d: {  	_ =	shalt  }
0x7e: {  	_ =	shalt  }
0x7f: {  	_ =	shalt  }
0x80: {  	_ =	shalt  }
0x81: {  	_ =	shalt  }
0x82: {  	_ =	shalt  }
0x83: {  	_ =	shalt  }
0x84: {  	_ =	shalt  }
0x85: {  	_ =	shalt  }
0x86: {  	_ =	shalt  }
0x87: {  	_ =	shalt  }
.Lfunc_end0:
.L_simem_size_0:
called_computation.2_lowered:
.L_overlay_start_0:
0x88: {  	s2 =	sld [smem:$0x3FD9]  }
0x89: {  	s3 =	sld [smem:$0x3FFE];
	_ =	sdelay $0x1  }
0x8a: {  	s1 =	srdreg.scid  }
0x8b: {  	s0 =	sand.u32 $0x1, s1  }
0x8c: {  	s17 =	sshll.u32 s0, $0xA;
	s2 =	sadd.s32 s3, s2  }
0x8d: {  	s2 =	sadd.s32 s2, s17  }
0x8e: {  	[smem:$0x3FC2] =	sst s2  }
0x8f: {  	_ = 	snop  }
0x90: {  	s2 =	sld [smem:$0x3FD0];
	(tm) =	ssettm $0x1  }
0x91: {  	s18 =	sld [smem:$0x3FFB];
	_ =	sdelay $0x3  }
0x92: {  	_ =	strace s18  }
0x93: {  	s3 =	sld [smem:$0x3FFC];
	_ =	sdelay $0x3  }
0x94: {  	_ =	strace s3  }
0x95: {  	s3 =	sld [smem:$0x3FFD];
	_ =	sdelay $0x3  }
0x96: {  	_ =	strace s3  }
0x97: {  	_ =	strace $0x8FFFFFFF  }
0x98: {  	s19 =	sld [smem:$0x3FDB];
	_ =	sdelay $0x1  }
0x99: {  	s4 =	simm.s32 $_scs_section_size  }
0x9a: {  	s5 =	simm.s32 $_size__tile_overlayer_lowered;
	s6 =	simm.s32 $_tile_overlayer_lowered  }
0x9b: {  	s22 =	simm.s32 $0x1BFF;
	s21 =	sshll.u32 s6, $0x1;
	s3 =	sadd.s32 s4, s19  }
0x9c: {  	s7 =	simm.s32 $0x0;
	s20 =	sshll.u32 s5, $0x1;
	s5 =	sadd.s32 s21, s3  }
0x9d: {  	[timem:s7], [sflag:s22] =	dma.local [hbm:s5], s20  }
0x9e: {  	_ =	swait.ge [sflag:s22], s20  }
0x9f: {  	s4 =	ssub.s32 $0x0, s20;
	[sflag:s22] =	ssyncset.done $0x0  }
0xa0: {  	[sflag:s22] =	ssyncadd.s32 s4;
	_ =	sdelay $0x1  }
0xa1: {  	s23 =	simm.s32 $0x1B8B  }
0xa2: {  	_ =	swait.ge [sflag:s23], $0x1  }
0xa3: {  	[sflag:s23] =	ssyncset.done $0x0  }
0xa4: {  	s25 =	simm.s32 $0x1B8E;
	s24 =	sld [smem:$0x3FFE];
	[sflag:s23] =	ssyncadd.s32 $0xFFFFFFFF  }
0xa5: {  	s26 =	simm.s32 $execute0_lowered;
	[smem:$0x3FD2] =	sst s25  }
0xa6: {  	s5 =	sshll.u32 s26, $0x1;
	_ =	strace $0x8000004C;
	[dreg:$0x1] =	wrdreg $0xFFFFFFFF  }
0xa7: {  	s28 =	simm.s32 $_size_execute0_lowered;
	s3 =	sadd.s32 s3, s5;
	[dreg:$0x0] =	wrdreg $0x0  }
0xa8: {  	s5 =	sshll.u32 s28, $0x1;
	[dreg:$0x2] =	wrdreg s3  }
0xa9: {  	[dreg:$0x3] =	wrdreg s5  }
0xaa: {  	[dreg:$0x4] =	wrdreg $0xC0  }
0xab: {  	_ =	task [dreg:s7], $0x5FFFF  }
0xac: {  	[dreg:$0x1] =	wrdreg $0xFFFFFFFF  }
0xad: {  	[dreg:$0x0] =	wrdreg $0x60  }
0xae: {  	[dreg:$0x2] =	wrdreg s2  }
0xaf: {  	[dreg:$0x3] =	wrdreg s24  }
0xb0: {  	[dreg:$0x4] =	wrdreg $0x0  }
0xb1: {  	[dreg:$0x5] =	wrdreg $0x9  }
0xb2: {  	_ =	task.clear_ibuf [dreg:s7], $0x6FFFF;
	_ =	strace $0x9000004C  }
0xb3: {  	s29 =	simm.s32 $0x9;
	_ =	strace $0x8000004E  }
0xb4: {  	_ =	swait.ge [sflag:s29], $0x1  }
0xb5: {  	[sflag:s29] =	ssyncadd.s32 $0xFFFFFFFF  }
0xb6: {  	_ =	strace $0x9000004E  }
0xb7: {  	_ =	sfence  }
0xb8: {  	s30 =	sld [smem:$0x0];
	_ =	sdelay $0x2  }
0xb9: {  	s31 =	sshll.u32 s1, $0xD;
	s1 =	sshrl.u32 s1, $0x2  }
0xba: {  	s3 =	sand.u32 $0x4000, s31;
	s1 =	sadd.s32 s1, s30  }
0xbb: {  	s0 =	sor.u32 s3, s0;
	s1 =	sshll.u32 s1, $0x11  }
0xbc: {  	s0 =	sor.u32 s1, s0  }
0xbd: {  	s0 =	sadd.s32 $0x8F2B, s0  }
0xbe: {  	[sflag:s0] =	ssyncadd.remote.s32 $0x1  }
0xbf: {  	_ =	sfence.sel $0xFFFF  }
0xc0: {  	[dreg:$0x0] =	wrdreg $0xFFFFFFFF;
	(pc) =	sbr.abs _section_cstart, $3  }
0xc1: {  	[dreg:$0x1] =	wrdreg $0xFFFFFFFF  }
0xc2: {  	_ =	task.clear_ibuf [dreg:s7], $0x2FFFF;
	_ =	strace $0x9FFFFFFF  }
0xc3: {  	(tm) =	ssettm $0x7FFFFFFF  }
tec
execute0_lowered:
.L_overlay_start_1:
0x0: {  	(tag) =	ssettag $0x1  }
0x1: {  	s1 =	rddreg [dreg:$0x0]  }
0x2: {  	s0 =	rddreg [dreg:$0x1]  }
0x3: {  	s2 =	rddreg [dreg:$0x2];
	s4 =	simm.s32 $0x0;
	s3 =	srdreg.scid  }
0x4: {  	s11 =	stileid.u32;
	s28 =	simm.s32 $0x1A000;
	s29 =	simm.s32 $0x2  }
0x5: {  	s30 =	simm.s32 $0x14F80;
	s31 =	simm.s32 $0x15F00;
	[smem:$0x7FF] =	sst s4  }
0x6: {  	s3 =	sand.u32 $0x1, s3;
	s5 =	sadd.s32 $0x2E00, s0;
	s8 =	smul.u32 $0x50000, s11  }
0x7: {  	s6 =	sadd.s32 $0xCE00, s0;
	s13 =	smul.u32 $0x14000, s11;
	s0 =	sadd.s32 $0x16E00, s0  }
0x8: {  	s10 =	sor.u32 $0x40, s11;
	s16 =	sshll.u32 s11, $0x2;
	_ =	strace $0x8000004D  }
0x9: {  	s7 =	ssub.s32 $0x2, s3;
	p0 =	seq.s32 s3, $0x0;
	s20 =	sshll.u32 s10, $0x9  }
0xa: {  	s21 =	smul.u32 $0x140000, s3;
	s9 =	sshrl.u32 s7, $0x1;
	s25 =	sshrl.u32 s8, $0x2  }
0xb: {  	s15 =	sadd.s32 $0x4000, s13;
	s17 =	sadd.s32 $0x8000, s13;
	s18 =	sadd.s32 $0xC000, s13  }
0xc: {  	s19 =	sadd.s32 $0x10000, s13;
	s10 =	smov.u32 @p0 s16;
	s26 =	sadd.s32 s5, s20  }
0xd: {  	s22 =	sadd.s32 s6, s20;
	p0 =	sne.s32 s3, $0x0;
	s14 =	ssub.s32 s7, s9  }
0xe: {  	s7 =	sadd.s32 s25, s2;
	s8 =	sadd.s32 s15, s2;
	s9 =	sadd.s32 s17, s2  }
0xf: {  	s11 =	sadd.s32 s18, s2;
	s12 =	sadd.s32 s19, s2;
	[dreg:$0x4] =	wrdreg s26  }
0x10: {  	s13 =	sadd.s32 s13, s21;
	s15 =	sadd.s32 s21, s15;
	[dreg:$0x5] =	wrdreg s22  }
0x11: {  	s25 =	sadd.s32 s21, s17;
	s18 =	sadd.s32 s21, s18;
	s19 =	sadd.s32 s21, s19  }
0x12: {  	s21 =	simm.s32 $0x16000;
	s22 =	simm.s32 $0x3;
	s13 =	sshrl.u32 s13, $0x3  }
0x13: {  	s23 =	sshrl.u32 s15, $0x3;
	s26 =	sshrl.u32 s18, $0x3;
	s19 =	sshrl.u32 s19, $0x3  }
.Ltmp0:
0x14: {  	s20 =	smax.u32 s14, $0x1;
	s13 =	sadd.s32 s0, s13;
	(pc) =	sbr.rel .LBB2_1-.Ltmp0, $4  }
0x15: {  	s24 =	sadd.s32 s0, s23;
	s18 =	sadd.s32 s0, s26;
	s19 =	sadd.s32 s0, s19  }
0x16: {  	s23 =	simm.s32 $0x14000;
	s26 =	simm.s32 $0x1;
	[dreg:$0x6] =	wrdreg s13  }
0x17: {  	[dreg:$0x7] =	wrdreg s24;
	s13 =	sshrl.u32 s25, $0x3;
	s24 =	simm.s32 $0x15000  }
0x18: {  	v0 =	vimm.f32 $0.0e+00;
	s25 =	simm.s32 $0x80;
	s17 =	sadd.s32 s0, s13;
	s0 =	simm.s32 $0x15F80  }
.LBB2_10:
0x19: {  	s3 =	stileid.u32  }
0x1a: {  	[bflag:$0x0] =	sbarrier.arrive $0xFFFF;
	s3 =	sshll.u32 s3, $0x6  }
0x1b: {  	s13 =	sshrl.u32 s7, $0x3;
	s14 =	rddreg [dreg:$0x6];
	s3 =	sor.u32 $0x1C03, s3  }
0x1c: {  	[hbm:s14], [sflag:s3] =	dma.local [spmem:s13], $0x800  }
0x1d: {  	_ =	swait.ge [sflag:s22], $0x800  }
0x1e: {  	[sflag:s22] =	ssyncset.done $0x0  }
0x1f: {  	s15 =	sshrl.u32 s8, $0x3;
	s16 =	rddreg [dreg:$0x7];
	[sflag:s22] =	ssyncadd.s32 $0xFFFFF800  }
0x20: {  	[hbm:s16], [sflag:s3] =	dma.local [spmem:s15], $0x800  }
0x21: {  	_ =	swait.ge [sflag:s22], $0x800  }
0x22: {  	[sflag:s22] =	ssyncset.done $0x0  }
0x23: {  	s14 =	sshrl.u32 s9, $0x3;
	[sflag:s22] =	ssyncadd.s32 $0xFFFFF800  }
0x24: {  	[hbm:s17], [sflag:s3] =	dma.local [spmem:s14], $0x800  }
0x25: {  	_ =	swait.ge [sflag:s22], $0x800  }
0x26: {  	[sflag:s22] =	ssyncset.done $0x0  }
0x27: {  	s15 =	sshrl.u32 s11, $0x3;
	[sflag:s22] =	ssyncadd.s32 $0xFFFFF800  }
0x28: {  	[hbm:s18], [sflag:s3] =	dma.local [spmem:s15], $0x800  }
0x29: {  	s4 =	sadd.s32 $0x1, s4;
	_ =	swait.ge [sflag:s22], $0x800  }
0x2a: {  	p1 =	sne.s32 s4, s20;
	[sflag:s22] =	ssyncset.done $0x0  }
.Ltmp1:
0x2b: {  	s16 =	sshrl.u32 s12, $0x3;
	[sflag:s22] =	ssyncadd.s32 $0xFFFFF800;
	(pc) =	sbr.rel @!p1 .LBB2_11-.Ltmp1, $4  }
0x2c: {  	[hbm:s19], [sflag:s3] =	dma.local [spmem:s16], $0x800  }
0x2d: {  	_ =	swait.ge [sflag:s22], $0x800  }
0x2e: {  	[sflag:s22] =	ssyncset.done $0x0  }
0x2f: {  	[sflag:s22] =	ssyncadd.s32 $0xFFFFF800  }
.LBB2_1:
0x30: {  	s3 =	simm.s32 $0x0;
	s13 =	simm.s32 $0x200  }
.LBB2_2:
0x31: {  	p1 =	sne.s32 s13, $0xFE00;
	[tilespmem:s3+$0x16070] =	vst v0  }
0x32: {  	[tilespmem:s3+$0x16000] =	vst v0  }
0x33: {  	[tilespmem:s3+$0x16010] =	vst v0  }
.Ltmp2:
0x34: {  	[tilespmem:s3+$0x16020] =	vst v0;
	(pc) =	sbr.rel @p1 .LBB2_2-.Ltmp2, $4  }
0x35: {  	[tilespmem:s3+$0x16030] =	vst v0  }
0x36: {  	[tilespmem:s3+$0x16040] =	vst v0  }
0x37: {  	[tilespmem:s3+$0x16050] =	vst v0  }
0x38: {  	[tilespmem:s3+$0x16060] =	vst v0;
	s3 =	sshra.s32 s13, $0x2;
	s13 =	sadd.s32 $0x200, s13  }
0x39: {  	[tilespmem:s3+$0x16070] =	vst v0  }
0x3a: {  	[tilespmem:s3+$0x16000] =	vst v0  }
0x3b: {  	[tilespmem:s3+$0x16010] =	vst v0  }
0x3c: {  	[tilespmem:s3+$0x16020] =	vst v0  }
0x3d: {  	[tilespmem:s3+$0x16030] =	vst v0  }
0x3e: {  	[tilespmem:s3+$0x16040] =	vst v0  }
0x3f: {  	[tilespmem:s3+$0x16050] =	vst v0  }
0x40: {  	[tilespmem:s3+$0x16060] =	vst v0  }
0x41: {  	[spmem:s7] =	stream.linear.scatter [tilespmem:s21], [sflag:$0x3], $0x4000, $0x38;
	[tilespmem:$0x1E000] =	vst v63  }
0x42: {  	_ =	swait.ge [sflag:s22], $0x4000  }
0x43: {  	[sflag:s22] =	ssyncset.done $0x0  }
0x44: {  	[sflag:s22] =	ssyncadd.s32 $0xFFFFC000  }
0x45: {  	[spmem:s8] =	stream.linear.scatter [tilespmem:s21], [sflag:$0x3], $0x4000, $0x38;
	[tilespmem:$0x1E000] =	vst v63  }
0x46: {  	_ =	swait.ge [sflag:s22], $0x4000  }
0x47: {  	[sflag:s22] =	ssyncset.done $0x0  }
0x48: {  	[sflag:s22] =	ssyncadd.s32 $0xFFFFC000  }
0x49: {  	[spmem:s9] =	stream.linear.scatter [tilespmem:s21], [sflag:$0x3], $0x4000, $0x38;
	[tilespmem:$0x1E000] =	vst v63  }
0x4a: {  	_ =	swait.ge [sflag:s22], $0x4000  }
0x4b: {  	[sflag:s22] =	ssyncset.done $0x0  }
0x4c: {  	[sflag:s22] =	ssyncadd.s32 $0xFFFFC000  }
0x4d: {  	[spmem:s11] =	stream.linear.scatter [tilespmem:s21], [sflag:$0x3], $0x4000, $0x38;
	[tilespmem:$0x1E000] =	vst v63  }
0x4e: {  	_ =	swait.ge [sflag:s22], $0x4000  }
0x4f: {  	[sflag:s22] =	ssyncset.done $0x0  }
0x50: {  	[sflag:s22] =	ssyncadd.s32 $0xFFFFC000  }
0x51: {  	[spmem:s12] =	stream.linear.scatter [tilespmem:s21], [sflag:$0x3], $0x4000, $0x38;
	[tilespmem:$0x1E000] =	vst v63  }
.Ltmp3:
0x52: {  	_ =	swait.ge [sflag:s22], $0x4000;
	(pc) =	sbr.rel @p0 .LBB2_7-.Ltmp3, $4  }
0x53: {  	[sflag:s22] =	ssyncset.done $0x0  }
0x54: {  	[sflag:s22] =	ssyncadd.s32 $0xFFFFC000  }
0x55: {  	[bflag:$0x0] =	sbarrier.arrive $0xFFFF  }
0x56: {  	s13 =	simm.s32 $0x0;
	s14 =	simm.s32 $0x0  }
.LBB2_4:
0x57: {  	s3 =	sadd.s32 s10, s14  }
0x58: {  	s3 =	sshll.u32 s3, $0x9  }
0x59: {  	s15 =	sadd.s32 s5, s3  }
0x5a: {  	[tilespmem:s23], [sflag:$0x3] =	stream.linear.gather [hbm4b:s15+s13], $0x1000, $0x38;
	[tilespmem:$0x1E000] =	vst v63  }
0x5b: {  	_ =	swait.ge [sflag:s22], $0x1000  }
0x5c: {  	[sflag:s22] =	ssyncset.done $0x0  }
0x5d: {  	s3 =	sadd.s32 s6, s3;
	[sflag:s22] =	ssyncadd.s32 $0xFFFFF000  }
0x5e: {  	[tilespmem:s24], [sflag:$0x3] =	stream.linear.gather [hbm4b:s3+s13], $0x1000, $0x38;
	[tilespmem:$0x1E000] =	vst v63  }
0x5f: {  	_ =	swait.ge [sflag:s22], $0x1000  }
0x60: {  	[sflag:s22] =	ssyncset.done $0x0  }
0x61: {  	[sflag:s22] =	ssyncadd.s32 $0xFFFFF000  }
0x62: {  	[tilespmem:s21], [sflag:$0x1] =	stream.indirect.gather [hbm4b:s1+s25], $0x80, s23, s25, $0xb8;
	[tilespmem:$0x1E000] =	vst v63  }
0x63: {  	_ =	swait.ge [sflag:s26], $0x4000  }
0x64: {  	[sflag:s26] =	ssyncset.done $0x0  }
0x65: {  	s15 =	simm.s32 $0x14080;
	[sflag:s26] =	ssyncadd.s32 $0xFFFFC000  }
0x66: {  	[tilespmem:s28], [sflag:$0x2] =	stream.indirect.gather [hbm4b:s1+s25], $0x80, s15, s25, $0xb8;
	[tilespmem:$0x1E000] =	vst v63  }
0x67: {  	s16 =	simm.s32 $0x15000  }
0x68: {  	[spmem:s2] =	stream.indirect.scatter.add.f32 [tilespmem:s21], [sflag:$0x3], $0x80, s16, s25, $0xb8;
	[tilespmem:$0x1E000] =	vst v63  }
0x69: {  	_ =	swait.ge [sflag:s22], $0x4000  }
0x6a: {  	[sflag:s22] =	ssyncset.done $0x0  }
0x6b: {  	[sflag:s22] =	ssyncadd.s32 $0xFFFFC000  }
0x6c: {  	_ =	swait.ge [sflag:s29], $0x4000  }
0x6d: {  	[sflag:s29] =	ssyncset.done $0x0  }
0x6e: {  	s15 =	simm.s32 $0x14100;
	[sflag:s29] =	ssyncadd.s32 $0xFFFFC000  }
0x6f: {  	[tilespmem:s21], [sflag:$0x1] =	stream.indirect.gather [hbm4b:s1+s25], $0x80, s15, s25, $0xb8;
	[tilespmem:$0x1E000] =	vst v63  }
0x70: {  	s16 =	simm.s32 $0x15080  }
0x71: {  	[spmem:s2] =	stream.indirect.scatter.add.f32 [tilespmem:s28], [sflag:$0x3], $0x80, s16, s25, $0xb8;
	[tilespmem:$0x1E000] =	vst v63  }
0x72: {  	_ =	swait.ge [sflag:s22], $0x4000  }
0x73: {  	s3 =	simm.s32 $0x400;
	[sflag:s22] =	ssyncset.done $0x0  }
.LBB2_5:
0x74: {  	p1 =	sne.s32 s3, $0x3800  }
0x75: {  	[sflag:s22] =	ssyncadd.s32 $0xFFFFC000;
	s15 =	smov.u32 s3;
	s3 =	sadd.s32 $0x400, s3  }
0x76: {  	_ = 	snop  }
0x77: {  	_ =	swait.ge [sflag:s26], $0x4000  }
0x78: {  	s15 =	sshra.s32 s15, $0x2;
	[sflag:s26] =	ssyncset.done $0x0  }
0x79: {  	s16 =	sadd.s32 $0x14080, s15;
	[sflag:s26] =	ssyncadd.s32 $0xFFFFC000  }
0x7a: {  	[tilespmem:s28], [sflag:$0x2] =	stream.indirect.gather [hbm4b:s1+s25], $0x80, s16, s25, $0xb8;
	[tilespmem:$0x1E000] =	vst v63  }
0x7b: {  	s16 =	sadd.s32 $0x15000, s15  }
0x7c: {  	[spmem:s2] =	stream.indirect.scatter.add.f32 [tilespmem:s21], [sflag:$0x3], $0x80, s16, s25, $0xb8;
	[tilespmem:$0x1E000] =	vst v63  }
0x7d: {  	_ =	swait.ge [sflag:s22], $0x4000  }
0x7e: {  	[sflag:s22] =	ssyncset.done $0x0  }
0x7f: {  	[sflag:s22] =	ssyncadd.s32 $0xFFFFC000  }
0x80: {  	_ =	swait.ge [sflag:s29], $0x4000  }
0x81: {  	[sflag:s29] =	ssyncset.done $0x0  }
0x82: {  	s16 =	sadd.s32 $0x14100, s15;
	[sflag:s29] =	ssyncadd.s32 $0xFFFFC000  }
0x83: {  	[tilespmem:s21], [sflag:$0x1] =	stream.indirect.gather [hbm4b:s1+s25], $0x80, s16, s25, $0xb8;
	[tilespmem:$0x1E000] =	vst v63  }
.Ltmp4:
0x84: {  	_ = 	snop;
	(pc) =	sbr.rel @p1 .LBB2_5-.Ltmp4, $4  }
0x85: {  	s15 =	sadd.s32 $0x15080, s15  }
0x86: {  	[spmem:s2] =	stream.indirect.scatter.add.f32 [tilespmem:s28], [sflag:$0x3], $0x80, s15, s25, $0xb8;
	[tilespmem:$0x1E000] =	vst v63  }
0x87: {  	_ =	swait.ge [sflag:s22], $0x4000  }
0x88: {  	[sflag:s22] =	ssyncset.done $0x0  }
0x89: {  	[sflag:s22] =	ssyncadd.s32 $0xFFFFC000  }
0x8a: {  	_ =	swait.ge [sflag:s26], $0x4000  }
0x8b: {  	[sflag:s26] =	ssyncset.done $0x0  }
0x8c: {  	[sflag:s26] =	ssyncadd.s32 $0xFFFFC000  }
0x8d: {  	[tilespmem:s28], [sflag:$0x2] =	stream.indirect.gather [hbm4b:s1+s25], $0x80, s30, s25, $0xb8;
	[tilespmem:$0x1E000] =	vst v63  }
0x8e: {  	_ = 	snop  }
0x8f: {  	[spmem:s2] =	stream.indirect.scatter.add.f32 [tilespmem:s21], [sflag:$0x3], $0x80, s31, s25, $0xb8;
	[tilespmem:$0x1E000] =	vst v63  }
0x90: {  	_ =	swait.ge [sflag:s22], $0x4000  }
0x91: {  	[sflag:s22] =	ssyncset.done $0x0  }
0x92: {  	[sflag:s22] =	ssyncadd.s32 $0xFFFFC000  }
0x93: {  	_ =	swait.ge [sflag:s29], $0x4000  }
0x94: {  	s14 =	sadd.s32 $0x1, s14;
	[sflag:s29] =	ssyncset.done $0x0  }
0x95: {  	p1 =	seq.s32 s14, $0x4;
	[sflag:s29] =	ssyncadd.s32 $0xFFFFC000  }
0x96: {  	[spmem:s2] =	stream.indirect.scatter.add.f32 [tilespmem:s28], [sflag:$0x3], $0x80, s0, s25, $0xb8;
	[tilespmem:$0x1E000] =	vst v63  }
.Ltmp5:
0x97: {  	_ = 	snop;
	(pc) =	sbr.rel @!p1 .LBB2_4-.Ltmp5, $4  }
.Ltmp6:
0x98: {  	_ = 	snop;
	(pc) =	sbr.rel @p1 .LBB2_10-.Ltmp6, $4  }
0x99: {  	_ =	swait.ge [sflag:s22], $0x4000  }
0x9a: {  	[sflag:s22] =	ssyncset.done $0x0  }
0x9b: {  	[sflag:s22] =	ssyncadd.s32 $0xFFFFC000  }
0x9c: {  	_ = 	snop  }
.LBB2_7:
0x9d: {  	s3 =	simm.s32 $0x0;
	s13 =	rddreg [dreg:$0x4]  }
0x9e: {  	[tilespmem:s23], [sflag:$0x3] =	stream.linear.gather [hbm4b:s13+s3], $0x1000, $0x38;
	[tilespmem:$0x1E000] =	vst v63  }
0x9f: {  	_ =	swait.ge [sflag:s22], $0x1000  }
0xa0: {  	[sflag:s22] =	ssyncset.done $0x0  }
0xa1: {  	s14 =	rddreg [dreg:$0x5];
	[sflag:s22] =	ssyncadd.s32 $0xFFFFF000  }
0xa2: {  	[tilespmem:s24], [sflag:$0x3] =	stream.linear.gather [hbm4b:s14+s3], $0x1000, $0x38;
	[tilespmem:$0x1E000] =	vst v63  }
0xa3: {  	_ =	swait.ge [sflag:s22], $0x1000  }
0xa4: {  	[sflag:s22] =	ssyncset.done $0x0  }
0xa5: {  	s15 =	simm.s32 $0x14000;
	[sflag:s22] =	ssyncadd.s32 $0xFFFFF000  }
0xa6: {  	[tilespmem:s21], [sflag:$0x1] =	stream.indirect.gather [hbm4b:s1+s25], $0x80, s15, s25, $0xb8;
	[tilespmem:$0x1E000] =	vst v63  }
0xa7: {  	_ =	swait.ge [sflag:s26], $0x4000  }
0xa8: {  	[sflag:s26] =	ssyncset.done $0x0  }
0xa9: {  	s16 =	simm.s32 $0x15000;
	[sflag:s26] =	ssyncadd.s32 $0xFFFFC000  }
0xaa: {  	[spmem:s2] =	stream.indirect.scatter.add.f32 [tilespmem:s21], [sflag:$0x3], $0x80, s16, s25, $0xb8;
	[tilespmem:$0x1E000] =	vst v63  }
0xab: {  	_ =	swait.ge [sflag:s22], $0x4000  }
0xac: {  	s13 =	simm.s32 $0x400;
	s3 =	simm.s32 $0x80;
	[sflag:s22] =	ssyncset.done $0x0  }
.LBB2_8:
0xad: {  	s14 =	sadd.s32 $0x14000, s3  }
0xae: {  	[sflag:s22] =	ssyncadd.s32 $0xFFFFC000;
	s15 =	smov.u32 s13;
	s16 =	sadd.s32 $0x200, s13  }
0xaf: {  	[tilespmem:s21], [sflag:$0x1] =	stream.indirect.gather [hbm4b:s1+s25], $0x80, s14, s25, $0xb8;
	[tilespmem:$0x1E000] =	vst v63  }
0xb0: {  	p1 =	sne.s32 s13, $0x3E00;
	_ =	swait.ge [sflag:s26], $0x4000  }
.Ltmp7:
0xb1: {  	[sflag:s26] =	ssyncset.done $0x0;
	(pc) =	sbr.rel @p1 .LBB2_8-.Ltmp7, $4  }
0xb2: {  	s3 =	sadd.s32 $0x15000, s3;
	[sflag:s26] =	ssyncadd.s32 $0xFFFFC000  }
0xb3: {  	[spmem:s2] =	stream.indirect.scatter.add.f32 [tilespmem:s21], [sflag:$0x3], $0x80, s3, s25, $0xb8;
	[tilespmem:$0x1E000] =	vst v63  }
0xb4: {  	_ =	swait.ge [sflag:s22], $0x4000  }
0xb5: {  	s13 =	smov.u32 s16;
	s3 =	sshra.s32 s15, $0x2;
	[sflag:s22] =	ssyncset.done $0x0  }
0xb6: {  	s13 =	sadd.s32 $0x14000, s3;
	[sflag:s22] =	ssyncadd.s32 $0xFFFFC000  }
0xb7: {  	[tilespmem:s21], [sflag:$0x1] =	stream.indirect.gather [hbm4b:s1+s25], $0x80, s13, s25, $0xb8;
	[tilespmem:$0x1E000] =	vst v63  }
0xb8: {  	_ =	swait.ge [sflag:s26], $0x4000  }
0xb9: {  	[sflag:s26] =	ssyncset.done $0x0  }
.Ltmp8:
0xba: {  	s16 =	sadd.s32 $0x15000, s3;
	[sflag:s26] =	ssyncadd.s32 $0xFFFFC000;
	(pc) =	sbr.rel .LBB2_10-.Ltmp8, $4  }
0xbb: {  	[spmem:s2] =	stream.indirect.scatter.add.f32 [tilespmem:s21], [sflag:$0x3], $0x80, s16, s25, $0xb8;
	[tilespmem:$0x1E000] =	vst v63  }
0xbc: {  	_ =	swait.ge [sflag:s22], $0x4000  }
0xbd: {  	[sflag:s22] =	ssyncset.done $0x0  }
0xbe: {  	[sflag:s22] =	ssyncadd.s32 $0xFFFFC000  }
.LBB2_11:
0xbf: {  	_ =	sfence.sel $0x180000  }
0xc0: {  	[bflag:$0x0] =	sbarrier.arrive $0xFFFF  }
0xc1: {  	_ =	strace $0x9000004D  }
0xc2: {  	s0 =	stileid.u32;
	[bflag:$0x2] =	sbarrier.arrive $0xFFFF  }
0xc3: {  	p0 =	sne.s32 s0, $0x0;
	s0 =	rddreg [dreg:$0x3]  }
0xc4: {  	s0 =	sadd.s32 @!p0 $0x100000, s0  }
0xc5: {  	[sflag:s0] =	ssyncadd.tile.s32 @!p0 $0x1;
	_ =	shalt  }
.Lfunc_end2:
_tile_overlayer_lowered:
.L_overlay_start_2:
0xc6: {  	(tag) =	ssettag $0x2  }
0xc7: {  	s0 =	rddreg [dreg:$0x0];
	s2 =	stileid.u32  }
0xc8: {  	s1 =	rddreg [dreg:$0x1];
	p0 =	sne.s32 s2, $0x0  }
0xc9: {  	s3 =	rddreg [dreg:$0x2];
	[bflag:$0x3] =	sbarrier.arrive $0xFFFF;
	s2 =	simm.s32 @!p0 $0x1C03  }
0xca: {  	[timem:s3], [sflag:s2] =	dma.local @!p0 [hbm:s0], s1  }
0xcb: {  	s0 =	simm.s32 @!p0 $0x3  }
0xcc: {  	_ =	swait.ge @!p0 [sflag:s0], s1  }
0xcd: {  	s1 =	ssub.s32 @!p0 $0x0, s1;
	[sflag:s0] =	ssyncset.done @!p0 $0x0  }
0xce: {  	[sflag:s0] =	ssyncadd.s32 @!p0 s1  }
0xcf: {  	[bflag:$0x3] =	sbarrier.arrive $0xFFFF  }
0xd0: {  	_ =	shalt  }

// kernel: kernel.8.cloned.1.call-start
scs
__scs_entry_jumppad:
0x0: {  	(pc) =	sbr.rel $0x88, $3  }
0x1: {  	(tag) =	ssettag $0x0;
	lr =	simm.s32 $0x1  }
0x2: {  	[smem:$0x3F9B] =	sst lr;
	_ =	strace $0xD0000000  }
0x3: {  	_ = 	snop  }
0x4: {  	_ = 	snop  }
0x5: {  	_ = 	snop  }
0x6: {  	_ = 	snop  }
0x7: {  	_ = 	snop  }
__scs_overlays_trampoline_lowered:
0x8: {  	[smem:$0x3FAA] =	sst s0  }
0x9: {  	[smem:$0x3FAB] =	sst s1  }
0xa: {  	[smem:$0x3FAC] =	sst s2  }
0xb: {  	[smem:$0x3FAD] =	sst s3  }
0xc: {  	[smem:$0x3FAE] =	sst s4  }
0xd: {  	[smem:$0x3FAF] =	sst s5  }
0xe: {  	[smem:$0x3FB0] =	sst s6  }
0xf: {  	[smem:$0x3FB1] =	sst s7  }
0x10: {  	[smem:$0x3FB2] =	sst s8  }
0x11: {  	[smem:$0x3FB3] =	sst s9;
	s0 =	simm.s32 @!p0 $0x0  }
0x12: {  	s1 =	sld [smem:$0x3F99];
	s0 =	simm.s32 @p0 $0x1  }
0x13: {  	[smem:$0x3FB4] =	sst s0;
	s0 =	simm.s32 @!p1 $0x0  }
0x14: {  	s2 =	sld [smem:$0x3F98];
	s0 =	simm.s32 @p1 $0x1  }
0x15: {  	[smem:$0x3FB5] =	sst s0;
	s0 =	simm.s32 @!p2 $0x0  }
0x16: {  	s3 =	sld [smem:$0x3FDB];
	s0 =	simm.s32 @p2 $0x1  }
0x17: {  	s4 =	simm.s32 $0x1BF5;
	[smem:$0x3FB7] =	sst s0  }
0x18: {  	s0 =	sld [smem:$0x3F9A];
	_ =	swait.ge [sflag:s4], $0x0  }
0x19: {  	s7 =	sld [smem:$0x3F9B]  }
0x1a: {  	s8 =	sadd.s32 $0xFFFFE003, lr  }
0x1b: {  	s9 =	sadd.s32 $0xFFFFFEF7, lr;
	s5 =	simm.s32 $0xFFFFFFFF;
	p2 =	slt.u32 s8, $0xFFFFF086  }
0x1c: {  	p1 =	slt.u32 s9, $0xF7A;
	s5 =	simm.s32 @!p2 $0x0  }
0x1d: {  	s5 =	simm.s32 @p1 $0x1;
	p0 =	seq.s32 s7, s2  }
0x1e: {  	s7 =	smul.u32 @!p0 $0xF7A, s2;
	p2 =	seq.s32 @!p0 s5, $0x0  }
0x1f: {  	s9 =	smul.u32 $0xF7A, s1;
	s8 =	simm.s32 @!p0 $0x1BF5;
	p2 =	por !p2, p0  }
0x20: {  	[sflag:s8] =	ssyncset.s32 @!p0 $0xFFFFF086;
	s6 =	sadd.s32 @!p0 s3, s7;
	s7 =	simm.s32 @!p0 $0x108  }
0x21: {  	s3 =	sadd.s32 s3, s9;
	s6 =	sadd.s32 @!p0 $0x88, s6;
	s7 =	simm.s32 @p2 $0x1082  }
0x22: {  	[simem:s7], [sflag:s8] =	dma.local @!p0 [hbm:s6], $0xF7A  }
0x23: {  	s9 =	sor.u32 $0xD0000000, s2;
	s6 =	simm.s32 $0x108;
	_ =	swait.ge @!p0 [sflag:s8], $0x0  }
0x24: {  	s3 =	sadd.s32 $0x88, s3;
	s6 =	simm.s32 @!p1 $0x1082;
	[sflag:s4] =	ssyncset.s32 $0xFFFFF086  }
0x25: {  	[simem:s6], [sflag:s4] =	dma.local [hbm:s3], $0xF7A  }
0x26: {  	[smem:$0x3F9B] =	sst s1;
	(tag) =	ssettag s2;
	_ =	strace s9  }
0x27: {  	s1 =	sld [smem:$0x3FAB]  }
0x28: {  	s2 =	sld [smem:$0x3FAC]  }
0x29: {  	s4 =	sld [smem:$0x3FAE]  }
0x2a: {  	p0 =	seq.s32 s5, $0x0;
	s5 =	sld [smem:$0x3FAF]  }
0x2b: {  	s6 =	sld [smem:$0x3FB0]  }
0x2c: {  	s7 =	sld [smem:$0x3FB1]  }
0x2d: {  	s3 =	simm.s32 $0x108;
	s8 =	sld [smem:$0x3FB2]  }
0x2e: {  	s3 =	simm.s32 @!p0 $0x1082;
	s9 =	sld [smem:$0x3FB3]  }
0x2f: {  	lr =	sadd.s32 s0, s3;
	s0 =	sld [smem:$0x3FAA]  }
0x30: {  	s3 =	sld [smem:$0x3FAD]  }
0x31: {  	[smem:$0x3FB6] =	sst s10  }
0x32: {  	s10 =	sld [smem:$0x3FB4];
	_ =	sdelay $0x3  }
0x33: {  	p0 =	seq.s32 s10, $0x1;
	s10 =	sld [smem:$0x3FB6];
	_ =	sdelay $0x3  }
0x34: {  	[smem:$0x3FB6] =	sst s10  }
0x35: {  	s10 =	sld [smem:$0x3FB5];
	_ =	sdelay $0x3  }
0x36: {  	p1 =	seq.s32 s10, $0x1;
	s10 =	sld [smem:$0x3FB6];
	_ =	sdelay $0x3  }
0x37: {  	[smem:$0x3FB6] =	sst s10  }
0x38: {  	s10 =	sld [smem:$0x3FB7]  }
0x39: {  	_ = 	snop;
	(pc) =	sbr.ind lr, $3  }
0x3a: {  	_ = 	snop  }
0x3b: {  	_ = 	snop  }
0x3c: {  	p2 =	seq.s32 s10, $0x1;
	s10 =	sld [smem:$0x3FB6]  }
0x3d: {  	_ =	shalt  }
0x3e: {  	_ =	shalt  }
0x3f: {  	_ =	shalt  }
0x40: {  	_ =	shalt  }
0x41: {  	_ =	shalt  }
0x42: {  	_ =	shalt  }
0x43: {  	_ =	shalt  }
0x44: {  	_ =	shalt  }
0x45: {  	_ =	shalt  }
0x46: {  	_ =	shalt  }
0x47: {  	_ =	shalt  }
0x48: {  	_ =	shalt  }
0x49: {  	_ =	shalt  }
0x4a: {  	_ =	shalt  }
0x4b: {  	_ =	shalt  }
0x4c: {  	_ =	shalt  }
0x4d: {  	_ =	shalt  }
0x4e: {  	_ =	shalt  }
0x4f: {  	_ =	shalt  }
0x50: {  	_ =	shalt  }
0x51: {  	_ =	shalt  }
0x52: {  	_ =	shalt  }
0x53: {  	_ =	shalt  }
0x54: {  	_ =	shalt  }
0x55: {  	_ =	shalt  }
0x56: {  	_ =	shalt  }
0x57: {  	_ =	shalt  }
0x58: {  	_ =	shalt  }
0x59: {  	_ =	shalt  }
0x5a: {  	_ =	shalt  }
0x5b: {  	_ =	shalt  }
0x5c: {  	_ =	shalt  }
0x5d: {  	_ =	shalt  }
0x5e: {  	_ =	shalt  }
0x5f: {  	_ =	shalt  }
0x60: {  	_ =	shalt  }
0x61: {  	_ =	shalt  }
0x62: {  	_ =	shalt  }
0x63: {  	_ =	shalt  }
0x64: {  	_ =	shalt  }
0x65: {  	_ =	shalt  }
0x66: {  	_ =	shalt  }
0x67: {  	_ =	shalt  }
0x68: {  	_ =	shalt  }
0x69: {  	_ =	shalt  }
0x6a: {  	_ =	shalt  }
0x6b: {  	_ =	shalt  }
0x6c: {  	_ =	shalt  }
0x6d: {  	_ =	shalt  }
0x6e: {  	_ =	shalt  }
0x6f: {  	_ =	shalt  }
0x70: {  	_ =	shalt  }
0x71: {  	_ =	shalt  }
0x72: {  	_ =	shalt  }
0x73: {  	_ =	shalt  }
0x74: {  	_ =	shalt  }
0x75: {  	_ =	shalt  }
0x76: {  	_ =	shalt  }
0x77: {  	_ =	shalt  }
0x78: {  	_ =	shalt  }
0x79: {  	_ =	shalt  }
0x7a: {  	_ =	shalt  }
0x7b: {  	_ =	shalt  }
0x7c: {  	_ =	shalt  }
0x7d: {  	_ =	shalt  }
0x7e: {  	_ =	shalt  }
0x7f: {  	_ =	shalt  }
0x80: {  	_ =	shalt  }
0x81: {  	_ =	shalt  }
0x82: {  	_ =	shalt  }
0x83: {  	_ =	shalt  }
0x84: {  	_ =	shalt  }
0x85: {  	_ =	shalt  }
0x86: {  	_ =	shalt  }
0x87: {  	_ =	shalt  }
.Lfunc_end0:
.L_simem_size_0:
called_computation_lowered:
.L_overlay_start_0:
0x88: {  	s2 =	sld [smem:$0x3FD9]  }
0x89: {  	s3 =	sld [smem:$0x3FFE];
	_ =	sdelay $0x1  }
0x8a: {  	s1 =	srdreg.scid  }
0x8b: {  	s0 =	sand.u32 $0x1, s1  }
0x8c: {  	s16 =	sshll.u32 s0, $0xA;
	s2 =	sadd.s32 s3, s2  }
0x8d: {  	s2 =	sadd.s32 s2, s16  }
0x8e: {  	[smem:$0x3FC2] =	sst s2  }
0x8f: {  	_ = 	snop  }
0x90: {  	(tm) =	ssettm $0x1  }
0x91: {  	s17 =	sld [smem:$0x3FFB];
	_ =	sdelay $0x3  }
0x92: {  	_ =	strace s17  }
0x93: {  	s2 =	sld [smem:$0x3FFC];
	_ =	sdelay $0x3  }
0x94: {  	_ =	strace s2  }
0x95: {  	s2 =	sld [smem:$0x3FFD];
	_ =	sdelay $0x3  }
0x96: {  	_ =	strace s2  }
0x97: {  	_ =	strace $0x8FFFFFFF  }
0x98: {  	s18 =	sld [smem:$0x3FDB];
	_ =	sdelay $0x1  }
0x99: {  	s19 =	simm.s32 $_scs_section_size  }
0x9a: {  	s4 =	simm.s32 $_size__tile_overlayer_lowered;
	s5 =	simm.s32 $_tile_overlayer_lowered  }
0x9b: {  	s22 =	simm.s32 $0x1BFF;
	s21 =	sshll.u32 s5, $0x1;
	s2 =	sadd.s32 s19, s18  }
0x9c: {  	s6 =	simm.s32 $0x0;
	s20 =	sshll.u32 s4, $0x1;
	s4 =	sadd.s32 s21, s2  }
0x9d: {  	[timem:s6], [sflag:s22] =	dma.local [hbm:s4], s20  }
0x9e: {  	_ =	swait.ge [sflag:s22], s20  }
0x9f: {  	s3 =	ssub.s32 $0x0, s20;
	[sflag:s22] =	ssyncset.done $0x0  }
0xa0: {  	[sflag:s22] =	ssyncadd.s32 s3;
	_ =	sdelay $0x1  }
0xa1: {  	s23 =	simm.s32 $0x1B8B  }
0xa2: {  	_ =	swait.ge [sflag:s23], $0x1  }
0xa3: {  	[sflag:s23] =	ssyncset.done $0x0  }
0xa4: {  	s25 =	simm.s32 $0x1B8E;
	s24 =	sld [smem:$0x3FFE];
	[sflag:s23] =	ssyncadd.s32 $0xFFFFFFFF  }
0xa5: {  	s26 =	simm.s32 $execute0_lowered;
	[smem:$0x3FD2] =	sst s25  }
0xa6: {  	s4 =	sshll.u32 s26, $0x1;
	_ =	strace $0x80000046;
	[dreg:$0x1] =	wrdreg $0xFFFFFFFF  }
0xa7: {  	s28 =	simm.s32 $_size_execute0_lowered;
	s2 =	sadd.s32 s2, s4;
	[dreg:$0x0] =	wrdreg $0x0  }
0xa8: {  	s4 =	sshll.u32 s28, $0x1;
	[dreg:$0x2] =	wrdreg s2  }
0xa9: {  	[dreg:$0x3] =	wrdreg s4  }
0xaa: {  	[dreg:$0x4] =	wrdreg $0xC0  }
0xab: {  	_ =	task [dreg:s6], $0x5FFFF  }
0xac: {  	[dreg:$0x1] =	wrdreg $0xFFFFFFFF  }
0xad: {  	[dreg:$0x0] =	wrdreg $0x60  }
0xae: {  	[dreg:$0x2] =	wrdreg s24  }
0xaf: {  	[dreg:$0x3] =	wrdreg $0x0  }
0xb0: {  	[dreg:$0x4] =	wrdreg $0x9  }
0xb1: {  	_ =	task.clear_ibuf [dreg:s6], $0x5FFFF;
	_ =	strace $0x90000046  }
0xb2: {  	s29 =	simm.s32 $0x9;
	_ =	strace $0x80000048  }
0xb3: {  	_ =	swait.ge [sflag:s29], $0x1  }
0xb4: {  	[sflag:s29] =	ssyncadd.s32 $0xFFFFFFFF  }
0xb5: {  	_ =	strace $0x90000048  }
0xb6: {  	_ =	sfence  }
0xb7: {  	s30 =	sld [smem:$0x0];
	_ =	sdelay $0x2  }
0xb8: {  	s31 =	sshll.u32 s1, $0xD;
	s1 =	sshrl.u32 s1, $0x2  }
0xb9: {  	s3 =	sand.u32 $0x4000, s31;
	s1 =	sadd.s32 s1, s30  }
0xba: {  	s0 =	sor.u32 s3, s0;
	s1 =	sshll.u32 s1, $0x11  }
0xbb: {  	s0 =	sor.u32 s1, s0  }
0xbc: {  	s0 =	sadd.s32 $0x8F2B, s0  }
0xbd: {  	[sflag:s0] =	ssyncadd.remote.s32 $0x1  }
0xbe: {  	_ =	sfence.sel $0xFFFF  }
0xbf: {  	[dreg:$0x0] =	wrdreg $0xFFFFFFFF;
	(pc) =	sbr.abs _section_cstart, $3  }
0xc0: {  	[dreg:$0x1] =	wrdreg $0xFFFFFFFF  }
0xc1: {  	_ =	task.clear_ibuf [dreg:s6], $0x2FFFF;
	_ =	strace $0x9FFFFFFF  }
0xc2: {  	(tm) =	ssettm $0x7FFFFFFF  }
0xc3: {  	_ =	shalt  }
tec
execute0_lowered:
.L_overlay_start_1:
0x0: {  	(tag) =	ssettag $0x1  }
0x1: {  	s4 =	rddreg [dreg:$0x0];
	s1 =	srdreg.scid  }
0x2: {  	s0 =	stileid.u32;
	s2 =	rddreg [dreg:$0x1]  }
0x3: {  	s3 =	simm.s32 $0x0;
	s19 =	simm.s32 $0x80;
	s20 =	simm.s32 $0x16800  }
0x4: {  	s5 =	sand.u32 $0x1, s1;
	s1 =	rddreg [dreg:$0x2];
	s7 =	smul.u32 $0x50000, s0  }
0x5: {  	s6 =	sshll.u32 s0, $0x1;
	[smem:$0x7FF] =	sst s3;
	s8 =	smul.u32 $0x14000, s0  }
0x6: {  	s14 =	sadd.s32 $0x16E00, s4;
	s6 =	sor.u32 s5, s6;
	s16 =	smul.u32 $0x140000, s5  }
0x7: {  	_ =	strace $0x80000047;
	s30 =	ssub.s32 $0x2, s5;
	s6 =	smul.u32 $0x500, s6  }
0x8: {  	s31 =	sshrl.u32 s30, $0x1;
	s7 =	sshrl.u32 s7, $0x2;
	s10 =	sadd.s32 $0x4000, s8  }
0x9: {  	s12 =	sadd.s32 $0x8000, s8;
	s13 =	sadd.s32 $0xC000, s8;
	s17 =	sadd.s32 $0x10000, s8  }
0xa: {  	s15 =	ssub.s32 s30, s31;
	s5 =	sadd.s32 s10, s2;
	s11 =	sadd.s32 s8, s16  }
0xb: {  	s10 =	sadd.s32 s16, s10;
	s8 =	sadd.s32 s17, s2;
	s9 =	sadd.s32 s6, s4  }
0xc: {  	s4 =	sadd.s32 s7, s2;
	s6 =	sadd.s32 s12, s2;
	s7 =	sadd.s32 s13, s2  }
0xd: {  	s11 =	sshrl.u32 s11, $0x3;
	s18 =	sshrl.u32 s10, $0x3;
	s12 =	sadd.s32 s16, s12  }
0xe: {  	s13 =	sadd.s32 s16, s13;
	s16 =	sadd.s32 s16, s17;
	s15 =	smax.u32 s15, $0x1  }
0xf: {  	s17 =	simm.s32 $0x1;
	s9 =	sadd.s32 $0xCE00, s9;
	s10 =	sadd.s32 s14, s11  }
0x10: {  	s11 =	sadd.s32 s14, s18;
	s12 =	sshrl.u32 s12, $0x3;
	s13 =	sshrl.u32 s13, $0x3  }
0x11: {  	s16 =	sshrl.u32 s16, $0x3;
	s18 =	simm.s32 $0x14000;
	s12 =	sadd.s32 s14, s12  }
0x12: {  	v0 =	vimm.f32 $0.0e+00;
	v1 =	vimm.f32 $1.000000000e+00;
	s13 =	sadd.s32 s14, s13;
	s14 =	sadd.s32 s14, s16;
	s16 =	simm.s32 $0x1A800  }
.LBB2_1:
0x13: {  	s21 =	simm.s32 $0x0;
	s22 =	simm.s32 $0x200  }
.LBB2_2:
0x14: {  	p0 =	sne.s32 s22, $0xFE00;
	[tilespmem:s21+$0x16870] =	vst v1  }
0x15: {  	[tilespmem:s21+$0x1A800] =	vst v0  }
0x16: {  	[tilespmem:s21+$0x16800] =	vst v1  }
0x17: {  	[tilespmem:s21+$0x1A810] =	vst v0  }
0x18: {  	[tilespmem:s21+$0x16810] =	vst v1  }
0x19: {  	[tilespmem:s21+$0x1A820] =	vst v0  }
0x1a: {  	[tilespmem:s21+$0x16820] =	vst v1  }
0x1b: {  	[tilespmem:s21+$0x1A830] =	vst v0  }
0x1c: {  	[tilespmem:s21+$0x16830] =	vst v1  }
0x1d: {  	[tilespmem:s21+$0x1A840] =	vst v0  }
0x1e: {  	[tilespmem:s21+$0x16840] =	vst v1  }
.Ltmp0:
0x1f: {  	[tilespmem:s21+$0x1A850] =	vst v0;
	(pc) =	sbr.rel @p0 .LBB2_2-.Ltmp0, $4  }
0x20: {  	[tilespmem:s21+$0x16850] =	vst v1  }
0x21: {  	[tilespmem:s21+$0x1A860] =	vst v0  }
0x22: {  	[tilespmem:s21+$0x16860] =	vst v1  }
0x23: {  	[tilespmem:s21+$0x1A870] =	vst v0;
	s21 =	sshra.s32 s22, $0x2;
	s22 =	sadd.s32 $0x200, s22  }
0x24: {  	[tilespmem:s21+$0x16870] =	vst v1  }
0x25: {  	[tilespmem:s21+$0x1A800] =	vst v0  }
0x26: {  	[tilespmem:s21+$0x16800] =	vst v1  }
0x27: {  	[tilespmem:s21+$0x1A810] =	vst v0  }
0x28: {  	[tilespmem:s21+$0x16810] =	vst v1  }
0x29: {  	[tilespmem:s21+$0x1A820] =	vst v0  }
0x2a: {  	[tilespmem:s21+$0x16820] =	vst v1  }
0x2b: {  	[tilespmem:s21+$0x1A830] =	vst v0  }
0x2c: {  	[tilespmem:s21+$0x16830] =	vst v1  }
0x2d: {  	[tilespmem:s21+$0x1A840] =	vst v0  }
0x2e: {  	[tilespmem:s21+$0x16840] =	vst v1  }
0x2f: {  	[tilespmem:s21+$0x1A850] =	vst v0  }
0x30: {  	[tilespmem:s21+$0x16850] =	vst v1  }
0x31: {  	[tilespmem:s21+$0x1A860] =	vst v0  }
0x32: {  	[tilespmem:s21+$0x16860] =	vst v1  }
0x33: {  	[tilespmem:s21+$0x1A870] =	vst v0  }
0x34: {  	[spmem:s4] =	stream.linear.scatter [tilespmem:s16], [sflag:$0x1], $0x4000, $0x38;
	[tilespmem:$0x1E800] =	vst v63  }
0x35: {  	_ =	swait.ge [sflag:s17], $0x4000  }
0x36: {  	[sflag:s17] =	ssyncset.done $0x0  }
0x37: {  	[sflag:s17] =	ssyncadd.s32 $0xFFFFC000  }
0x38: {  	[spmem:s5] =	stream.linear.scatter [tilespmem:s16], [sflag:$0x1], $0x4000, $0x38;
	[tilespmem:$0x1E800] =	vst v63  }
0x39: {  	_ =	swait.ge [sflag:s17], $0x4000  }
0x3a: {  	[sflag:s17] =	ssyncset.done $0x0  }
0x3b: {  	[sflag:s17] =	ssyncadd.s32 $0xFFFFC000  }
0x3c: {  	[spmem:s6] =	stream.linear.scatter [tilespmem:s16], [sflag:$0x1], $0x4000, $0x38;
	[tilespmem:$0x1E800] =	vst v63  }
0x3d: {  	_ =	swait.ge [sflag:s17], $0x4000  }
0x3e: {  	[sflag:s17] =	ssyncset.done $0x0  }
0x3f: {  	[sflag:s17] =	ssyncadd.s32 $0xFFFFC000  }
0x40: {  	[spmem:s7] =	stream.linear.scatter [tilespmem:s16], [sflag:$0x1], $0x4000, $0x38;
	[tilespmem:$0x1E800] =	vst v63  }
0x41: {  	_ =	swait.ge [sflag:s17], $0x4000  }
0x42: {  	[sflag:s17] =	ssyncset.done $0x0  }
0x43: {  	[sflag:s17] =	ssyncadd.s32 $0xFFFFC000  }
0x44: {  	[spmem:s8] =	stream.linear.scatter [tilespmem:s16], [sflag:$0x1], $0x4000, $0x38;
	[tilespmem:$0x1E800] =	vst v63  }
0x45: {  	_ =	swait.ge [sflag:s17], $0x4000  }
0x46: {  	[sflag:s17] =	ssyncset.done $0x0  }
0x47: {  	s30 =	simm.s32 $0x0;
	[sflag:s17] =	ssyncadd.s32 $0xFFFFC000  }
0x48: {  	[tilespmem:s18], [sflag:$0x1] =	stream.linear.gather [hbm4b:s9+s30], $0x2800, $0x38;
	[tilespmem:$0x1E800] =	vst v63  }
0x49: {  	_ =	swait.ge [sflag:s17], $0x2800  }
0x4a: {  	[sflag:s17] =	ssyncset.done $0x0  }
0x4b: {  	[sflag:s17] =	ssyncadd.s32 $0xFFFFD800  }
0x4c: {  	s31 =	simm.s32 $0x14000;
	[bflag:$0x0] =	sbarrier.arrive $0xFFFF  }
0x4d: {  	[spmem:s2] =	stream.indirect.scatter.add.f32 [tilespmem:s20], [sflag:$0x1], $0x80, s31, s19, $0xb8;
	[tilespmem:$0x1E800] =	vst v63  }
0x4e: {  	s21 =	simm.s32 $0x200;
	_ =	swait.ge [sflag:s17], $0x4000  }
.LBB2_4:
0x4f: {  	s22 =	sshra.s32 s21, $0x2;
	[sflag:s17] =	ssyncset.done $0x0;
	p0 =	sne.s32 s21, $0x9E00  }
.Ltmp1:
0x50: {  	s22 =	sadd.s32 $0x14000, s22;
	[sflag:s17] =	ssyncadd.s32 $0xFFFFC000;
	(pc) =	sbr.rel @p0 .LBB2_4-.Ltmp1, $3  }
0x51: {  	[spmem:s2] =	stream.indirect.scatter.add.f32 [tilespmem:s20], [sflag:$0x1], $0x80, s22, s19, $0xb8;
	[tilespmem:$0x1E800] =	vst v63  }
0x52: {  	s21 =	sadd.s32 $0x200, s21;
	_ =	sdelay $0x1  }
0x53: {  	_ =	swait.ge [sflag:s17], $0x4000  }
0x54: {  	[sflag:s17] =	ssyncset.done $0x0  }
0x55: {  	s21 =	sshll.u32 s0, $0x6;
	[sflag:s17] =	ssyncadd.s32 $0xFFFFC000  }
0x56: {  	s22 =	sshrl.u32 s4, $0x3;
	s21 =	sor.u32 $0x1C01, s21;
	[bflag:$0x0] =	sbarrier.arrive $0xFFFF  }
0x57: {  	[hbm:s10], [sflag:s21] =	dma.local [spmem:s22], $0x800  }
0x58: {  	_ =	swait.ge [sflag:s17], $0x800  }
0x59: {  	[sflag:s17] =	ssyncset.done $0x0  }
0x5a: {  	s28 =	sshrl.u32 s5, $0x3;
	[sflag:s17] =	ssyncadd.s32 $0xFFFFF800  }
0x5b: {  	[hbm:s11], [sflag:s21] =	dma.local [spmem:s28], $0x800  }
0x5c: {  	_ =	swait.ge [sflag:s17], $0x800  }
0x5d: {  	[sflag:s17] =	ssyncset.done $0x0  }
0x5e: {  	s29 =	sshrl.u32 s6, $0x3;
	[sflag:s17] =	ssyncadd.s32 $0xFFFFF800  }
0x5f: {  	[hbm:s12], [sflag:s21] =	dma.local [spmem:s29], $0x800  }
0x60: {  	_ =	swait.ge [sflag:s17], $0x800  }
0x61: {  	[sflag:s17] =	ssyncset.done $0x0  }
0x62: {  	s30 =	sshrl.u32 s7, $0x3;
	[sflag:s17] =	ssyncadd.s32 $0xFFFFF800  }
0x63: {  	[hbm:s13], [sflag:s21] =	dma.local [spmem:s30], $0x800  }
0x64: {  	s3 =	sadd.s32 $0x1, s3;
	_ =	swait.ge [sflag:s17], $0x800  }
0x65: {  	p0 =	sne.s32 s3, s15;
	[sflag:s17] =	ssyncset.done $0x0  }
.Ltmp2:
0x66: {  	s31 =	sshrl.u32 s8, $0x3;
	[sflag:s17] =	ssyncadd.s32 $0xFFFFF800;
	(pc) =	sbr.rel @p0 .LBB2_1-.Ltmp2, $4  }
0x67: {  	[hbm:s14], [sflag:s21] =	dma.local [spmem:s31], $0x800  }
0x68: {  	_ =	swait.ge [sflag:s17], $0x800  }
0x69: {  	[sflag:s17] =	ssyncset.done $0x0  }
0x6a: {  	[sflag:s17] =	ssyncadd.s32 $0xFFFFF800  }
0x6b: {  	_ =	sfence.sel $0x180000  }
0x6c: {  	[bflag:$0x0] =	sbarrier.arrive $0xFFFF  }
0x6d: {  	p0 =	sne.s32 s0, $0x0;
	_ =	strace $0x90000047  }
0x6e: {  	s0 =	sadd.s32 @!p0 $0x100000, s1;
	[bflag:$0x2] =	sbarrier.arrive $0xFFFF  }
0x6f: {  	[sflag:s0] =	ssyncadd.tile.s32 @!p0 $0x1;
	_ =	shalt  }
.Lfunc_end2:
_tile_overlayer_lowered:
.L_overlay_start_2:
0x70: {  	(tag) =	ssettag $0x2  }
0x71: {  	s0 =	rddreg [dreg:$0x0];
	s2 =	stileid.u32  }
0x72: {  	s1 =	rddreg [dreg:$0x1];
	p0 =	sne.s32 s2, $0x0  }
0x73: {  	s3 =	rddreg [dreg:$0x2];
	[bflag:$0x3] =	sbarrier.arrive $0xFFFF;
	s2 =	simm.s32 @!p0 $0x1C01  }
0x74: {  	[timem:s3], [sflag:s2] =	dma.local @!p0 [hbm:s0], s1  }
0x75: {  	s0 =	simm.s32 @!p0 $0x1  }
0x76: {  	_ =	swait.ge @!p0 [sflag:s0], s1  }
0x77: {  	s1 =	ssub.s32 @!p0 $0x0, s1;
	[sflag:s0] =	ssyncset.done @!p0 $0x0  }
0x78: {  	[sflag:s0] =	ssyncadd.s32 @!p0 s1  }
0x79: {  	[bflag:$0x3] =	sbarrier.arrive $0xFFFF  }
0x7a: {  	_ =	shalt  }

</sc_bundles>
